<compile_context>
chip_gen: v7x
topology: tpu7x:2x2x1
jax: 0.10.2.dev20260603
libtpu: 0.0.44.dev20260713+nightly
codegen_flags: <defaults>
</compile_context>

<pallas_src>
import functools

import jax
import jax.numpy as jnp
from jax import lax
from jax.experimental import pallas as pl
from jax.experimental.pallas import tpu as pltpu
from jax.experimental.pallas import tpu_sc as plsc

NU, NI, NT = 5000, 4000, 1000
NN = NU + NI + NT
D = 128
E = 320000

NTILES = 32
CPT = D // NTILES
TBLW = NN * CPT
ACCW = NU * CPT
CHUNK = 2560
NB = CHUNK // 16
NCH = E // CHUNK


def _tc_pre_body(c_ref, o_ref, w1t_ref, b1_ref, w2t_ref, b2_ref,
                 eh_ref, p_ref, oo_ref):
    c = c_ref[...]
    h = jnp.dot(c, w1t_ref[...], preferred_element_type=jnp.float32)
    h = jnp.maximum(h + b1_ref[...], 0.0)
    h = jnp.dot(h, w2t_ref[...], preferred_element_type=jnp.float32)
    h = h + b2_ref[...]
    md = jnp.max(h, axis=0, keepdims=True)
    eh = jnp.exp(h - md)
    eh_ref[...] = eh
    p_ref[...] = eh * c
    oo_ref[...] = jnp.maximum(o_ref[...], 0.0)


_tc_pre = pl.pallas_call(
    _tc_pre_body,
    out_shape=[
        jax.ShapeDtypeStruct((NN, D), jnp.float32),
        jax.ShapeDtypeStruct((NN, D), jnp.float32),
        jax.ShapeDtypeStruct((NN, D), jnp.float32),
    ],
)


def _tc_post_body(num_ref, den_ref, offm_ref, emb_ref, off_ref):
    num = num_ref[...]
    den = den_ref[...]
    emb = num / (den + 1e-16)
    n2 = jnp.sum(emb * emb, axis=1, keepdims=True)
    emb_ref[...] = emb / jnp.maximum(jnp.sqrt(n2), 1e-12)
    off_ref[...] = jnp.maximum(offm_ref[...], 0.0)


_tc_post = pl.pallas_call(
    _tc_post_body,
    out_shape=[
        jax.ShapeDtypeStruct((NU, D), jnp.float32),
        jax.ShapeDtypeStruct((NU, D), jnp.float32),
    ],
)


def _sc_body(eh_hbm, p_hbm, o_hbm, g1_hbm, g2_hbm,
             den_hbm, num_hbm, off_hbm,
             tbl_a, tbl_b, acc_a, acc_b, eb0, eb1, sem0, sem1):
    wid = lax.axis_index("s") * 2 + lax.axis_index("c")

    def zero(acc, words):
        zv = jnp.zeros((16,), jnp.float32)

        @plsc.parallel_loop(0, words // 16, unroll=2)
        def zb(i):
            acc[pl.ds(i * 16, 16)] = zv

    def _start(src, dst, sem, ch):
        pltpu.make_async_copy(src.at[ch], dst, sem).start()

    def _wait(src, dst, sem, ch):
        pltpu.make_async_copy(src.at[ch], dst, sem).wait()

    def stream_edges(src, process):
        _start(src, eb0, sem0, 0)

        def body(g, carry):
            ch = g * 2

            @pl.when(ch + 1 < NCH)
            def _():
                _start(src, eb1, sem1, ch + 1)

            _wait(src, eb0, sem0, ch)
            process(eb0)

            @pl.when(ch + 2 < NCH)
            def _():
                _start(src, eb0, sem0, ch + 2)

            @pl.when(ch + 1 < NCH)
            def _():
                _wait(src, eb1, sem1, ch + 1)
                process(eb1)

            return carry

        lax.fori_loop(0, (NCH + 1) // 2, body, 0)

    def sum_process(ebuf):
        @plsc.parallel_loop(0, NB, unroll=4)
        def batch(i):
            heads = ebuf[pl.ds(i * 16, 16)]
            tails = ebuf[pl.ds(CHUNK + i * 16, 16)]
            msk = heads < NU
            hb = jnp.where(msk, heads, 0) * CPT
            tb = tails * CPT
            for c in range(CPT):
                v = plsc.load_gather(tbl_a, [tb + c])
                plsc.addupdate_scatter(acc_a, [hb + c], v, mask=msk)
                w = plsc.load_gather(tbl_b, [tb + c])
                plsc.addupdate_scatter(acc_b, [hb + c], w, mask=msk)

    def make_max_process(tail_lo):
        ILV = 2

        def max_process(ebuf):
            iota = lax.broadcasted_iota(jnp.int32, (16,), 0)

            def compact(i, cnt):
                heads = ebuf[pl.ds(i * 16, 16)]
                tails = ebuf[pl.ds(CHUNK + i * 16, 16)]
                msk = heads < NU
                if tail_lo:
                    msk = msk & (tails >= tail_lo)
                pos = cnt + plsc.cumsum(jnp.where(msk, 1, 0)) - 1
                pos = jnp.where(msk, pos, 0)
                plsc.store_scatter(ebuf, [pos], heads, mask=msk)
                plsc.store_scatter(ebuf, [pos + CHUNK], tails, mask=msk)
                return cnt + plsc.all_reduce_population_count(msk)

            cnt = lax.fori_loop(0, NB, compact, jnp.zeros((16,), jnp.int32))

            def pair(i):
                datas = []
                for k in range(ILV):
                    j = i * ILV + k
                    heads = ebuf[pl.ds(j * 16, 16)]
                    tails = ebuf[pl.ds(CHUNK + j * 16, 16)]
                    msk = (j * 16 + iota) < cnt
                    hb = jnp.where(msk, heads, 0) * CPT
                    tb = tails * CPT
                    idxs = [hb + c for c in range(CPT)]
                    vals = [plsc.load_gather(tbl_a, [tb + c])
                            for c in range(CPT)]
                    datas.append((msk, idxs, vals))

                def step(st):
                    needs = []
                    n = 0
                    for (msk, idxs, vals) in datas:
                        for c in range(CPT):
                            cur = plsc.load_gather(acc_a, [idxs[c]])
                            gate = msk if st is None else st[n]
                            need = gate & (vals[c] > cur)
                            plsc.store_scatter(acc_a, [idxs[c]], vals[c],
                                               mask=need)
                            needs.append(need)
                            n += 1
                    out = []
                    n = 0
                    for (msk, idxs, vals) in datas:
                        for c in range(CPT):
                            cur2 = plsc.load_gather(acc_a, [idxs[c]])
                            out.append(needs[n] & (cur2 < vals[c]))
                            n += 1
                    return tuple(out)

                lost = step(None)

                def wcond(st):
                    m = st[0]
                    for s in st[1:]:
                        m = m | s
                    return jnp.any(m)

                lax.while_loop(wcond, step, lost)
                return i + 1

            lax.while_loop(lambda i: jnp.any(i * (16 * ILV) < cnt), pair, 0)

        return max_process

    with jax.named_scope("sc_sums"):
        pltpu.sync_copy(eh_hbm.at[wid], tbl_a)
        pltpu.sync_copy(p_hbm.at[wid], tbl_b)
        zero(acc_a, ACCW)
        zero(acc_b, ACCW)
        stream_edges(g1_hbm, sum_process)
        pltpu.sync_copy(acc_a, den_hbm.at[wid])
        pltpu.sync_copy(acc_b, num_hbm.at[wid])

    with jax.named_scope("sc_max"):
        pltpu.sync_copy(o_hbm.at[wid], tbl_a)
        zero(acc_a, ACCW)
        stream_edges(g1_hbm, make_max_process(NU))
        stream_edges(g2_hbm, make_max_process(0))
        pltpu.sync_copy(acc_a, off_hbm.at[wid])


_sc_call = pl.kernel(
    _sc_body,
    out_type=(
        jax.ShapeDtypeStruct((NTILES, ACCW), jnp.float32),
        jax.ShapeDtypeStruct((NTILES, ACCW), jnp.float32),
        jax.ShapeDtypeStruct((NTILES, ACCW), jnp.float32),
    ),
    mesh=plsc.VectorSubcoreMesh(core_axis_name="c", subcore_axis_name="s"),
    compiler_params=pltpu.CompilerParams(needs_layout_passes=False),
    scratch_types=[
        pltpu.VMEM((TBLW,), jnp.float32),
        pltpu.VMEM((TBLW,), jnp.float32),
        pltpu.VMEM((ACCW,), jnp.float32),
        pltpu.VMEM((ACCW,), jnp.float32),
        pltpu.VMEM((2 * CHUNK,), jnp.int32),
        pltpu.VMEM((2 * CHUNK,), jnp.int32),
        pltpu.SemaphoreType.DMA,
        pltpu.SemaphoreType.DMA,
    ],
)


def _slab(x):
    return x.reshape(NN, NTILES, CPT).transpose(1, 0, 2).reshape(NTILES, TBLW)


def _unslab(x):
    return x.reshape(NTILES, NU, CPT).transpose(1, 0, 2).reshape(NU, D)


def _pack_edges(g):
    return (g.reshape(2, NCH, CHUNK).transpose(1, 0, 2)
             .reshape(NCH, 2 * CHUNK))


def kernel(user_center, user_offset, item_center, item_offset, tag_center,
           tag_offset, graph1, graph2, visit_time, Wc1, bc1, Wc2, bc2,
           Wt1, bt1, Wt2, bt2):
    all_center = jnp.concatenate([user_center, item_center, tag_center], axis=0)
    all_offset = jnp.concatenate([user_offset, item_offset, tag_offset], axis=0)

    eh, p, oo = _tc_pre(all_center, all_offset,
                        Wc1.T, bc1.reshape(1, D),
                        Wc2.T, bc2.reshape(1, D))

    den_s, num_s, off_s = _sc_call(
        _slab(eh), _slab(p), _slab(oo),
        _pack_edges(graph1), _pack_edges(graph2))

    emb, off = _tc_post(_unslab(num_s), _unslab(den_s), _unslab(off_s))
    return emb, off

# --- scband reference (transcript-rebuilt; emitter-appended) ---
"""Pipeline reference for scband-graph-conv-89154931130782 (READ-ONLY COPY).

The authoritative reference and input builder live on the scoring server;
editing this copy changes nothing except your own understanding.
"""

import jax, jax.numpy as jnp
import numpy as np

NU, NI, NT = 5000, 4000, 1000
NN = NU + NI + NT
D = 128
E = 320000

def _linear(x, W, b):
    return x @ W.T + b

def _scatter_softmax(src, index, num_segments):
    m = jax.ops.segment_max(src, index, num_segments=num_segments)
    m = jnp.where(jnp.isfinite(m), m, 0.0)
    m = jax.lax.stop_gradient(m)
    ex = jnp.exp(src - m[index])
    den = jax.ops.segment_sum(ex, index, num_segments=num_segments)
    return ex / (den[index] + 1e-16)

def _scatter_max0(src, index, num_segments):
    out = jax.ops.segment_max(src, index, num_segments=num_segments)
    return jnp.where(jnp.isfinite(out), out, 0.0)

def _center_net(emb, idx, dim_size, Wc1, bc1, Wc2, bc2):
    h = jax.nn.relu(_linear(emb, Wc1, bc1))
    h = _linear(h, Wc2, bc2)
    att = _scatter_softmax(h, idx, dim_size)
    return jax.ops.segment_sum(att * emb, idx, num_segments=dim_size)

def _normalize(x):
    n = jnp.linalg.norm(x, axis=1, keepdims=True)
    return x / jnp.maximum(n, 1e-12)

def _xavier(key, shape):
    lim = float(np.sqrt(6.0 / (shape[0] + shape[1])))
    return jax.random.uniform(key, shape, dtype=jnp.float32, minval=-lim, maxval=lim)

def setup_inputs(seed: int = 0):
    key = jax.random.key(seed)
    ks = jax.random.split(key, 16)
    inp = {}
    inp['user_center'] = jax.random.normal(ks[0], (NU, D), dtype=jnp.float32)
    inp['user_offset'] = jax.random.normal(ks[1], (NU, D), dtype=jnp.float32)
    inp['item_center'] = jax.random.normal(ks[2], (NI, D), dtype=jnp.float32)
    inp['item_offset'] = jax.random.normal(ks[3], (NI, D), dtype=jnp.float32)
    inp['tag_center'] = jax.random.normal(ks[4], (NT, D), dtype=jnp.float32)
    inp['tag_offset'] = jax.random.normal(ks[5], (NT, D), dtype=jnp.float32)
    inp['graph1'] = jax.random.randint(ks[6], (2, E), 0, NN, dtype=jnp.int32)
    inp['graph2'] = jax.random.randint(ks[7], (2, E), 0, NN, dtype=jnp.int32)
    inp['visit_time'] = jax.random.uniform(ks[8], (NU,), dtype=jnp.float32, minval=0.5, maxval=5.0)
    inp['Wc1'] = _xavier(ks[9], (D, D))
    inp['bc1'] = jnp.zeros((D,), dtype=jnp.float32)
    inp['Wc2'] = _xavier(ks[10], (D, D))
    inp['bc2'] = jnp.zeros((D,), dtype=jnp.float32)
    inp['Wt1'] = _xavier(ks[11], (1, 1))
    inp['bt1'] = jnp.zeros((1,), dtype=jnp.float32)
    inp['Wt2'] = _xavier(ks[12], (1, 1))
    inp['bt2'] = jnp.zeros((1,), dtype=jnp.float32)
    return inp

def reference(user_center, user_offset, item_center, item_offset, tag_center, tag_offset, graph1, graph2, visit_time, Wc1, bc1, Wc2, bc2, Wt1, bt1, Wt2, bt2):
    all_center = jnp.concatenate([user_center, item_center, tag_center], axis=0)
    all_offset = jax.nn.relu(jnp.concatenate([user_offset, item_offset, tag_offset], axis=0))
    head1, tail1 = graph1[0], graph1[1]
    hist = all_center[tail1]
    uc1 = _center_net(hist, head1, NN, Wc1, bc1, Wc2, bc2)[:NU]
    uc1 = _normalize(uc1)
    m_inter1 = (head1 < NU) & (tail1 >= NU) & (tail1 < NU + NI)
    inter1 = _scatter_max0(jax.nn.relu(all_offset[tail1]), jnp.where(m_inter1, head1, NN), NN)[:NU]
    m_ut1 = (head1 < NU) & (tail1 >= NU + NI)
    ut1 = _scatter_max0(jax.nn.relu(all_offset[tail1]), jnp.where(m_ut1, head1, NN), NN)[:NU]
    head2, tail2 = graph2[0], graph2[1]
    m_eu = (head2 < NU) & (tail2 >= NU)
    agg1 = _center_net(all_center[tail2], jnp.where(m_eu, head2, NU), NU, Wc1, bc1, Wc2, bc2)
    t = (1.0 / visit_time).reshape(-1, 1)
    t = jax.nn.relu(_linear(t, Wt1, bt1))
    t = _linear(t, Wt2, bt2)
    t = jax.nn.softmax(t, axis=0)
    agg2 = agg1 * t
    m_uu = (head2 < NU) & (tail2 < NU)
    uc2 = _normalize(_center_net(agg2[jnp.where(m_uu, tail2, 0)], jnp.where(m_uu, head2, NU), NU, Wc1, bc1, Wc2, bc2))
    lam = 1.0
    user_final_emb = lam * uc1 + (1.0 - lam) * uc2
    m_inter2 = (head2 < NU) & (tail2 >= NU) & (tail2 < NU + NI)
    inter2 = _scatter_max0(jax.nn.relu(all_offset[tail2]), jnp.where(m_inter2, head2, NN), NN)[:NU]
    m_ut2 = (head2 < NU) & (tail2 >= NU + NI)
    ut2 = _scatter_max0(jax.nn.relu(all_offset[tail2]), jnp.where(m_ut2, head2, NN), NN)[:NU]
    uu_off = _scatter_max0(jax.nn.relu(all_offset[tail2]), jnp.where(m_uu, head2, NU), NU)
    cat = jnp.concatenate([inter1, ut1, inter2, ut2, uu_off], axis=0)
    union_idx = jnp.concatenate([jnp.arange(NU, dtype=jnp.int32)] * 5, axis=0)
    user_final_offset = jax.nn.relu(_scatter_max0(cat, union_idx, NU))
    return (user_final_emb, user_final_offset)

if __name__ == "__main__":
    import jax
    _d = setup_inputs()
    print(jax.jit(kernel)(*tuple(_d.values())))

</pallas_src>

<mosaic_0001>
#map = affine_map<(d0, d1) -> (0, 0)>
module attributes {stable_mosaic.version = 14 : i64} {
  func.func @_sc_body(%arg0: i32, %arg1: i32, %arg2: memref<32x40000xf32, #tpu.memory_space<hbm>>, %arg3: memref<32x40000xf32, #tpu.memory_space<hbm>>, %arg4: memref<32x40000xf32, #tpu.memory_space<hbm>>, %arg5: memref<125x5120xi32, #tpu.memory_space<hbm>>, %arg6: memref<125x5120xi32, #tpu.memory_space<hbm>>, %arg7: memref<32x20000xf32, #tpu.memory_space<hbm>>, %arg8: memref<32x20000xf32, #tpu.memory_space<hbm>>, %arg9: memref<32x20000xf32, #tpu.memory_space<hbm>>, %arg10: memref<40000xf32, #tpu.memory_space<vmem>>, %arg11: memref<40000xf32, #tpu.memory_space<vmem>>, %arg12: memref<20000xf32, #tpu.memory_space<vmem>>, %arg13: memref<20000xf32, #tpu.memory_space<vmem>>, %arg14: memref<5120xi32, #tpu.memory_space<vmem>>, %arg15: memref<5120xi32, #tpu.memory_space<vmem>>, %arg16: memref<!tpu.dma_semaphore, #tpu.memory_space<semaphore_mem>>, %arg17: memref<!tpu.dma_semaphore, #tpu.memory_space<semaphore_mem>>) attributes {dimension_semantics = [#tpu.dimension_semantics<core_parallel>, #tpu.dimension_semantics<subcore_parallel>], iteration_bounds = array<i64: 2, 16>, scalar_prefetch = 0 : i64, scratch_operands = 8 : i64, tpu.core_type = #tpu.core_type<sc_vector_subcore>, window_params = [{transform_indices = #map}, {transform_indices = #map}, {transform_indices = #map}, {transform_indices = #map}, {transform_indices = #map}, {transform_indices = #map}, {transform_indices = #map}, {transform_indices = #map}]} {
    %mul3A = arith.constant 2 : i32
    %mul3A_0 = arith.muli %arg1, %mul3A : i32
    %add3A = arith.addi %mul3A_0, %arg0 : i32
    "tpu.trace_start"() <{level = 10 : i32, message = "sc_sums"}> : () -> ()
    "tpu.region"() ({
      %run_scoped3A = tpu.sem_alloc : memref<!tpu.dma_semaphore, #tpu.memory_space<semaphore_mem>>
      %dma_start3A_51 = arith.constant 0 : i32
      %dma_start3A_52 = tpu.memref_slice %arg2[%add3A, %dma_start3A_51] : memref<32x40000xf32, #tpu.memory_space<hbm>> -> memref<1x40000xf32, #tpu.memory_space<hbm>>
      %dma_start3A_53 = tpu.memref_squeeze %dma_start3A_52 : memref<1x40000xf32, #tpu.memory_space<hbm>> -> memref<40000xf32, #tpu.memory_space<hbm>>
      %dma_start3A_54 = arith.constant 0 : i32
      %dma_start3A_55 = tpu.memref_slice %arg2[%add3A, %dma_start3A_54] : memref<32x40000xf32, #tpu.memory_space<hbm>> -> memref<1x40000xf32, #tpu.memory_space<hbm>>
      %dma_start3A_56 = tpu.memref_squeeze %dma_start3A_55 : memref<1x40000xf32, #tpu.memory_space<hbm>> -> memref<40000xf32, #tpu.memory_space<hbm>>
      tpu.enqueue_dma source(%dma_start3A_56 : memref<40000xf32, #tpu.memory_space<hbm>>) target(%arg10 : memref<40000xf32, #tpu.memory_space<vmem>>) target_semaphore(%run_scoped3A : memref<!tpu.dma_semaphore, #tpu.memory_space<semaphore_mem>>)
      %dma_wait3A = arith.constant 0 : i32
      %dma_wait3A_57 = tpu.memref_slice %arg2[%add3A, %dma_wait3A] : memref<32x40000xf32, #tpu.memory_space<hbm>> -> memref<1x40000xf32, #tpu.memory_space<hbm>>
      %dma_wait3A_58 = tpu.memref_squeeze %dma_wait3A_57 : memref<1x40000xf32, #tpu.memory_space<hbm>> -> memref<40000xf32, #tpu.memory_space<hbm>>
      %dma_wait3A_59 = arith.constant 0 : i32
      %dma_wait3A_60 = tpu.memref_slice %arg2[%add3A, %dma_wait3A_59] : memref<32x40000xf32, #tpu.memory_space<hbm>> -> memref<1x40000xf32, #tpu.memory_space<hbm>>
      %dma_wait3A_61 = tpu.memref_squeeze %dma_wait3A_60 : memref<1x40000xf32, #tpu.memory_space<hbm>> -> memref<40000xf32, #tpu.memory_space<hbm>>
      tpu.wait_dma2 semaphore(%run_scoped3A : memref<!tpu.dma_semaphore, #tpu.memory_space<semaphore_mem>>) src(%dma_wait3A_61 : memref<40000xf32, #tpu.memory_space<hbm>>) dst(%arg10 : memref<40000xf32, #tpu.memory_space<vmem>>)
      tpu.yield
    }) : () -> ()
    "tpu.region"() ({
      %run_scoped3A = tpu.sem_alloc : memref<!tpu.dma_semaphore, #tpu.memory_space<semaphore_mem>>
      %dma_start3A_51 = arith.constant 0 : i32
      %dma_start3A_52 = tpu.memref_slice %arg3[%add3A, %dma_start3A_51] : memref<32x40000xf32, #tpu.memory_space<hbm>> -> memref<1x40000xf32, #tpu.memory_space<hbm>>
      %dma_start3A_53 = tpu.memref_squeeze %dma_start3A_52 : memref<1x40000xf32, #tpu.memory_space<hbm>> -> memref<40000xf32, #tpu.memory_space<hbm>>
      %dma_start3A_54 = arith.constant 0 : i32
      %dma_start3A_55 = tpu.memref_slice %arg3[%add3A, %dma_start3A_54] : memref<32x40000xf32, #tpu.memory_space<hbm>> -> memref<1x40000xf32, #tpu.memory_space<hbm>>
      %dma_start3A_56 = tpu.memref_squeeze %dma_start3A_55 : memref<1x40000xf32, #tpu.memory_space<hbm>> -> memref<40000xf32, #tpu.memory_space<hbm>>
      tpu.enqueue_dma source(%dma_start3A_56 : memref<40000xf32, #tpu.memory_space<hbm>>) target(%arg11 : memref<40000xf32, #tpu.memory_space<vmem>>) target_semaphore(%run_scoped3A : memref<!tpu.dma_semaphore, #tpu.memory_space<semaphore_mem>>)
      %dma_wait3A = arith.constant 0 : i32
      %dma_wait3A_57 = tpu.memref_slice %arg3[%add3A, %dma_wait3A] : memref<32x40000xf32, #tpu.memory_space<hbm>> -> memref<1x40000xf32, #tpu.memory_space<hbm>>
      %dma_wait3A_58 = tpu.memref_squeeze %dma_wait3A_57 : memref<1x40000xf32, #tpu.memory_space<hbm>> -> memref<40000xf32, #tpu.memory_space<hbm>>
      %dma_wait3A_59 = arith.constant 0 : i32
      %dma_wait3A_60 = tpu.memref_slice %arg3[%add3A, %dma_wait3A_59] : memref<32x40000xf32, #tpu.memory_space<hbm>> -> memref<1x40000xf32, #tpu.memory_space<hbm>>
      %dma_wait3A_61 = tpu.memref_squeeze %dma_wait3A_60 : memref<1x40000xf32, #tpu.memory_space<hbm>> -> memref<40000xf32, #tpu.memory_space<hbm>>
      tpu.wait_dma2 semaphore(%run_scoped3A : memref<!tpu.dma_semaphore, #tpu.memory_space<semaphore_mem>>) src(%dma_wait3A_61 : memref<40000xf32, #tpu.memory_space<hbm>>) dst(%arg11 : memref<40000xf32, #tpu.memory_space<vmem>>)
      tpu.yield
    }) : () -> ()
    %broadcast_in_dim3A = arith.constant 0.000000e+00 : f32
    %broadcast_in_dim3A_1 = vector.broadcast %broadcast_in_dim3A : f32 to vector<16xf32>
    %parallel_loop3A = arith.constant 0 : i32
    %parallel_loop3A_2 = arith.constant 1250 : i32
    %parallel_loop3A_3 = arith.constant 1 : i32
    scf.for %parallel_loop3A_51 = %parallel_loop3A to %parallel_loop3A_2 step %parallel_loop3A_3  : i32 {
      %parallel_loop3A_52 = arith.constant 16 : i32
      %parallel_loop3A_53 = arith.muli %parallel_loop3A_51, %parallel_loop3A_52 : i32
      %parallel_loop3A_54 = arith.index_cast %parallel_loop3A_53 : i32 to index
      %parallel_loop3A_55 = tpu.vector_load %arg12[%parallel_loop3A_54] {strides = array<i32>} : memref<20000xf32, #tpu.memory_space<vmem>>, vector<16xf32>,
      tpu.vector_store %arg12[%parallel_loop3A_54], %broadcast_in_dim3A_1 {strides = array<i32>} : memref<20000xf32, #tpu.memory_space<vmem>>, vector<16xf32>,
    } {sc.loop_unroll_factor = 2 : i64, sc.parallel_access}
    %broadcast_in_dim3A_4 = arith.constant 0.000000e+00 : f32
    %broadcast_in_dim3A_5 = vector.broadcast %broadcast_in_dim3A_4 : f32 to vector<16xf32>
    %parallel_loop3A_6 = arith.constant 0 : i32
    %parallel_loop3A_7 = arith.constant 1250 : i32
    %parallel_loop3A_8 = arith.constant 1 : i32
    scf.for %parallel_loop3A_51 = %parallel_loop3A_6 to %parallel_loop3A_7 step %parallel_loop3A_8  : i32 {
      %parallel_loop3A_52 = arith.constant 16 : i32
      %parallel_loop3A_53 = arith.muli %parallel_loop3A_51, %parallel_loop3A_52 : i32
      %parallel_loop3A_54 = arith.index_cast %parallel_loop3A_53 : i32 to index
      %parallel_loop3A_55 = tpu.vector_load %arg13[%parallel_loop3A_54] {strides = array<i32>} : memref<20000xf32, #tpu.memory_space<vmem>>, vector<16xf32>,
      tpu.vector_store %arg13[%parallel_loop3A_54], %broadcast_in_dim3A_5 {strides = array<i32>} : memref<20000xf32, #tpu.memory_space<vmem>>, vector<16xf32>,
    } {sc.loop_unroll_factor = 2 : i64, sc.parallel_access}
    %dma_start3A = arith.constant 0 : i32
    %dma_start3A_9 = arith.constant 0 : i32
    %dma_start3A_10 = tpu.memref_slice %arg5[%dma_start3A, %dma_start3A_9] : memref<125x5120xi32, #tpu.memory_space<hbm>> -> memref<1x5120xi32, #tpu.memory_space<hbm>>
    %dma_start3A_11 = tpu.memref_squeeze %dma_start3A_10 : memref<1x5120xi32, #tpu.memory_space<hbm>> -> memref<5120xi32, #tpu.memory_space<hbm>>
    %dma_start3A_12 = arith.constant 0 : i32
    %dma_start3A_13 = tpu.memref_slice %arg5[%dma_start3A, %dma_start3A_12] : memref<125x5120xi32, #tpu.memory_space<hbm>> -> memref<1x5120xi32, #tpu.memory_space<hbm>>
    %dma_start3A_14 = tpu.memref_squeeze %dma_start3A_13 : memref<1x5120xi32, #tpu.memory_space<hbm>> -> memref<5120xi32, #tpu.memory_space<hbm>>
    tpu.enqueue_dma source(%dma_start3A_14 : memref<5120xi32, #tpu.memory_space<hbm>>) target(%arg14 : memref<5120xi32, #tpu.memory_space<vmem>>) target_semaphore(%arg16 : memref<!tpu.dma_semaphore, #tpu.memory_space<semaphore_mem>>)
    %scan3A = arith.constant 0 : i32
    %scan3A_15 = arith.constant 0 : i32
    %scan3A_16 = arith.constant 63 : i32
    %scan3A_17 = arith.addi %scan3A_15, %scan3A_16 : i32
    %scan3A_18 = arith.constant 1 : i32
    scf.for %scan3A_51 = %scan3A_15 to %scan3A_17 step %scan3A_18  : i32 {
      %mul3A_52 = arith.constant 2 : i32
      %mul3A_53 = arith.muli %scan3A_51, %mul3A_52 : i32
      %add3A_54 = arith.constant 1 : i32
      %add3A_55 = arith.addi %mul3A_53, %add3A_54 : i32
      %lt3A = arith.constant 125 : i32
      %lt3A_56 = arith.cmpi slt, %add3A_55, %lt3A : i32
      %convert_element_type3A = arith.extui %lt3A_56 : i1 to i32
      %cond3A = arith.constant 0 : i32
      %cond3A_57 = arith.cmpi ne, %convert_element_type3A, %cond3A : i32
      scf.if %cond3A_57 {
        %add3A_80 = arith.constant 1 : i32
        %add3A_81 = arith.addi %mul3A_53, %add3A_80 : i32
        %dma_start3A_82 = arith.constant 0 : i32
        %dma_start3A_83 = tpu.memref_slice %arg5[%add3A_81, %dma_start3A_82] : memref<125x5120xi32, #tpu.memory_space<hbm>> -> memref<1x5120xi32, #tpu.memory_space<hbm>>
        %dma_start3A_84 = tpu.memref_squeeze %dma_start3A_83 : memref<1x5120xi32, #tpu.memory_space<hbm>> -> memref<5120xi32, #tpu.memory_space<hbm>>
        %dma_start3A_85 = arith.constant 0 : i32
        %dma_start3A_86 = tpu.memref_slice %arg5[%add3A_81, %dma_start3A_85] : memref<125x5120xi32, #tpu.memory_space<hbm>> -> memref<1x5120xi32, #tpu.memory_space<hbm>>
        %dma_start3A_87 = tpu.memref_squeeze %dma_start3A_86 : memref<1x5120xi32, #tpu.memory_space<hbm>> -> memref<5120xi32, #tpu.memory_space<hbm>>
        tpu.enqueue_dma source(%dma_start3A_87 : memref<5120xi32, #tpu.memory_space<hbm>>) target(%arg15 : memref<5120xi32, #tpu.memory_space<vmem>>) target_semaphore(%arg17 : memref<!tpu.dma_semaphore, #tpu.memory_space<semaphore_mem>>)
      } else {
      }
      %dma_wait3A = arith.constant 0 : i32
      %dma_wait3A_58 = tpu.memref_slice %arg5[%mul3A_53, %dma_wait3A] : memref<125x5120xi32, #tpu.memory_space<hbm>> -> memref<1x5120xi32, #tpu.memory_space<hbm>>
      %dma_wait3A_59 = tpu.memref_squeeze %dma_wait3A_58 : memref<1x5120xi32, #tpu.memory_space<hbm>> -> memref<5120xi32, #tpu.memory_space<hbm>>
      %dma_wait3A_60 = arith.constant 0 : i32
      %dma_wait3A_61 = tpu.memref_slice %arg5[%mul3A_53, %dma_wait3A_60] : memref<125x5120xi32, #tpu.memory_space<hbm>> -> memref<1x5120xi32, #tpu.memory_space<hbm>>
      %dma_wait3A_62 = tpu.memref_squeeze %dma_wait3A_61 : memref<1x5120xi32, #tpu.memory_space<hbm>> -> memref<5120xi32, #tpu.memory_space<hbm>>
      tpu.wait_dma2 semaphore(%arg16 : memref<!tpu.dma_semaphore, #tpu.memory_space<semaphore_mem>>) src(%dma_wait3A_62 : memref<5120xi32, #tpu.memory_space<hbm>>) dst(%arg14 : memref<5120xi32, #tpu.memory_space<vmem>>)
      %parallel_loop3A_63 = arith.constant 0 : i32
      %parallel_loop3A_64 = arith.constant 160 : i32
      %parallel_loop3A_65 = arith.constant 1 : i32
      scf.for %parallel_loop3A_80 = %parallel_loop3A_63 to %parallel_loop3A_64 step %parallel_loop3A_65  : i32 {
        %parallel_loop3A_81 = arith.constant 16 : i32
        %parallel_loop3A_82 = arith.muli %parallel_loop3A_80, %parallel_loop3A_81 : i32
        %parallel_loop3A_83 = arith.index_cast %parallel_loop3A_82 : i32 to index
        %parallel_loop3A_84 = tpu.vector_load %arg14[%parallel_loop3A_83] {strides = array<i32>} : memref<5120xi32, #tpu.memory_space<vmem>>, vector<16xi32>,
        %parallel_loop3A_85 = arith.constant 16 : i32
        %parallel_loop3A_86 = arith.muli %parallel_loop3A_80, %parallel_loop3A_85 : i32
        %parallel_loop3A_87 = arith.constant 2560 : i32
        %parallel_loop3A_88 = arith.addi %parallel_loop3A_87, %parallel_loop3A_86 : i32
        %parallel_loop3A_89 = arith.index_cast %parallel_loop3A_88 : i32 to index
        %parallel_loop3A_90 = tpu.vector_load %arg14[%parallel_loop3A_89] {strides = array<i32>} : memref<5120xi32, #tpu.memory_space<vmem>>, vector<16xi32>,
        %parallel_loop3A_91 = arith.constant 5000 : i32
        %parallel_loop3A_92 = vector.broadcast %parallel_loop3A_91 : i32 to vector<16xi32>
        %parallel_loop3A_93 = arith.cmpi slt, %parallel_loop3A_84, %parallel_loop3A_92 : vector<16xi32>
        %parallel_loop3A_94 = arith.constant 0 : i32
        %parallel_loop3A_95 = vector.broadcast %parallel_loop3A_94 : i32 to vector<16xi32>
        %parallel_loop3A_96 = arith.select %parallel_loop3A_93, %parallel_loop3A_84, %parallel_loop3A_95 : vector<16xi1>, vector<16xi32>
        %parallel_loop3A_97 = arith.constant 4 : i32
        %parallel_loop3A_98 = vector.broadcast %parallel_loop3A_97 : i32 to vector<16xi32>
        %parallel_loop3A_99 = arith.muli %parallel_loop3A_96, %parallel_loop3A_98 : vector<16xi32>
        %parallel_loop3A_100 = arith.constant 4 : i32
        %parallel_loop3A_101 = vector.broadcast %parallel_loop3A_100 : i32 to vector<16xi32>
        %parallel_loop3A_102 = arith.muli %parallel_loop3A_90, %parallel_loop3A_101 : vector<16xi32>
        %parallel_loop3A_103 = arith.constant 0 : i32
        %parallel_loop3A_104 = vector.broadcast %parallel_loop3A_103 : i32 to vector<16xi32>
        %parallel_loop3A_105 = arith.addi %parallel_loop3A_102, %parallel_loop3A_104 : vector<16xi32>
        %parallel_loop3A_106 = tpu.vector_load_idx %arg10[%parallel_loop3A_105] : memref<40000xf32, #tpu.memory_space<vmem>>[vector<16xi32>], vector<16xf32>,
        %parallel_loop3A_107 = arith.constant 0 : i32
        %parallel_loop3A_108 = vector.broadcast %parallel_loop3A_107 : i32 to vector<16xi32>
        %parallel_loop3A_109 = arith.addi %parallel_loop3A_99, %parallel_loop3A_108 : vector<16xi32>
        tpu.vector_store_idx %arg12[%parallel_loop3A_109], %parallel_loop3A_106 masked %parallel_loop3A_93 {add = true} : memref<20000xf32, #tpu.memory_space<vmem>>[vector<16xi32>], vector<16xf32>, vector<16xi1>
        %parallel_loop3A_110 = arith.constant 0 : i32
        %parallel_loop3A_111 = vector.broadcast %parallel_loop3A_110 : i32 to vector<16xi32>
        %parallel_loop3A_112 = arith.addi %parallel_loop3A_102, %parallel_loop3A_111 : vector<16xi32>
        %parallel_loop3A_113 = tpu.vector_load_idx %arg11[%parallel_loop3A_112] : memref<40000xf32, #tpu.memory_space<vmem>>[vector<16xi32>], vector<16xf32>,
        %parallel_loop3A_114 = arith.constant 0 : i32
        %parallel_loop3A_115 = vector.broadcast %parallel_loop3A_114 : i32 to vector<16xi32>
        %parallel_loop3A_116 = arith.addi %parallel_loop3A_99, %parallel_loop3A_115 : vector<16xi32>
        tpu.vector_store_idx %arg13[%parallel_loop3A_116], %parallel_loop3A_113 masked %parallel_loop3A_93 {add = true} : memref<20000xf32, #tpu.memory_space<vmem>>[vector<16xi32>], vector<16xf32>, vector<16xi1>
        %parallel_loop3A_117 = arith.constant 1 : i32
        %parallel_loop3A_118 = vector.broadcast %parallel_loop3A_117 : i32 to vector<16xi32>
        %parallel_loop3A_119 = arith.addi %parallel_loop3A_102, %parallel_loop3A_118 : vector<16xi32>
        %parallel_loop3A_120 = tpu.vector_load_idx %arg10[%parallel_loop3A_119] : memref<40000xf32, #tpu.memory_space<vmem>>[vector<16xi32>], vector<16xf32>,
        %parallel_loop3A_121 = arith.constant 1 : i32
        %parallel_loop3A_122 = vector.broadcast %parallel_loop3A_121 : i32 to vector<16xi32>
        %parallel_loop3A_123 = arith.addi %parallel_loop3A_99, %parallel_loop3A_122 : vector<16xi32>
        tpu.vector_store_idx %arg12[%parallel_loop3A_123], %parallel_loop3A_120 masked %parallel_loop3A_93 {add = true} : memref<20000xf32, #tpu.memory_space<vmem>>[vector<16xi32>], vector<16xf32>, vector<16xi1>
        %parallel_loop3A_124 = arith.constant 1 : i32
        %parallel_loop3A_125 = vector.broadcast %parallel_loop3A_124 : i32 to vector<16xi32>
        %parallel_loop3A_126 = arith.addi %parallel_loop3A_102, %parallel_loop3A_125 : vector<16xi32>
        %parallel_loop3A_127 = tpu.vector_load_idx %arg11[%parallel_loop3A_126] : memref<40000xf32, #tpu.memory_space<vmem>>[vector<16xi32>], vector<16xf32>,
        %parallel_loop3A_128 = arith.constant 1 : i32
        %parallel_loop3A_129 = vector.broadcast %parallel_loop3A_128 : i32 to vector<16xi32>
        %parallel_loop3A_130 = arith.addi %parallel_loop3A_99, %parallel_loop3A_129 : vector<16xi32>
        tpu.vector_store_idx %arg13[%parallel_loop3A_130], %parallel_loop3A_127 masked %parallel_loop3A_93 {add = true} : memref<20000xf32, #tpu.memory_space<vmem>>[vector<16xi32>], vector<16xf32>, vector<16xi1>
        %parallel_loop3A_131 = arith.constant 2 : i32
        %parallel_loop3A_132 = vector.broadcast %parallel_loop3A_131 : i32 to vector<16xi32>
        %parallel_loop3A_133 = arith.addi %parallel_loop3A_102, %parallel_loop3A_132 : vector<16xi32>
        %parallel_loop3A_134 = tpu.vector_load_idx %arg10[%parallel_loop3A_133] : memref<40000xf32, #tpu.memory_space<vmem>>[vector<16xi32>], vector<16xf32>,
        %parallel_loop3A_135 = arith.constant 2 : i32
        %parallel_loop3A_136 = vector.broadcast %parallel_loop3A_135 : i32 to vector<16xi32>
        %parallel_loop3A_137 = arith.addi %parallel_loop3A_99, %parallel_loop3A_136 : vector<16xi32>
        tpu.vector_store_idx %arg12[%parallel_loop3A_137], %parallel_loop3A_134 masked %parallel_loop3A_93 {add = true} : memref<20000xf32, #tpu.memory_space<vmem>>[vector<16xi32>], vector<16xf32>, vector<16xi1>
        %parallel_loop3A_138 = arith.constant 2 : i32
        %parallel_loop3A_139 = vector.broadcast %parallel_loop3A_138 : i32 to vector<16xi32>
        %parallel_loop3A_140 = arith.addi %parallel_loop3A_102, %parallel_loop3A_139 : vector<16xi32>
        %parallel_loop3A_141 = tpu.vector_load_idx %arg11[%parallel_loop3A_140] : memref<40000xf32, #tpu.memory_space<vmem>>[vector<16xi32>], vector<16xf32>,
        %parallel_loop3A_142 = arith.constant 2 : i32
        %parallel_loop3A_143 = vector.broadcast %parallel_loop3A_142 : i32 to vector<16xi32>
        %parallel_loop3A_144 = arith.addi %parallel_loop3A_99, %parallel_loop3A_143 : vector<16xi32>
        tpu.vector_store_idx %arg13[%parallel_loop3A_144], %parallel_loop3A_141 masked %parallel_loop3A_93 {add = true} : memref<20000xf32, #tpu.memory_space<vmem>>[vector<16xi32>], vector<16xf32>, vector<16xi1>
        %parallel_loop3A_145 = arith.constant 3 : i32
        %parallel_loop3A_146 = vector.broadcast %parallel_loop3A_145 : i32 to vector<16xi32>
        %parallel_loop3A_147 = arith.addi %parallel_loop3A_102, %parallel_loop3A_146 : vector<16xi32>
        %parallel_loop3A_148 = tpu.vector_load_idx %arg10[%parallel_loop3A_147] : memref<40000xf32, #tpu.memory_space<vmem>>[vector<16xi32>], vector<16xf32>,
        %parallel_loop3A_149 = arith.constant 3 : i32
        %parallel_loop3A_150 = vector.broadcast %parallel_loop3A_149 : i32 to vector<16xi32>
        %parallel_loop3A_151 = arith.addi %parallel_loop3A_99, %parallel_loop3A_150 : vector<16xi32>
        tpu.vector_store_idx %arg12[%parallel_loop3A_151], %parallel_loop3A_148 masked %parallel_loop3A_93 {add = true} : memref<20000xf32, #tpu.memory_space<vmem>>[vector<16xi32>], vector<16xf32>, vector<16xi1>
        %parallel_loop3A_152 = arith.constant 3 : i32
        %parallel_loop3A_153 = vector.broadcast %parallel_loop3A_152 : i32 to vector<16xi32>
        %parallel_loop3A_154 = arith.addi %parallel_loop3A_102, %parallel_loop3A_153 : vector<16xi32>
        %parallel_loop3A_155 = tpu.vector_load_idx %arg11[%parallel_loop3A_154] : memref<40000xf32, #tpu.memory_space<vmem>>[vector<16xi32>], vector<16xf32>,
        %parallel_loop3A_156 = arith.constant 3 : i32
        %parallel_loop3A_157 = vector.broadcast %parallel_loop3A_156 : i32 to vector<16xi32>
        %parallel_loop3A_158 = arith.addi %parallel_loop3A_99, %parallel_loop3A_157 : vector<16xi32>
        tpu.vector_store_idx %arg13[%parallel_loop3A_158], %parallel_loop3A_155 masked %parallel_loop3A_93 {add = true} : memref<20000xf32, #tpu.memory_space<vmem>>[vector<16xi32>], vector<16xf32>, vector<16xi1>
      } {sc.loop_unroll_factor = 4 : i64, sc.parallel_access}
      %add3A_66 = arith.constant 2 : i32
      %add3A_67 = arith.addi %mul3A_53, %add3A_66 : i32
      %lt3A_68 = arith.constant 125 : i32
      %lt3A_69 = arith.cmpi slt, %add3A_67, %lt3A_68 : i32
      %convert_element_type3A_70 = arith.extui %lt3A_69 : i1 to i32
      %cond3A_71 = arith.constant 0 : i32
      %cond3A_72 = arith.cmpi ne, %convert_element_type3A_70, %cond3A_71 : i32
      scf.if %cond3A_72 {
        %add3A_80 = arith.constant 2 : i32
        %add3A_81 = arith.addi %mul3A_53, %add3A_80 : i32
        %dma_start3A_82 = arith.constant 0 : i32
        %dma_start3A_83 = tpu.memref_slice %arg5[%add3A_81, %dma_start3A_82] : memref<125x5120xi32, #tpu.memory_space<hbm>> -> memref<1x5120xi32, #tpu.memory_space<hbm>>
        %dma_start3A_84 = tpu.memref_squeeze %dma_start3A_83 : memref<1x5120xi32, #tpu.memory_space<hbm>> -> memref<5120xi32, #tpu.memory_space<hbm>>
        %dma_start3A_85 = arith.constant 0 : i32
        %dma_start3A_86 = tpu.memref_slice %arg5[%add3A_81, %dma_start3A_85] : memref<125x5120xi32, #tpu.memory_space<hbm>> -> memref<1x5120xi32, #tpu.memory_space<hbm>>
        %dma_start3A_87 = tpu.memref_squeeze %dma_start3A_86 : memref<1x5120xi32, #tpu.memory_space<hbm>> -> memref<5120xi32, #tpu.memory_space<hbm>>
        tpu.enqueue_dma source(%dma_start3A_87 : memref<5120xi32, #tpu.memory_space<hbm>>) target(%arg14 : memref<5120xi32, #tpu.memory_space<vmem>>) target_semaphore(%arg16 : memref<!tpu.dma_semaphore, #tpu.memory_space<semaphore_mem>>)
      } else {
      }
      %add3A_73 = arith.constant 1 : i32
      %add3A_74 = arith.addi %mul3A_53, %add3A_73 : i32
      %lt3A_75 = arith.constant 125 : i32
      %lt3A_76 = arith.cmpi slt, %add3A_74, %lt3A_75 : i32
      %convert_element_type3A_77 = arith.extui %lt3A_76 : i1 to i32
      %cond3A_78 = arith.constant 0 : i32
      %cond3A_79 = arith.cmpi ne, %convert_element_type3A_77, %cond3A_78 : i32
      scf.if %cond3A_79 {
        %add3A_80 = arith.constant 1 : i32
        %add3A_81 = arith.addi %mul3A_53, %add3A_80 : i32
        %dma_wait3A_82 = arith.constant 0 : i32
        %dma_wait3A_83 = tpu.memref_slice %arg5[%add3A_81, %dma_wait3A_82] : memref<125x5120xi32, #tpu.memory_space<hbm>> -> memref<1x5120xi32, #tpu.memory_space<hbm>>
        %dma_wait3A_84 = tpu.memref_squeeze %dma_wait3A_83 : memref<1x5120xi32, #tpu.memory_space<hbm>> -> memref<5120xi32, #tpu.memory_space<hbm>>
        %dma_wait3A_85 = arith.constant 0 : i32
        %dma_wait3A_86 = tpu.memref_slice %arg5[%add3A_81, %dma_wait3A_85] : memref<125x5120xi32, #tpu.memory_space<hbm>> -> memref<1x5120xi32, #tpu.memory_space<hbm>>
        %dma_wait3A_87 = tpu.memref_squeeze %dma_wait3A_86 : memref<1x5120xi32, #tpu.memory_space<hbm>> -> memref<5120xi32, #tpu.memory_space<hbm>>
        tpu.wait_dma2 semaphore(%arg17 : memref<!tpu.dma_semaphore, #tpu.memory_space<semaphore_mem>>) src(%dma_wait3A_87 : memref<5120xi32, #tpu.memory_space<hbm>>) dst(%arg15 : memref<5120xi32, #tpu.memory_space<vmem>>)
        %parallel_loop3A_88 = arith.constant 0 : i32
        %parallel_loop3A_89 = arith.constant 160 : i32
        %parallel_loop3A_90 = arith.constant 1 : i32
        scf.for %parallel_loop3A_91 = %parallel_loop3A_88 to %parallel_loop3A_89 step %parallel_loop3A_90  : i32 {
          %parallel_loop3A_92 = arith.constant 16 : i32
          %parallel_loop3A_93 = arith.muli %parallel_loop3A_91, %parallel_loop3A_92 : i32
          %parallel_loop3A_94 = arith.index_cast %parallel_loop3A_93 : i32 to index
          %parallel_loop3A_95 = tpu.vector_load %arg15[%parallel_loop3A_94] {strides = array<i32>} : memref<5120xi32, #tpu.memory_space<vmem>>, vector<16xi32>,
          %parallel_loop3A_96 = arith.constant 16 : i32
          %parallel_loop3A_97 = arith.muli %parallel_loop3A_91, %parallel_loop3A_96 : i32
          %parallel_loop3A_98 = arith.constant 2560 : i32
          %parallel_loop3A_99 = arith.addi %parallel_loop3A_98, %parallel_loop3A_97 : i32
          %parallel_loop3A_100 = arith.index_cast %parallel_loop3A_99 : i32 to index
          %parallel_loop3A_101 = tpu.vector_load %arg15[%parallel_loop3A_100] {strides = array<i32>} : memref<5120xi32, #tpu.memory_space<vmem>>, vector<16xi32>,
          %parallel_loop3A_102 = arith.constant 5000 : i32
          %parallel_loop3A_103 = vector.broadcast %parallel_loop3A_102 : i32 to vector<16xi32>
          %parallel_loop3A_104 = arith.cmpi slt, %parallel_loop3A_95, %parallel_loop3A_103 : vector<16xi32>
          %parallel_loop3A_105 = arith.constant 0 : i32
          %parallel_loop3A_106 = vector.broadcast %parallel_loop3A_105 : i32 to vector<16xi32>
          %parallel_loop3A_107 = arith.select %parallel_loop3A_104, %parallel_loop3A_95, %parallel_loop3A_106 : vector<16xi1>, vector<16xi32>
          %parallel_loop3A_108 = arith.constant 4 : i32
          %parallel_loop3A_109 = vector.broadcast %parallel_loop3A_108 : i32 to vector<16xi32>
          %parallel_loop3A_110 = arith.muli %parallel_loop3A_107, %parallel_loop3A_109 : vector<16xi32>
          %parallel_loop3A_111 = arith.constant 4 : i32
          %parallel_loop3A_112 = vector.broadcast %parallel_loop3A_111 : i32 to vector<16xi32>
          %parallel_loop3A_113 = arith.muli %parallel_loop3A_101, %parallel_loop3A_112 : vector<16xi32>
          %parallel_loop3A_114 = arith.constant 0 : i32
          %parallel_loop3A_115 = vector.broadcast %parallel_loop3A_114 : i32 to vector<16xi32>
          %parallel_loop3A_116 = arith.addi %parallel_loop3A_113, %parallel_loop3A_115 : vector<16xi32>
          %parallel_loop3A_117 = tpu.vector_load_idx %arg10[%parallel_loop3A_116] : memref<40000xf32, #tpu.memory_space<vmem>>[vector<16xi32>], vector<16xf32>,
          %parallel_loop3A_118 = arith.constant 0 : i32
          %parallel_loop3A_119 = vector.broadcast %parallel_loop3A_118 : i32 to vector<16xi32>
          %parallel_loop3A_120 = arith.addi %parallel_loop3A_110, %parallel_loop3A_119 : vector<16xi32>
          tpu.vector_store_idx %arg12[%parallel_loop3A_120], %parallel_loop3A_117 masked %parallel_loop3A_104 {add = true} : memref<20000xf32, #tpu.memory_space<vmem>>[vector<16xi32>], vector<16xf32>, vector<16xi1>
          %parallel_loop3A_121 = arith.constant 0 : i32
          %parallel_loop3A_122 = vector.broadcast %parallel_loop3A_121 : i32 to vector<16xi32>
          %parallel_loop3A_123 = arith.addi %parallel_loop3A_113, %parallel_loop3A_122 : vector<16xi32>
          %parallel_loop3A_124 = tpu.vector_load_idx %arg11[%parallel_loop3A_123] : memref<40000xf32, #tpu.memory_space<vmem>>[vector<16xi32>], vector<16xf32>,
          %parallel_loop3A_125 = arith.constant 0 : i32
          %parallel_loop3A_126 = vector.broadcast %parallel_loop3A_125 : i32 to vector<16xi32>
          %parallel_loop3A_127 = arith.addi %parallel_loop3A_110, %parallel_loop3A_126 : vector<16xi32>
          tpu.vector_store_idx %arg13[%parallel_loop3A_127], %parallel_loop3A_124 masked %parallel_loop3A_104 {add = true} : memref<20000xf32, #tpu.memory_space<vmem>>[vector<16xi32>], vector<16xf32>, vector<16xi1>
          %parallel_loop3A_128 = arith.constant 1 : i32
          %parallel_loop3A_129 = vector.broadcast %parallel_loop3A_128 : i32 to vector<16xi32>
          %parallel_loop3A_130 = arith.addi %parallel_loop3A_113, %parallel_loop3A_129 : vector<16xi32>
          %parallel_loop3A_131 = tpu.vector_load_idx %arg10[%parallel_loop3A_130] : memref<40000xf32, #tpu.memory_space<vmem>>[vector<16xi32>], vector<16xf32>,
          %parallel_loop3A_132 = arith.constant 1 : i32
          %parallel_loop3A_133 = vector.broadcast %parallel_loop3A_132 : i32 to vector<16xi32>
          %parallel_loop3A_134 = arith.addi %parallel_loop3A_110, %parallel_loop3A_133 : vector<16xi32>
          tpu.vector_store_idx %arg12[%parallel_loop3A_134], %parallel_loop3A_131 masked %parallel_loop3A_104 {add = true} : memref<20000xf32, #tpu.memory_space<vmem>>[vector<16xi32>], vector<16xf32>, vector<16xi1>
          %parallel_loop3A_135 = arith.constant 1 : i32
          %parallel_loop3A_136 = vector.broadcast %parallel_loop3A_135 : i32 to vector<16xi32>
          %parallel_loop3A_137 = arith.addi %parallel_loop3A_113, %parallel_loop3A_136 : vector<16xi32>
          %parallel_loop3A_138 = tpu.vector_load_idx %arg11[%parallel_loop3A_137] : memref<40000xf32, #tpu.memory_space<vmem>>[vector<16xi32>], vector<16xf32>,
          %parallel_loop3A_139 = arith.constant 1 : i32
          %parallel_loop3A_140 = vector.broadcast %parallel_loop3A_139 : i32 to vector<16xi32>
          %parallel_loop3A_141 = arith.addi %parallel_loop3A_110, %parallel_loop3A_140 : vector<16xi32>
          tpu.vector_store_idx %arg13[%parallel_loop3A_141], %parallel_loop3A_138 masked %parallel_loop3A_104 {add = true} : memref<20000xf32, #tpu.memory_space<vmem>>[vector<16xi32>], vector<16xf32>, vector<16xi1>
          %parallel_loop3A_142 = arith.constant 2 : i32
          %parallel_loop3A_143 = vector.broadcast %parallel_loop3A_142 : i32 to vector<16xi32>
          %parallel_loop3A_144 = arith.addi %parallel_loop3A_113, %parallel_loop3A_143 : vector<16xi32>
          %parallel_loop3A_145 = tpu.vector_load_idx %arg10[%parallel_loop3A_144] : memref<40000xf32, #tpu.memory_space<vmem>>[vector<16xi32>], vector<16xf32>,
          %parallel_loop3A_146 = arith.constant 2 : i32
          %parallel_loop3A_147 = vector.broadcast %parallel_loop3A_146 : i32 to vector<16xi32>
          %parallel_loop3A_148 = arith.addi %parallel_loop3A_110, %parallel_loop3A_147 : vector<16xi32>
          tpu.vector_store_idx %arg12[%parallel_loop3A_148], %parallel_loop3A_145 masked %parallel_loop3A_104 {add = true} : memref<20000xf32, #tpu.memory_space<vmem>>[vector<16xi32>], vector<16xf32>, vector<16xi1>
          %parallel_loop3A_149 = arith.constant 2 : i32
          %parallel_loop3A_150 = vector.broadcast %parallel_loop3A_149 : i32 to vector<16xi32>
          %parallel_loop3A_151 = arith.addi %parallel_loop3A_113, %parallel_loop3A_150 : vector<16xi32>
          %parallel_loop3A_152 = tpu.vector_load_idx %arg11[%parallel_loop3A_151] : memref<40000xf32, #tpu.memory_space<vmem>>[vector<16xi32>], vector<16xf32>,
          %parallel_loop3A_153 = arith.constant 2 : i32
          %parallel_loop3A_154 = vector.broadcast %parallel_loop3A_153 : i32 to vector<16xi32>
          %parallel_loop3A_155 = arith.addi %parallel_loop3A_110, %parallel_loop3A_154 : vector<16xi32>
          tpu.vector_store_idx %arg13[%parallel_loop3A_155], %parallel_loop3A_152 masked %parallel_loop3A_104 {add = true} : memref<20000xf32, #tpu.memory_space<vmem>>[vector<16xi32>], vector<16xf32>, vector<16xi1>
          %parallel_loop3A_156 = arith.constant 3 : i32
          %parallel_loop3A_157 = vector.broadcast %parallel_loop3A_156 : i32 to vector<16xi32>
          %parallel_loop3A_158 = arith.addi %parallel_loop3A_113, %parallel_loop3A_157 : vector<16xi32>
          %parallel_loop3A_159 = tpu.vector_load_idx %arg10[%parallel_loop3A_158] : memref<40000xf32, #tpu.memory_space<vmem>>[vector<16xi32>], vector<16xf32>,
          %parallel_loop3A_160 = arith.constant 3 : i32
          %parallel_loop3A_161 = vector.broadcast %parallel_loop3A_160 : i32 to vector<16xi32>
          %parallel_loop3A_162 = arith.addi %parallel_loop3A_110, %parallel_loop3A_161 : vector<16xi32>
          tpu.vector_store_idx %arg12[%parallel_loop3A_162], %parallel_loop3A_159 masked %parallel_loop3A_104 {add = true} : memref<20000xf32, #tpu.memory_space<vmem>>[vector<16xi32>], vector<16xf32>, vector<16xi1>
          %parallel_loop3A_163 = arith.constant 3 : i32
          %parallel_loop3A_164 = vector.broadcast %parallel_loop3A_163 : i32 to vector<16xi32>
          %parallel_loop3A_165 = arith.addi %parallel_loop3A_113, %parallel_loop3A_164 : vector<16xi32>
          %parallel_loop3A_166 = tpu.vector_load_idx %arg11[%parallel_loop3A_165] : memref<40000xf32, #tpu.memory_space<vmem>>[vector<16xi32>], vector<16xf32>,
          %parallel_loop3A_167 = arith.constant 3 : i32
          %parallel_loop3A_168 = vector.broadcast %parallel_loop3A_167 : i32 to vector<16xi32>
          %parallel_loop3A_169 = arith.addi %parallel_loop3A_110, %parallel_loop3A_168 : vector<16xi32>
          tpu.vector_store_idx %arg13[%parallel_loop3A_169], %parallel_loop3A_166 masked %parallel_loop3A_104 {add = true} : memref<20000xf32, #tpu.memory_space<vmem>>[vector<16xi32>], vector<16xf32>, vector<16xi1>
        } {sc.loop_unroll_factor = 4 : i64, sc.parallel_access}
      } else {
      }
    }
    %scan3A_19 = arith.constant 63 : i32
    "tpu.region"() ({
      %run_scoped3A = tpu.sem_alloc : memref<!tpu.dma_semaphore, #tpu.memory_space<semaphore_mem>>
      %dma_start3A_51 = arith.constant 0 : i32
      %dma_start3A_52 = tpu.memref_slice %arg7[%add3A, %dma_start3A_51] : memref<32x20000xf32, #tpu.memory_space<hbm>> -> memref<1x20000xf32, #tpu.memory_space<hbm>>
      %dma_start3A_53 = tpu.memref_squeeze %dma_start3A_52 : memref<1x20000xf32, #tpu.memory_space<hbm>> -> memref<20000xf32, #tpu.memory_space<hbm>>
      %dma_start3A_54 = arith.constant 0 : i32
      %dma_start3A_55 = tpu.memref_slice %arg7[%add3A, %dma_start3A_54] : memref<32x20000xf32, #tpu.memory_space<hbm>> -> memref<1x20000xf32, #tpu.memory_space<hbm>>
      %dma_start3A_56 = tpu.memref_squeeze %dma_start3A_55 : memref<1x20000xf32, #tpu.memory_space<hbm>> -> memref<20000xf32, #tpu.memory_space<hbm>>
      tpu.enqueue_dma source(%arg12 : memref<20000xf32, #tpu.memory_space<vmem>>) target(%dma_start3A_56 : memref<20000xf32, #tpu.memory_space<hbm>>) target_semaphore(%run_scoped3A : memref<!tpu.dma_semaphore, #tpu.memory_space<semaphore_mem>>)
      %dma_wait3A = arith.constant 0 : i32
      %dma_wait3A_57 = tpu.memref_slice %arg7[%add3A, %dma_wait3A] : memref<32x20000xf32, #tpu.memory_space<hbm>> -> memref<1x20000xf32, #tpu.memory_space<hbm>>
      %dma_wait3A_58 = tpu.memref_squeeze %dma_wait3A_57 : memref<1x20000xf32, #tpu.memory_space<hbm>> -> memref<20000xf32, #tpu.memory_space<hbm>>
      %dma_wait3A_59 = arith.constant 0 : i32
      %dma_wait3A_60 = tpu.memref_slice %arg7[%add3A, %dma_wait3A_59] : memref<32x20000xf32, #tpu.memory_space<hbm>> -> memref<1x20000xf32, #tpu.memory_space<hbm>>
      %dma_wait3A_61 = tpu.memref_squeeze %dma_wait3A_60 : memref<1x20000xf32, #tpu.memory_space<hbm>> -> memref<20000xf32, #tpu.memory_space<hbm>>
      tpu.wait_dma2 semaphore(%run_scoped3A : memref<!tpu.dma_semaphore, #tpu.memory_space<semaphore_mem>>) src(%arg12 : memref<20000xf32, #tpu.memory_space<vmem>>) dst(%dma_wait3A_61 : memref<20000xf32, #tpu.memory_space<hbm>>)
      tpu.yield
    }) : () -> ()
    "tpu.region"() ({
      %run_scoped3A = tpu.sem_alloc : memref<!tpu.dma_semaphore, #tpu.memory_space<semaphore_mem>>
      %dma_start3A_51 = arith.constant 0 : i32
      %dma_start3A_52 = tpu.memref_slice %arg8[%add3A, %dma_start3A_51] : memref<32x20000xf32, #tpu.memory_space<hbm>> -> memref<1x20000xf32, #tpu.memory_space<hbm>>
      %dma_start3A_53 = tpu.memref_squeeze %dma_start3A_52 : memref<1x20000xf32, #tpu.memory_space<hbm>> -> memref<20000xf32, #tpu.memory_space<hbm>>
      %dma_start3A_54 = arith.constant 0 : i32
      %dma_start3A_55 = tpu.memref_slice %arg8[%add3A, %dma_start3A_54] : memref<32x20000xf32, #tpu.memory_space<hbm>> -> memref<1x20000xf32, #tpu.memory_space<hbm>>
      %dma_start3A_56 = tpu.memref_squeeze %dma_start3A_55 : memref<1x20000xf32, #tpu.memory_space<hbm>> -> memref<20000xf32, #tpu.memory_space<hbm>>
      tpu.enqueue_dma source(%arg13 : memref<20000xf32, #tpu.memory_space<vmem>>) target(%dma_start3A_56 : memref<20000xf32, #tpu.memory_space<hbm>>) target_semaphore(%run_scoped3A : memref<!tpu.dma_semaphore, #tpu.memory_space<semaphore_mem>>)
      %dma_wait3A = arith.constant 0 : i32
      %dma_wait3A_57 = tpu.memref_slice %arg8[%add3A, %dma_wait3A] : memref<32x20000xf32, #tpu.memory_space<hbm>> -> memref<1x20000xf32, #tpu.memory_space<hbm>>
      %dma_wait3A_58 = tpu.memref_squeeze %dma_wait3A_57 : memref<1x20000xf32, #tpu.memory_space<hbm>> -> memref<20000xf32, #tpu.memory_space<hbm>>
      %dma_wait3A_59 = arith.constant 0 : i32
      %dma_wait3A_60 = tpu.memref_slice %arg8[%add3A, %dma_wait3A_59] : memref<32x20000xf32, #tpu.memory_space<hbm>> -> memref<1x20000xf32, #tpu.memory_space<hbm>>
      %dma_wait3A_61 = tpu.memref_squeeze %dma_wait3A_60 : memref<1x20000xf32, #tpu.memory_space<hbm>> -> memref<20000xf32, #tpu.memory_space<hbm>>
      tpu.wait_dma2 semaphore(%run_scoped3A : memref<!tpu.dma_semaphore, #tpu.memory_space<semaphore_mem>>) src(%arg13 : memref<20000xf32, #tpu.memory_space<vmem>>) dst(%dma_wait3A_61 : memref<20000xf32, #tpu.memory_space<hbm>>)
      tpu.yield
    }) : () -> ()
    "tpu.trace_stop"() : () -> ()
    "tpu.trace_start"() <{level = 10 : i32, message = "sc_max"}> : () -> ()
    "tpu.region"() ({
      %run_scoped3A = tpu.sem_alloc : memref<!tpu.dma_semaphore, #tpu.memory_space<semaphore_mem>>
      %dma_start3A_51 = arith.constant 0 : i32
      %dma_start3A_52 = tpu.memref_slice %arg4[%add3A, %dma_start3A_51] : memref<32x40000xf32, #tpu.memory_space<hbm>> -> memref<1x40000xf32, #tpu.memory_space<hbm>>
      %dma_start3A_53 = tpu.memref_squeeze %dma_start3A_52 : memref<1x40000xf32, #tpu.memory_space<hbm>> -> memref<40000xf32, #tpu.memory_space<hbm>>
      %dma_start3A_54 = arith.constant 0 : i32
      %dma_start3A_55 = tpu.memref_slice %arg4[%add3A, %dma_start3A_54] : memref<32x40000xf32, #tpu.memory_space<hbm>> -> memref<1x40000xf32, #tpu.memory_space<hbm>>
      %dma_start3A_56 = tpu.memref_squeeze %dma_start3A_55 : memref<1x40000xf32, #tpu.memory_space<hbm>> -> memref<40000xf32, #tpu.memory_space<hbm>>
      tpu.enqueue_dma source(%dma_start3A_56 : memref<40000xf32, #tpu.memory_space<hbm>>) target(%arg10 : memref<40000xf32, #tpu.memory_space<vmem>>) target_semaphore(%run_scoped3A : memref<!tpu.dma_semaphore, #tpu.memory_space<semaphore_mem>>)
      %dma_wait3A = arith.constant 0 : i32
      %dma_wait3A_57 = tpu.memref_slice %arg4[%add3A, %dma_wait3A] : memref<32x40000xf32, #tpu.memory_space<hbm>> -> memref<1x40000xf32, #tpu.memory_space<hbm>>
      %dma_wait3A_58 = tpu.memref_squeeze %dma_wait3A_57 : memref<1x40000xf32, #tpu.memory_space<hbm>> -> memref<40000xf32, #tpu.memory_space<hbm>>
      %dma_wait3A_59 = arith.constant 0 : i32
      %dma_wait3A_60 = tpu.memref_slice %arg4[%add3A, %dma_wait3A_59] : memref<32x40000xf32, #tpu.memory_space<hbm>> -> memref<1x40000xf32, #tpu.memory_space<hbm>>
      %dma_wait3A_61 = tpu.memref_squeeze %dma_wait3A_60 : memref<1x40000xf32, #tpu.memory_space<hbm>> -> memref<40000xf32, #tpu.memory_space<hbm>>
      tpu.wait_dma2 semaphore(%run_scoped3A : memref<!tpu.dma_semaphore, #tpu.memory_space<semaphore_mem>>) src(%dma_wait3A_61 : memref<40000xf32, #tpu.memory_space<hbm>>) dst(%arg10 : memref<40000xf32, #tpu.memory_space<vmem>>)
      tpu.yield
    }) : () -> ()
    %broadcast_in_dim3A_20 = arith.constant 0.000000e+00 : f32
    %broadcast_in_dim3A_21 = vector.broadcast %broadcast_in_dim3A_20 : f32 to vector<16xf32>
    %parallel_loop3A_22 = arith.constant 0 : i32
    %parallel_loop3A_23 = arith.constant 1250 : i32
    %parallel_loop3A_24 = arith.constant 1 : i32
    scf.for %parallel_loop3A_51 = %parallel_loop3A_22 to %parallel_loop3A_23 step %parallel_loop3A_24  : i32 {
      %parallel_loop3A_52 = arith.constant 16 : i32
      %parallel_loop3A_53 = arith.muli %parallel_loop3A_51, %parallel_loop3A_52 : i32
      %parallel_loop3A_54 = arith.index_cast %parallel_loop3A_53 : i32 to index
      %parallel_loop3A_55 = tpu.vector_load %arg12[%parallel_loop3A_54] {strides = array<i32>} : memref<20000xf32, #tpu.memory_space<vmem>>, vector<16xf32>,
      tpu.vector_store %arg12[%parallel_loop3A_54], %broadcast_in_dim3A_21 {strides = array<i32>} : memref<20000xf32, #tpu.memory_space<vmem>>, vector<16xf32>,
    } {sc.loop_unroll_factor = 2 : i64, sc.parallel_access}
    %dma_start3A_25 = arith.constant 0 : i32
    %dma_start3A_26 = arith.constant 0 : i32
    %dma_start3A_27 = tpu.memref_slice %arg5[%dma_start3A_25, %dma_start3A_26] : memref<125x5120xi32, #tpu.memory_space<hbm>> -> memref<1x5120xi32, #tpu.memory_space<hbm>>
    %dma_start3A_28 = tpu.memref_squeeze %dma_start3A_27 : memref<1x5120xi32, #tpu.memory_space<hbm>> -> memref<5120xi32, #tpu.memory_space<hbm>>
    %dma_start3A_29 = arith.constant 0 : i32
    %dma_start3A_30 = tpu.memref_slice %arg5[%dma_start3A_25, %dma_start3A_29] : memref<125x5120xi32, #tpu.memory_space<hbm>> -> memref<1x5120xi32, #tpu.memory_space<hbm>>
    %dma_start3A_31 = tpu.memref_squeeze %dma_start3A_30 : memref<1x5120xi32, #tpu.memory_space<hbm>> -> memref<5120xi32, #tpu.memory_space<hbm>>
    tpu.enqueue_dma source(%dma_start3A_31 : memref<5120xi32, #tpu.memory_space<hbm>>) target(%arg14 : memref<5120xi32, #tpu.memory_space<vmem>>) target_semaphore(%arg16 : memref<!tpu.dma_semaphore, #tpu.memory_space<semaphore_mem>>)
    %scan3A_32 = arith.constant 0 : i32
    %scan3A_33 = arith.constant 0 : i32
    %scan3A_34 = arith.constant 63 : i32
    %scan3A_35 = arith.addi %scan3A_33, %scan3A_34 : i32
    %scan3A_36 = arith.constant 1 : i32
    scf.for %scan3A_51 = %scan3A_33 to %scan3A_35 step %scan3A_36  : i32 {
      %mul3A_52 = arith.constant 2 : i32
      %mul3A_53 = arith.muli %scan3A_51, %mul3A_52 : i32
      %add3A_54 = arith.constant 1 : i32
      %add3A_55 = arith.addi %mul3A_53, %add3A_54 : i32
      %lt3A = arith.constant 125 : i32
      %lt3A_56 = arith.cmpi slt, %add3A_55, %lt3A : i32
      %convert_element_type3A = arith.extui %lt3A_56 : i1 to i32
      %cond3A = arith.constant 0 : i32
      %cond3A_57 = arith.cmpi ne, %convert_element_type3A, %cond3A : i32
      scf.if %cond3A_57 {
        %add3A_86 = arith.constant 1 : i32
        %add3A_87 = arith.addi %mul3A_53, %add3A_86 : i32
        %dma_start3A_88 = arith.constant 0 : i32
        %dma_start3A_89 = tpu.memref_slice %arg5[%add3A_87, %dma_start3A_88] : memref<125x5120xi32, #tpu.memory_space<hbm>> -> memref<1x5120xi32, #tpu.memory_space<hbm>>
        %dma_start3A_90 = tpu.memref_squeeze %dma_start3A_89 : memref<1x5120xi32, #tpu.memory_space<hbm>> -> memref<5120xi32, #tpu.memory_space<hbm>>
        %dma_start3A_91 = arith.constant 0 : i32
        %dma_start3A_92 = tpu.memref_slice %arg5[%add3A_87, %dma_start3A_91] : memref<125x5120xi32, #tpu.memory_space<hbm>> -> memref<1x5120xi32, #tpu.memory_space<hbm>>
        %dma_start3A_93 = tpu.memref_squeeze %dma_start3A_92 : memref<1x5120xi32, #tpu.memory_space<hbm>> -> memref<5120xi32, #tpu.memory_space<hbm>>
        tpu.enqueue_dma source(%dma_start3A_93 : memref<5120xi32, #tpu.memory_space<hbm>>) target(%arg15 : memref<5120xi32, #tpu.memory_space<vmem>>) target_semaphore(%arg17 : memref<!tpu.dma_semaphore, #tpu.memory_space<semaphore_mem>>)
      } else {
      }
      %dma_wait3A = arith.constant 0 : i32
      %dma_wait3A_58 = tpu.memref_slice %arg5[%mul3A_53, %dma_wait3A] : memref<125x5120xi32, #tpu.memory_space<hbm>> -> memref<1x5120xi32, #tpu.memory_space<hbm>>
      %dma_wait3A_59 = tpu.memref_squeeze %dma_wait3A_58 : memref<1x5120xi32, #tpu.memory_space<hbm>> -> memref<5120xi32, #tpu.memory_space<hbm>>
      %dma_wait3A_60 = arith.constant 0 : i32
      %dma_wait3A_61 = tpu.memref_slice %arg5[%mul3A_53, %dma_wait3A_60] : memref<125x5120xi32, #tpu.memory_space<hbm>> -> memref<1x5120xi32, #tpu.memory_space<hbm>>
      %dma_wait3A_62 = tpu.memref_squeeze %dma_wait3A_61 : memref<1x5120xi32, #tpu.memory_space<hbm>> -> memref<5120xi32, #tpu.memory_space<hbm>>
      tpu.wait_dma2 semaphore(%arg16 : memref<!tpu.dma_semaphore, #tpu.memory_space<semaphore_mem>>) src(%dma_wait3A_62 : memref<5120xi32, #tpu.memory_space<hbm>>) dst(%arg14 : memref<5120xi32, #tpu.memory_space<vmem>>)
      %iota3A = tpu.iota {dimensions = array<i32: 0>} : vector<16xi32>
      %broadcast_in_dim3A_63 = arith.constant 0 : i32
      %broadcast_in_dim3A_64 = vector.broadcast %broadcast_in_dim3A_63 : i32 to vector<16xi32>
      %scan3A_65 = arith.constant 0 : i32
      %scan3A_66 = arith.constant 160 : i32
      %scan3A_67 = arith.addi %scan3A_65, %scan3A_66 : i32
      %scan3A_68 = arith.constant 1 : i32
      %scan3A_69 = scf.for %scan3A_86 = %scan3A_65 to %scan3A_67 step %scan3A_68 iter_args(%scan3A_87 = %broadcast_in_dim3A_64) -> (vector<16xi32>)  : i32 {
        %mul3A_88 = arith.constant 16 : i32
        %mul3A_89 = arith.muli %scan3A_86, %mul3A_88 : i32
        %get3A = arith.index_cast %mul3A_89 : i32 to index
        %get3A_90 = tpu.vector_load %arg14[%get3A] {strides = array<i32>} : memref<5120xi32, #tpu.memory_space<vmem>>, vector<16xi32>,
        %mul3A_91 = arith.constant 16 : i32
        %mul3A_92 = arith.muli %scan3A_86, %mul3A_91 : i32
        %add3A_93 = arith.constant 2560 : i32
        %add3A_94 = arith.addi %add3A_93, %mul3A_92 : i32
        %get3A_95 = arith.index_cast %add3A_94 : i32 to index
        %get3A_96 = tpu.vector_load %arg14[%get3A_95] {strides = array<i32>} : memref<5120xi32, #tpu.memory_space<vmem>>, vector<16xi32>,
        %lt3A_97 = arith.constant 5000 : i32
        %lt3A_98 = vector.broadcast %lt3A_97 : i32 to vector<16xi32>
        %lt3A_99 = arith.cmpi slt, %get3A_90, %lt3A_98 : vector<16xi32>
        %ge3A = arith.constant 5000 : i32
        %ge3A_100 = vector.broadcast %ge3A : i32 to vector<16xi32>
        %ge3A_101 = arith.cmpi sge, %get3A_96, %ge3A_100 : vector<16xi32>
        %and3A = arith.andi %lt3A_99, %ge3A_101 : vector<16xi1>
        %jit3A = arith.constant 1 : i32
        %jit3A_102 = arith.constant 0 : i32
        %broadcast_in_dim3A_103 = vector.broadcast %jit3A : i32 to vector<16xi32>
        %broadcast_in_dim3A_104 = vector.broadcast %jit3A_102 : i32 to vector<16xi32>
        %select_n3A = arith.select %and3A, %broadcast_in_dim3A_103, %broadcast_in_dim3A_104 : vector<16xi1>, vector<16xi32>
        %broadcast_in_dim3A_105 = arith.constant true
        %broadcast_in_dim3A_106 = vector.broadcast %broadcast_in_dim3A_105 : i1 to vector<16xi1>
        %masked_cumsum3A = tpu.scan <sum>, %select_n3A masked %broadcast_in_dim3A_106 : vector<16xi32>, vector<16xi1> -> vector<16xi32>
        %add3A_107 = arith.addi %scan3A_87, %masked_cumsum3A : vector<16xi32>
        %sub3A = arith.constant 1 : i32
        %sub3A_108 = vector.broadcast %sub3A : i32 to vector<16xi32>
        %sub3A_109 = arith.subi %add3A_107, %sub3A_108 : vector<16xi32>
        %jit3A_110 = arith.constant 0 : i32
        %broadcast_in_dim3A_111 = vector.broadcast %jit3A_110 : i32 to vector<16xi32>
        %select_n3A_112 = arith.select %and3A, %sub3A_109, %broadcast_in_dim3A_111 : vector<16xi1>, vector<16xi32>
        tpu.vector_store_idx %arg14[%select_n3A_112], %get3A_90 masked %and3A : memref<5120xi32, #tpu.memory_space<vmem>>[vector<16xi32>], vector<16xi32>, vector<16xi1>
        %add3A_113 = arith.constant 2560 : i32
        %add3A_114 = vector.broadcast %add3A_113 : i32 to vector<16xi32>
        %add3A_115 = arith.addi %select_n3A_112, %add3A_114 : vector<16xi32>
        tpu.vector_store_idx %arg14[%add3A_115], %get3A_96 masked %and3A : memref<5120xi32, #tpu.memory_space<vmem>>[vector<16xi32>], vector<16xi32>, vector<16xi1>
        %all_reduce_population_count3A = tpu.all_reduce %and3A {dim = 0 : i64, kind = #tpu.reduction_kind<sum>} : vector<16xi1> -> vector<16xi32>
        %add3A_116 = arith.addi %scan3A_87, %all_reduce_population_count3A : vector<16xi32>
        scf.yield %add3A_116 : vector<16xi32>
      }
      %scan3A_70 = arith.constant 160 : i32
      %while3A = arith.constant 0 : i32
      %while3A_71 = scf.while (%while3A_86 = %while3A) : (i32) -> i32 {
        %mul3A_87 = arith.constant 32 : i32
        %mul3A_88 = arith.muli %while3A_86, %mul3A_87 : i32
        %lt3A_89 = vector.broadcast %mul3A_88 : i32 to vector<16xi32>
        %lt3A_90 = arith.cmpi slt, %lt3A_89, %scan3A_69 : vector<16xi32>
        %reduce_or3A = arith.constant 1.000000e+00 : f32
        %reduce_or3A_91 = arith.constant 0.000000e+00 : f32
        %reduce_or3A_92 = vector.broadcast %reduce_or3A : f32 to vector<16xf32>
        %reduce_or3A_93 = vector.broadcast %reduce_or3A_91 : f32 to vector<16xf32>
        %reduce_or3A_94 = arith.select %lt3A_90, %reduce_or3A_92, %reduce_or3A_93 : vector<16xi1>, vector<16xf32>
        %reduce_or3A_95 = arith.constant true
        %reduce_or3A_96 = vector.broadcast %reduce_or3A_95 : i1 to vector<16xi1>
        %reduce_or3A_97 = tpu.scan <max>, %reduce_or3A_94 masked %reduce_or3A_96 : vector<16xf32>, vector<16xi1> -> vector<16xf32>
        %reduce_or3A_98 = vector.extract %reduce_or3A_97[15] : f32 from vector<16xf32>
        %reduce_or3A_99 = arith.constant 0.000000e+00 : f32
        %reduce_or3A_100 = arith.cmpf ogt, %reduce_or3A_98, %reduce_or3A_99 : f32
        scf.condition(%reduce_or3A_100) %while3A_86 : i32
      } do {
      ^bb0(%while3A_86: i32):
        %mul3A_87 = arith.constant 2 : i32
        %mul3A_88 = arith.muli %while3A_86, %mul3A_87 : i32
        %add3A_89 = arith.constant 0 : i32
        %add3A_90 = arith.addi %mul3A_88, %add3A_89 : i32
        %mul3A_91 = arith.constant 16 : i32
        %mul3A_92 = arith.muli %add3A_90, %mul3A_91 : i32
        %get3A = arith.index_cast %mul3A_92 : i32 to index
        %get3A_93 = tpu.vector_load %arg14[%get3A] {strides = array<i32>} : memref<5120xi32, #tpu.memory_space<vmem>>, vector<16xi32>,
        %mul3A_94 = arith.constant 16 : i32
        %mul3A_95 = arith.muli %add3A_90, %mul3A_94 : i32
        %add3A_96 = arith.constant 2560 : i32
        %add3A_97 = arith.addi %add3A_96, %mul3A_95 : i32
        %get3A_98 = arith.index_cast %add3A_97 : i32 to index
        %get3A_99 = tpu.vector_load %arg14[%get3A_98] {strides = array<i32>} : memref<5120xi32, #tpu.memory_space<vmem>>, vector<16xi32>,
        %mul3A_100 = arith.constant 16 : i32
        %mul3A_101 = arith.muli %add3A_90, %mul3A_100 : i32
        %add3A_102 = vector.broadcast %mul3A_101 : i32 to vector<16xi32>
        %add3A_103 = arith.addi %add3A_102, %iota3A : vector<16xi32>
        %lt3A_104 = arith.cmpi slt, %add3A_103, %scan3A_69 : vector<16xi32>
        %jit3A = arith.constant 0 : i32
        %broadcast_in_dim3A_105 = vector.broadcast %jit3A : i32 to vector<16xi32>
        %select_n3A = arith.select %lt3A_104, %get3A_93, %broadcast_in_dim3A_105 : vector<16xi1>, vector<16xi32>
        %mul3A_106 = arith.constant 4 : i32
        %mul3A_107 = vector.broadcast %mul3A_106 : i32 to vector<16xi32>
        %mul3A_108 = arith.muli %select_n3A, %mul3A_107 : vector<16xi32>
        %mul3A_109 = arith.constant 4 : i32
        %mul3A_110 = vector.broadcast %mul3A_109 : i32 to vector<16xi32>
        %mul3A_111 = arith.muli %get3A_99, %mul3A_110 : vector<16xi32>
        %add3A_112 = arith.constant 0 : i32
        %add3A_113 = vector.broadcast %add3A_112 : i32 to vector<16xi32>
        %add3A_114 = arith.addi %mul3A_108, %add3A_113 : vector<16xi32>
        %add3A_115 = arith.constant 1 : i32
        %add3A_116 = vector.broadcast %add3A_115 : i32 to vector<16xi32>
        %add3A_117 = arith.addi %mul3A_108, %add3A_116 : vector<16xi32>
        %add3A_118 = arith.constant 2 : i32
        %add3A_119 = vector.broadcast %add3A_118 : i32 to vector<16xi32>
        %add3A_120 = arith.addi %mul3A_108, %add3A_119 : vector<16xi32>
        %add3A_121 = arith.constant 3 : i32
        %add3A_122 = vector.broadcast %add3A_121 : i32 to vector<16xi32>
        %add3A_123 = arith.addi %mul3A_108, %add3A_122 : vector<16xi32>
        %add3A_124 = arith.constant 0 : i32
        %add3A_125 = vector.broadcast %add3A_124 : i32 to vector<16xi32>
        %add3A_126 = arith.addi %mul3A_111, %add3A_125 : vector<16xi32>
        %gather3A = tpu.vector_load_idx %arg10[%add3A_126] : memref<40000xf32, #tpu.memory_space<vmem>>[vector<16xi32>], vector<16xf32>,
        %add3A_127 = arith.constant 1 : i32
        %add3A_128 = vector.broadcast %add3A_127 : i32 to vector<16xi32>
        %add3A_129 = arith.addi %mul3A_111, %add3A_128 : vector<16xi32>
        %gather3A_130 = tpu.vector_load_idx %arg10[%add3A_129] : memref<40000xf32, #tpu.memory_space<vmem>>[vector<16xi32>], vector<16xf32>,
        %add3A_131 = arith.constant 2 : i32
        %add3A_132 = vector.broadcast %add3A_131 : i32 to vector<16xi32>
        %add3A_133 = arith.addi %mul3A_111, %add3A_132 : vector<16xi32>
        %gather3A_134 = tpu.vector_load_idx %arg10[%add3A_133] : memref<40000xf32, #tpu.memory_space<vmem>>[vector<16xi32>], vector<16xf32>,
        %add3A_135 = arith.constant 3 : i32
        %add3A_136 = vector.broadcast %add3A_135 : i32 to vector<16xi32>
        %add3A_137 = arith.addi %mul3A_111, %add3A_136 : vector<16xi32>
        %gather3A_138 = tpu.vector_load_idx %arg10[%add3A_137] : memref<40000xf32, #tpu.memory_space<vmem>>[vector<16xi32>], vector<16xf32>,
        %mul3A_139 = arith.constant 2 : i32
        %mul3A_140 = arith.muli %while3A_86, %mul3A_139 : i32
        %add3A_141 = arith.constant 1 : i32
        %add3A_142 = arith.addi %mul3A_140, %add3A_141 : i32
        %mul3A_143 = arith.constant 16 : i32
        %mul3A_144 = arith.muli %add3A_142, %mul3A_143 : i32
        %get3A_145 = arith.index_cast %mul3A_144 : i32 to index
        %get3A_146 = tpu.vector_load %arg14[%get3A_145] {strides = array<i32>} : memref<5120xi32, #tpu.memory_space<vmem>>, vector<16xi32>,
        %mul3A_147 = arith.constant 16 : i32
        %mul3A_148 = arith.muli %add3A_142, %mul3A_147 : i32
        %add3A_149 = arith.constant 2560 : i32
        %add3A_150 = arith.addi %add3A_149, %mul3A_148 : i32
        %get3A_151 = arith.index_cast %add3A_150 : i32 to index
        %get3A_152 = tpu.vector_load %arg14[%get3A_151] {strides = array<i32>} : memref<5120xi32, #tpu.memory_space<vmem>>, vector<16xi32>,
        %mul3A_153 = arith.constant 16 : i32
        %mul3A_154 = arith.muli %add3A_142, %mul3A_153 : i32
        %add3A_155 = vector.broadcast %mul3A_154 : i32 to vector<16xi32>
        %add3A_156 = arith.addi %add3A_155, %iota3A : vector<16xi32>
        %lt3A_157 = arith.cmpi slt, %add3A_156, %scan3A_69 : vector<16xi32>
        %jit3A_158 = arith.constant 0 : i32
        %broadcast_in_dim3A_159 = vector.broadcast %jit3A_158 : i32 to vector<16xi32>
        %select_n3A_160 = arith.select %lt3A_157, %get3A_146, %broadcast_in_dim3A_159 : vector<16xi1>, vector<16xi32>
        %mul3A_161 = arith.constant 4 : i32
        %mul3A_162 = vector.broadcast %mul3A_161 : i32 to vector<16xi32>
        %mul3A_163 = arith.muli %select_n3A_160, %mul3A_162 : vector<16xi32>
        %mul3A_164 = arith.constant 4 : i32
        %mul3A_165 = vector.broadcast %mul3A_164 : i32 to vector<16xi32>
        %mul3A_166 = arith.muli %get3A_152, %mul3A_165 : vector<16xi32>
        %add3A_167 = arith.constant 0 : i32
        %add3A_168 = vector.broadcast %add3A_167 : i32 to vector<16xi32>
        %add3A_169 = arith.addi %mul3A_163, %add3A_168 : vector<16xi32>
        %add3A_170 = arith.constant 1 : i32
        %add3A_171 = vector.broadcast %add3A_170 : i32 to vector<16xi32>
        %add3A_172 = arith.addi %mul3A_163, %add3A_171 : vector<16xi32>
        %add3A_173 = arith.constant 2 : i32
        %add3A_174 = vector.broadcast %add3A_173 : i32 to vector<16xi32>
        %add3A_175 = arith.addi %mul3A_163, %add3A_174 : vector<16xi32>
        %add3A_176 = arith.constant 3 : i32
        %add3A_177 = vector.broadcast %add3A_176 : i32 to vector<16xi32>
        %add3A_178 = arith.addi %mul3A_163, %add3A_177 : vector<16xi32>
        %add3A_179 = arith.constant 0 : i32
        %add3A_180 = vector.broadcast %add3A_179 : i32 to vector<16xi32>
        %add3A_181 = arith.addi %mul3A_166, %add3A_180 : vector<16xi32>
        %gather3A_182 = tpu.vector_load_idx %arg10[%add3A_181] : memref<40000xf32, #tpu.memory_space<vmem>>[vector<16xi32>], vector<16xf32>,
        %add3A_183 = arith.constant 1 : i32
        %add3A_184 = vector.broadcast %add3A_183 : i32 to vector<16xi32>
        %add3A_185 = arith.addi %mul3A_166, %add3A_184 : vector<16xi32>
        %gather3A_186 = tpu.vector_load_idx %arg10[%add3A_185] : memref<40000xf32, #tpu.memory_space<vmem>>[vector<16xi32>], vector<16xf32>,
        %add3A_187 = arith.constant 2 : i32
        %add3A_188 = vector.broadcast %add3A_187 : i32 to vector<16xi32>
        %add3A_189 = arith.addi %mul3A_166, %add3A_188 : vector<16xi32>
        %gather3A_190 = tpu.vector_load_idx %arg10[%add3A_189] : memref<40000xf32, #tpu.memory_space<vmem>>[vector<16xi32>], vector<16xf32>,
        %add3A_191 = arith.constant 3 : i32
        %add3A_192 = vector.broadcast %add3A_191 : i32 to vector<16xi32>
        %add3A_193 = arith.addi %mul3A_166, %add3A_192 : vector<16xi32>
        %gather3A_194 = tpu.vector_load_idx %arg10[%add3A_193] : memref<40000xf32, #tpu.memory_space<vmem>>[vector<16xi32>], vector<16xf32>,
        %gather3A_195 = tpu.vector_load_idx %arg12[%add3A_114] : memref<20000xf32, #tpu.memory_space<vmem>>[vector<16xi32>], vector<16xf32>,
        %gt3A = arith.cmpf ogt, %gather3A, %gather3A_195 : vector<16xf32>
        %and3A = arith.andi %lt3A_104, %gt3A : vector<16xi1>
        tpu.vector_store_idx %arg12[%add3A_114], %gather3A masked %and3A : memref<20000xf32, #tpu.memory_space<vmem>>[vector<16xi32>], vector<16xf32>, vector<16xi1>
        %gather3A_196 = tpu.vector_load_idx %arg12[%add3A_117] : memref<20000xf32, #tpu.memory_space<vmem>>[vector<16xi32>], vector<16xf32>,
        %gt3A_197 = arith.cmpf ogt, %gather3A_130, %gather3A_196 : vector<16xf32>
        %and3A_198 = arith.andi %lt3A_104, %gt3A_197 : vector<16xi1>
        tpu.vector_store_idx %arg12[%add3A_117], %gather3A_130 masked %and3A_198 : memref<20000xf32, #tpu.memory_space<vmem>>[vector<16xi32>], vector<16xf32>, vector<16xi1>
        %gather3A_199 = tpu.vector_load_idx %arg12[%add3A_120] : memref<20000xf32, #tpu.memory_space<vmem>>[vector<16xi32>], vector<16xf32>,
        %gt3A_200 = arith.cmpf ogt, %gather3A_134, %gather3A_199 : vector<16xf32>
        %and3A_201 = arith.andi %lt3A_104, %gt3A_200 : vector<16xi1>
        tpu.vector_store_idx %arg12[%add3A_120], %gather3A_134 masked %and3A_201 : memref<20000xf32, #tpu.memory_space<vmem>>[vector<16xi32>], vector<16xf32>, vector<16xi1>
        %gather3A_202 = tpu.vector_load_idx %arg12[%add3A_123] : memref<20000xf32, #tpu.memory_space<vmem>>[vector<16xi32>], vector<16xf32>,
        %gt3A_203 = arith.cmpf ogt, %gather3A_138, %gather3A_202 : vector<16xf32>
        %and3A_204 = arith.andi %lt3A_104, %gt3A_203 : vector<16xi1>
        tpu.vector_store_idx %arg12[%add3A_123], %gather3A_138 masked %and3A_204 : memref<20000xf32, #tpu.memory_space<vmem>>[vector<16xi32>], vector<16xf32>, vector<16xi1>
        %gather3A_205 = tpu.vector_load_idx %arg12[%add3A_169] : memref<20000xf32, #tpu.memory_space<vmem>>[vector<16xi32>], vector<16xf32>,
        %gt3A_206 = arith.cmpf ogt, %gather3A_182, %gather3A_205 : vector<16xf32>
        %and3A_207 = arith.andi %lt3A_157, %gt3A_206 : vector<16xi1>
        tpu.vector_store_idx %arg12[%add3A_169], %gather3A_182 masked %and3A_207 : memref<20000xf32, #tpu.memory_space<vmem>>[vector<16xi32>], vector<16xf32>, vector<16xi1>
        %gather3A_208 = tpu.vector_load_idx %arg12[%add3A_172] : memref<20000xf32, #tpu.memory_space<vmem>>[vector<16xi32>], vector<16xf32>,
        %gt3A_209 = arith.cmpf ogt, %gather3A_186, %gather3A_208 : vector<16xf32>
        %and3A_210 = arith.andi %lt3A_157, %gt3A_209 : vector<16xi1>
        tpu.vector_store_idx %arg12[%add3A_172], %gather3A_186 masked %and3A_210 : memref<20000xf32, #tpu.memory_space<vmem>>[vector<16xi32>], vector<16xf32>, vector<16xi1>
        %gather3A_211 = tpu.vector_load_idx %arg12[%add3A_175] : memref<20000xf32, #tpu.memory_space<vmem>>[vector<16xi32>], vector<16xf32>,
        %gt3A_212 = arith.cmpf ogt, %gather3A_190, %gather3A_211 : vector<16xf32>
        %and3A_213 = arith.andi %lt3A_157, %gt3A_212 : vector<16xi1>
        tpu.vector_store_idx %arg12[%add3A_175], %gather3A_190 masked %and3A_213 : memref<20000xf32, #tpu.memory_space<vmem>>[vector<16xi32>], vector<16xf32>, vector<16xi1>
        %gather3A_214 = tpu.vector_load_idx %arg12[%add3A_178] : memref<20000xf32, #tpu.memory_space<vmem>>[vector<16xi32>], vector<16xf32>,
        %gt3A_215 = arith.cmpf ogt, %gather3A_194, %gather3A_214 : vector<16xf32>
        %and3A_216 = arith.andi %lt3A_157, %gt3A_215 : vector<16xi1>
        tpu.vector_store_idx %arg12[%add3A_178], %gather3A_194 masked %and3A_216 : memref<20000xf32, #tpu.memory_space<vmem>>[vector<16xi32>], vector<16xf32>, vector<16xi1>
        %gather3A_217 = tpu.vector_load_idx %arg12[%add3A_114] : memref<20000xf32, #tpu.memory_space<vmem>>[vector<16xi32>], vector<16xf32>,
        %lt3A_218 = arith.cmpf olt, %gather3A_217, %gather3A : vector<16xf32>
        %and3A_219 = arith.andi %and3A, %lt3A_218 : vector<16xi1>
        %gather3A_220 = tpu.vector_load_idx %arg12[%add3A_117] : memref<20000xf32, #tpu.memory_space<vmem>>[vector<16xi32>], vector<16xf32>,
        %lt3A_221 = arith.cmpf olt, %gather3A_220, %gather3A_130 : vector<16xf32>
        %and3A_222 = arith.andi %and3A_198, %lt3A_221 : vector<16xi1>
        %gather3A_223 = tpu.vector_load_idx %arg12[%add3A_120] : memref<20000xf32, #tpu.memory_space<vmem>>[vector<16xi32>], vector<16xf32>,
        %lt3A_224 = arith.cmpf olt, %gather3A_223, %gather3A_134 : vector<16xf32>
        %and3A_225 = arith.andi %and3A_201, %lt3A_224 : vector<16xi1>
        %gather3A_226 = tpu.vector_load_idx %arg12[%add3A_123] : memref<20000xf32, #tpu.memory_space<vmem>>[vector<16xi32>], vector<16xf32>,
        %lt3A_227 = arith.cmpf olt, %gather3A_226, %gather3A_138 : vector<16xf32>
        %and3A_228 = arith.andi %and3A_204, %lt3A_227 : vector<16xi1>
        %gather3A_229 = tpu.vector_load_idx %arg12[%add3A_169] : memref<20000xf32, #tpu.memory_space<vmem>>[vector<16xi32>], vector<16xf32>,
        %lt3A_230 = arith.cmpf olt, %gather3A_229, %gather3A_182 : vector<16xf32>
        %and3A_231 = arith.andi %and3A_207, %lt3A_230 : vector<16xi1>
        %gather3A_232 = tpu.vector_load_idx %arg12[%add3A_172] : memref<20000xf32, #tpu.memory_space<vmem>>[vector<16xi32>], vector<16xf32>,
        %lt3A_233 = arith.cmpf olt, %gather3A_232, %gather3A_186 : vector<16xf32>
        %and3A_234 = arith.andi %and3A_210, %lt3A_233 : vector<16xi1>
        %gather3A_235 = tpu.vector_load_idx %arg12[%add3A_175] : memref<20000xf32, #tpu.memory_space<vmem>>[vector<16xi32>], vector<16xf32>,
        %lt3A_236 = arith.cmpf olt, %gather3A_235, %gather3A_190 : vector<16xf32>
        %and3A_237 = arith.andi %and3A_213, %lt3A_236 : vector<16xi1>
        %gather3A_238 = tpu.vector_load_idx %arg12[%add3A_178] : memref<20000xf32, #tpu.memory_space<vmem>>[vector<16xi32>], vector<16xf32>,
        %lt3A_239 = arith.cmpf olt, %gather3A_238, %gather3A_194 : vector<16xf32>
        %and3A_240 = arith.andi %and3A_216, %lt3A_239 : vector<16xi1>
        %while3A_241:8 = scf.while (%while3A_244 = %and3A_219, %while3A_245 = %and3A_222, %while3A_246 = %and3A_225, %while3A_247 = %and3A_228, %while3A_248 = %and3A_231, %while3A_249 = %and3A_234, %while3A_250 = %and3A_237, %while3A_251 = %and3A_240) : (vector<16xi1>, vector<16xi1>, vector<16xi1>, vector<16xi1>, vector<16xi1>, vector<16xi1>, vector<16xi1>, vector<16xi1>) -> (vector<16xi1>, vector<16xi1>, vector<16xi1>, vector<16xi1>, vector<16xi1>, vector<16xi1>, vector<16xi1>, vector<16xi1>) {
          %or3A = arith.ori %while3A_244, %while3A_245 : vector<16xi1>
          %or3A_252 = arith.ori %or3A, %while3A_246 : vector<16xi1>
          %or3A_253 = arith.ori %or3A_252, %while3A_247 : vector<16xi1>
          %or3A_254 = arith.ori %or3A_253, %while3A_248 : vector<16xi1>
          %or3A_255 = arith.ori %or3A_254, %while3A_249 : vector<16xi1>
          %or3A_256 = arith.ori %or3A_255, %while3A_250 : vector<16xi1>
          %or3A_257 = arith.ori %or3A_256, %while3A_251 : vector<16xi1>
          %reduce_or3A = arith.constant 1.000000e+00 : f32
          %reduce_or3A_258 = arith.constant 0.000000e+00 : f32
          %reduce_or3A_259 = vector.broadcast %reduce_or3A : f32 to vector<16xf32>
          %reduce_or3A_260 = vector.broadcast %reduce_or3A_258 : f32 to vector<16xf32>
          %reduce_or3A_261 = arith.select %or3A_257, %reduce_or3A_259, %reduce_or3A_260 : vector<16xi1>, vector<16xf32>
          %reduce_or3A_262 = arith.constant true
          %reduce_or3A_263 = vector.broadcast %reduce_or3A_262 : i1 to vector<16xi1>
          %reduce_or3A_264 = tpu.scan <max>, %reduce_or3A_261 masked %reduce_or3A_263 : vector<16xf32>, vector<16xi1> -> vector<16xf32>
          %reduce_or3A_265 = vector.extract %reduce_or3A_264[15] : f32 from vector<16xf32>
          %reduce_or3A_266 = arith.constant 0.000000e+00 : f32
          %reduce_or3A_267 = arith.cmpf ogt, %reduce_or3A_265, %reduce_or3A_266 : f32
          scf.condition(%reduce_or3A_267) %while3A_244, %while3A_245, %while3A_246, %while3A_247, %while3A_248, %while3A_249, %while3A_250, %while3A_251 : vector<16xi1>, vector<16xi1>, vector<16xi1>, vector<16xi1>, vector<16xi1>, vector<16xi1>, vector<16xi1>, vector<16xi1>
        } do {
        ^bb0(%while3A_244: vector<16xi1>, %while3A_245: vector<16xi1>, %while3A_246: vector<16xi1>, %while3A_247: vector<16xi1>, %while3A_248: vector<16xi1>, %while3A_249: vector<16xi1>, %while3A_250: vector<16xi1>, %while3A_251: vector<16xi1>):
          %gather3A_252 = tpu.vector_load_idx %arg12[%add3A_114] : memref<20000xf32, #tpu.memory_space<vmem>>[vector<16xi32>], vector<16xf32>,
          %gt3A_253 = arith.cmpf ogt, %gather3A, %gather3A_252 : vector<16xf32>
          %and3A_254 = arith.andi %while3A_244, %gt3A_253 : vector<16xi1>
          tpu.vector_store_idx %arg12[%add3A_114], %gather3A masked %and3A_254 : memref<20000xf32, #tpu.memory_space<vmem>>[vector<16xi32>], vector<16xf32>, vector<16xi1>
          %gather3A_255 = tpu.vector_load_idx %arg12[%add3A_117] : memref<20000xf32, #tpu.memory_space<vmem>>[vector<16xi32>], vector<16xf32>,
          %gt3A_256 = arith.cmpf ogt, %gather3A_130, %gather3A_255 : vector<16xf32>
          %and3A_257 = arith.andi %while3A_245, %gt3A_256 : vector<16xi1>
          tpu.vector_store_idx %arg12[%add3A_117], %gather3A_130 masked %and3A_257 : memref<20000xf32, #tpu.memory_space<vmem>>[vector<16xi32>], vector<16xf32>, vector<16xi1>
          %gather3A_258 = tpu.vector_load_idx %arg12[%add3A_120] : memref<20000xf32, #tpu.memory_space<vmem>>[vector<16xi32>], vector<16xf32>,
          %gt3A_259 = arith.cmpf ogt, %gather3A_134, %gather3A_258 : vector<16xf32>
          %and3A_260 = arith.andi %while3A_246, %gt3A_259 : vector<16xi1>
          tpu.vector_store_idx %arg12[%add3A_120], %gather3A_134 masked %and3A_260 : memref<20000xf32, #tpu.memory_space<vmem>>[vector<16xi32>], vector<16xf32>, vector<16xi1>
          %gather3A_261 = tpu.vector_load_idx %arg12[%add3A_123] : memref<20000xf32, #tpu.memory_space<vmem>>[vector<16xi32>], vector<16xf32>,
          %gt3A_262 = arith.cmpf ogt, %gather3A_138, %gather3A_261 : vector<16xf32>
          %and3A_263 = arith.andi %while3A_247, %gt3A_262 : vector<16xi1>
          tpu.vector_store_idx %arg12[%add3A_123], %gather3A_138 masked %and3A_263 : memref<20000xf32, #tpu.memory_space<vmem>>[vector<16xi32>], vector<16xf32>, vector<16xi1>
          %gather3A_264 = tpu.vector_load_idx %arg12[%add3A_169] : memref<20000xf32, #tpu.memory_space<vmem>>[vector<16xi32>], vector<16xf32>,
          %gt3A_265 = arith.cmpf ogt, %gather3A_182, %gather3A_264 : vector<16xf32>
          %and3A_266 = arith.andi %while3A_248, %gt3A_265 : vector<16xi1>
          tpu.vector_store_idx %arg12[%add3A_169], %gather3A_182 masked %and3A_266 : memref<20000xf32, #tpu.memory_space<vmem>>[vector<16xi32>], vector<16xf32>, vector<16xi1>
          %gather3A_267 = tpu.vector_load_idx %arg12[%add3A_172] : memref<20000xf32, #tpu.memory_space<vmem>>[vector<16xi32>], vector<16xf32>,
          %gt3A_268 = arith.cmpf ogt, %gather3A_186, %gather3A_267 : vector<16xf32>
          %and3A_269 = arith.andi %while3A_249, %gt3A_268 : vector<16xi1>
          tpu.vector_store_idx %arg12[%add3A_172], %gather3A_186 masked %and3A_269 : memref<20000xf32, #tpu.memory_space<vmem>>[vector<16xi32>], vector<16xf32>, vector<16xi1>
          %gather3A_270 = tpu.vector_load_idx %arg12[%add3A_175] : memref<20000xf32, #tpu.memory_space<vmem>>[vector<16xi32>], vector<16xf32>,
          %gt3A_271 = arith.cmpf ogt, %gather3A_190, %gather3A_270 : vector<16xf32>
          %and3A_272 = arith.andi %while3A_250, %gt3A_271 : vector<16xi1>
          tpu.vector_store_idx %arg12[%add3A_175], %gather3A_190 masked %and3A_272 : memref<20000xf32, #tpu.memory_space<vmem>>[vector<16xi32>], vector<16xf32>, vector<16xi1>
          %gather3A_273 = tpu.vector_load_idx %arg12[%add3A_178] : memref<20000xf32, #tpu.memory_space<vmem>>[vector<16xi32>], vector<16xf32>,
          %gt3A_274 = arith.cmpf ogt, %gather3A_194, %gather3A_273 : vector<16xf32>
          %and3A_275 = arith.andi %while3A_251, %gt3A_274 : vector<16xi1>
          tpu.vector_store_idx %arg12[%add3A_178], %gather3A_194 masked %and3A_275 : memref<20000xf32, #tpu.memory_space<vmem>>[vector<16xi32>], vector<16xf32>, vector<16xi1>
          %gather3A_276 = tpu.vector_load_idx %arg12[%add3A_114] : memref<20000xf32, #tpu.memory_space<vmem>>[vector<16xi32>], vector<16xf32>,
          %lt3A_277 = arith.cmpf olt, %gather3A_276, %gather3A : vector<16xf32>
          %and3A_278 = arith.andi %and3A_254, %lt3A_277 : vector<16xi1>
          %gather3A_279 = tpu.vector_load_idx %arg12[%add3A_117] : memref<20000xf32, #tpu.memory_space<vmem>>[vector<16xi32>], vector<16xf32>,
          %lt3A_280 = arith.cmpf olt, %gather3A_279, %gather3A_130 : vector<16xf32>
          %and3A_281 = arith.andi %and3A_257, %lt3A_280 : vector<16xi1>
          %gather3A_282 = tpu.vector_load_idx %arg12[%add3A_120] : memref<20000xf32, #tpu.memory_space<vmem>>[vector<16xi32>], vector<16xf32>,
          %lt3A_283 = arith.cmpf olt, %gather3A_282, %gather3A_134 : vector<16xf32>
          %and3A_284 = arith.andi %and3A_260, %lt3A_283 : vector<16xi1>
          %gather3A_285 = tpu.vector_load_idx %arg12[%add3A_123] : memref<20000xf32, #tpu.memory_space<vmem>>[vector<16xi32>], vector<16xf32>,
          %lt3A_286 = arith.cmpf olt, %gather3A_285, %gather3A_138 : vector<16xf32>
          %and3A_287 = arith.andi %and3A_263, %lt3A_286 : vector<16xi1>
          %gather3A_288 = tpu.vector_load_idx %arg12[%add3A_169] : memref<20000xf32, #tpu.memory_space<vmem>>[vector<16xi32>], vector<16xf32>,
          %lt3A_289 = arith.cmpf olt, %gather3A_288, %gather3A_182 : vector<16xf32>
          %and3A_290 = arith.andi %and3A_266, %lt3A_289 : vector<16xi1>
          %gather3A_291 = tpu.vector_load_idx %arg12[%add3A_172] : memref<20000xf32, #tpu.memory_space<vmem>>[vector<16xi32>], vector<16xf32>,
          %lt3A_292 = arith.cmpf olt, %gather3A_291, %gather3A_186 : vector<16xf32>
          %and3A_293 = arith.andi %and3A_269, %lt3A_292 : vector<16xi1>
          %gather3A_294 = tpu.vector_load_idx %arg12[%add3A_175] : memref<20000xf32, #tpu.memory_space<vmem>>[vector<16xi32>], vector<16xf32>,
          %lt3A_295 = arith.cmpf olt, %gather3A_294, %gather3A_190 : vector<16xf32>
          %and3A_296 = arith.andi %and3A_272, %lt3A_295 : vector<16xi1>
          %gather3A_297 = tpu.vector_load_idx %arg12[%add3A_178] : memref<20000xf32, #tpu.memory_space<vmem>>[vector<16xi32>], vector<16xf32>,
          %lt3A_298 = arith.cmpf olt, %gather3A_297, %gather3A_194 : vector<16xf32>
          %and3A_299 = arith.andi %and3A_275, %lt3A_298 : vector<16xi1>
          scf.yield %and3A_278, %and3A_281, %and3A_284, %and3A_287, %and3A_290, %and3A_293, %and3A_296, %and3A_299 : vector<16xi1>, vector<16xi1>, vector<16xi1>, vector<16xi1>, vector<16xi1>, vector<16xi1>, vector<16xi1>, vector<16xi1>
        }
        %add3A_242 = arith.constant 1 : i32
        %add3A_243 = arith.addi %while3A_86, %add3A_242 : i32
        scf.yield %add3A_243 : i32
      }
      %add3A_72 = arith.constant 2 : i32
      %add3A_73 = arith.addi %mul3A_53, %add3A_72 : i32
      %lt3A_74 = arith.constant 125 : i32
      %lt3A_75 = arith.cmpi slt, %add3A_73, %lt3A_74 : i32
      %convert_element_type3A_76 = arith.extui %lt3A_75 : i1 to i32
      %cond3A_77 = arith.constant 0 : i32
      %cond3A_78 = arith.cmpi ne, %convert_element_type3A_76, %cond3A_77 : i32
      scf.if %cond3A_78 {
        %add3A_86 = arith.constant 2 : i32
        %add3A_87 = arith.addi %mul3A_53, %add3A_86 : i32
        %dma_start3A_88 = arith.constant 0 : i32
        %dma_start3A_89 = tpu.memref_slice %arg5[%add3A_87, %dma_start3A_88] : memref<125x5120xi32, #tpu.memory_space<hbm>> -> memref<1x5120xi32, #tpu.memory_space<hbm>>
        %dma_start3A_90 = tpu.memref_squeeze %dma_start3A_89 : memref<1x5120xi32, #tpu.memory_space<hbm>> -> memref<5120xi32, #tpu.memory_space<hbm>>
        %dma_start3A_91 = arith.constant 0 : i32
        %dma_start3A_92 = tpu.memref_slice %arg5[%add3A_87, %dma_start3A_91] : memref<125x5120xi32, #tpu.memory_space<hbm>> -> memref<1x5120xi32, #tpu.memory_space<hbm>>
        %dma_start3A_93 = tpu.memref_squeeze %dma_start3A_92 : memref<1x5120xi32, #tpu.memory_space<hbm>> -> memref<5120xi32, #tpu.memory_space<hbm>>
        tpu.enqueue_dma source(%dma_start3A_93 : memref<5120xi32, #tpu.memory_space<hbm>>) target(%arg14 : memref<5120xi32, #tpu.memory_space<vmem>>) target_semaphore(%arg16 : memref<!tpu.dma_semaphore, #tpu.memory_space<semaphore_mem>>)
      } else {
      }
      %add3A_79 = arith.constant 1 : i32
      %add3A_80 = arith.addi %mul3A_53, %add3A_79 : i32
      %lt3A_81 = arith.constant 125 : i32
      %lt3A_82 = arith.cmpi slt, %add3A_80, %lt3A_81 : i32
      %convert_element_type3A_83 = arith.extui %lt3A_82 : i1 to i32
      %cond3A_84 = arith.constant 0 : i32
      %cond3A_85 = arith.cmpi ne, %convert_element_type3A_83, %cond3A_84 : i32
      scf.if %cond3A_85 {
        %add3A_86 = arith.constant 1 : i32
        %add3A_87 = arith.addi %mul3A_53, %add3A_86 : i32
        %dma_wait3A_88 = arith.constant 0 : i32
        %dma_wait3A_89 = tpu.memref_slice %arg5[%add3A_87, %dma_wait3A_88] : memref<125x5120xi32, #tpu.memory_space<hbm>> -> memref<1x5120xi32, #tpu.memory_space<hbm>>
        %dma_wait3A_90 = tpu.memref_squeeze %dma_wait3A_89 : memref<1x5120xi32, #tpu.memory_space<hbm>> -> memref<5120xi32, #tpu.memory_space<hbm>>
        %dma_wait3A_91 = arith.constant 0 : i32
        %dma_wait3A_92 = tpu.memref_slice %arg5[%add3A_87, %dma_wait3A_91] : memref<125x5120xi32, #tpu.memory_space<hbm>> -> memref<1x5120xi32, #tpu.memory_space<hbm>>
        %dma_wait3A_93 = tpu.memref_squeeze %dma_wait3A_92 : memref<1x5120xi32, #tpu.memory_space<hbm>> -> memref<5120xi32, #tpu.memory_space<hbm>>
        tpu.wait_dma2 semaphore(%arg17 : memref<!tpu.dma_semaphore, #tpu.memory_space<semaphore_mem>>) src(%dma_wait3A_93 : memref<5120xi32, #tpu.memory_space<hbm>>) dst(%arg15 : memref<5120xi32, #tpu.memory_space<vmem>>)
        %iota3A_94 = tpu.iota {dimensions = array<i32: 0>} : vector<16xi32>
        %broadcast_in_dim3A_95 = arith.constant 0 : i32
        %broadcast_in_dim3A_96 = vector.broadcast %broadcast_in_dim3A_95 : i32 to vector<16xi32>
        %scan3A_97 = arith.constant 0 : i32
        %scan3A_98 = arith.constant 160 : i32
        %scan3A_99 = arith.addi %scan3A_97, %scan3A_98 : i32
        %scan3A_100 = arith.constant 1 : i32
        %scan3A_101 = scf.for %scan3A_105 = %scan3A_97 to %scan3A_99 step %scan3A_100 iter_args(%scan3A_106 = %broadcast_in_dim3A_96) -> (vector<16xi32>)  : i32 {
          %mul3A_107 = arith.constant 16 : i32
          %mul3A_108 = arith.muli %scan3A_105, %mul3A_107 : i32
          %get3A = arith.index_cast %mul3A_108 : i32 to index
          %get3A_109 = tpu.vector_load %arg15[%get3A] {strides = array<i32>} : memref<5120xi32, #tpu.memory_space<vmem>>, vector<16xi32>,
          %mul3A_110 = arith.constant 16 : i32
          %mul3A_111 = arith.muli %scan3A_105, %mul3A_110 : i32
          %add3A_112 = arith.constant 2560 : i32
          %add3A_113 = arith.addi %add3A_112, %mul3A_111 : i32
          %get3A_114 = arith.index_cast %add3A_113 : i32 to index
          %get3A_115 = tpu.vector_load %arg15[%get3A_114] {strides = array<i32>} : memref<5120xi32, #tpu.memory_space<vmem>>, vector<16xi32>,
          %lt3A_116 = arith.constant 5000 : i32
          %lt3A_117 = vector.broadcast %lt3A_116 : i32 to vector<16xi32>
          %lt3A_118 = arith.cmpi slt, %get3A_109, %lt3A_117 : vector<16xi32>
          %ge3A = arith.constant 5000 : i32
          %ge3A_119 = vector.broadcast %ge3A : i32 to vector<16xi32>
          %ge3A_120 = arith.cmpi sge, %get3A_115, %ge3A_119 : vector<16xi32>
          %and3A = arith.andi %lt3A_118, %ge3A_120 : vector<16xi1>
          %jit3A = arith.constant 1 : i32
          %jit3A_121 = arith.constant 0 : i32
          %broadcast_in_dim3A_122 = vector.broadcast %jit3A : i32 to vector<16xi32>
          %broadcast_in_dim3A_123 = vector.broadcast %jit3A_121 : i32 to vector<16xi32>
          %select_n3A = arith.select %and3A, %broadcast_in_dim3A_122, %broadcast_in_dim3A_123 : vector<16xi1>, vector<16xi32>
          %broadcast_in_dim3A_124 = arith.constant true
          %broadcast_in_dim3A_125 = vector.broadcast %broadcast_in_dim3A_124 : i1 to vector<16xi1>
          %masked_cumsum3A = tpu.scan <sum>, %select_n3A masked %broadcast_in_dim3A_125 : vector<16xi32>, vector<16xi1> -> vector<16xi32>
          %add3A_126 = arith.addi %scan3A_106, %masked_cumsum3A : vector<16xi32>
          %sub3A = arith.constant 1 : i32
          %sub3A_127 = vector.broadcast %sub3A : i32 to vector<16xi32>
          %sub3A_128 = arith.subi %add3A_126, %sub3A_127 : vector<16xi32>
          %jit3A_129 = arith.constant 0 : i32
          %broadcast_in_dim3A_130 = vector.broadcast %jit3A_129 : i32 to vector<16xi32>
          %select_n3A_131 = arith.select %and3A, %sub3A_128, %broadcast_in_dim3A_130 : vector<16xi1>, vector<16xi32>
          tpu.vector_store_idx %arg15[%select_n3A_131], %get3A_109 masked %and3A : memref<5120xi32, #tpu.memory_space<vmem>>[vector<16xi32>], vector<16xi32>, vector<16xi1>
          %add3A_132 = arith.constant 2560 : i32
          %add3A_133 = vector.broadcast %add3A_132 : i32 to vector<16xi32>
          %add3A_134 = arith.addi %select_n3A_131, %add3A_133 : vector<16xi32>
          tpu.vector_store_idx %arg15[%add3A_134], %get3A_115 masked %and3A : memref<5120xi32, #tpu.memory_space<vmem>>[vector<16xi32>], vector<16xi32>, vector<16xi1>
          %all_reduce_population_count3A = tpu.all_reduce %and3A {dim = 0 : i64, kind = #tpu.reduction_kind<sum>} : vector<16xi1> -> vector<16xi32>
          %add3A_135 = arith.addi %scan3A_106, %all_reduce_population_count3A : vector<16xi32>
          scf.yield %add3A_135 : vector<16xi32>
        }
        %scan3A_102 = arith.constant 160 : i32
        %while3A_103 = arith.constant 0 : i32
        %while3A_104 = scf.while (%while3A_105 = %while3A_103) : (i32) -> i32 {
          %mul3A_106 = arith.constant 32 : i32
          %mul3A_107 = arith.muli %while3A_105, %mul3A_106 : i32
          %lt3A_108 = vector.broadcast %mul3A_107 : i32 to vector<16xi32>
          %lt3A_109 = arith.cmpi slt, %lt3A_108, %scan3A_101 : vector<16xi32>
          %reduce_or3A = arith.constant 1.000000e+00 : f32
          %reduce_or3A_110 = arith.constant 0.000000e+00 : f32
          %reduce_or3A_111 = vector.broadcast %reduce_or3A : f32 to vector<16xf32>
          %reduce_or3A_112 = vector.broadcast %reduce_or3A_110 : f32 to vector<16xf32>
          %reduce_or3A_113 = arith.select %lt3A_109, %reduce_or3A_111, %reduce_or3A_112 : vector<16xi1>, vector<16xf32>
          %reduce_or3A_114 = arith.constant true
          %reduce_or3A_115 = vector.broadcast %reduce_or3A_114 : i1 to vector<16xi1>
          %reduce_or3A_116 = tpu.scan <max>, %reduce_or3A_113 masked %reduce_or3A_115 : vector<16xf32>, vector<16xi1> -> vector<16xf32>
          %reduce_or3A_117 = vector.extract %reduce_or3A_116[15] : f32 from vector<16xf32>
          %reduce_or3A_118 = arith.constant 0.000000e+00 : f32
          %reduce_or3A_119 = arith.cmpf ogt, %reduce_or3A_117, %reduce_or3A_118 : f32
          scf.condition(%reduce_or3A_119) %while3A_105 : i32
        } do {
        ^bb0(%while3A_105: i32):
          %mul3A_106 = arith.constant 2 : i32
          %mul3A_107 = arith.muli %while3A_105, %mul3A_106 : i32
          %add3A_108 = arith.constant 0 : i32
          %add3A_109 = arith.addi %mul3A_107, %add3A_108 : i32
          %mul3A_110 = arith.constant 16 : i32
          %mul3A_111 = arith.muli %add3A_109, %mul3A_110 : i32
          %get3A = arith.index_cast %mul3A_111 : i32 to index
          %get3A_112 = tpu.vector_load %arg15[%get3A] {strides = array<i32>} : memref<5120xi32, #tpu.memory_space<vmem>>, vector<16xi32>,
          %mul3A_113 = arith.constant 16 : i32
          %mul3A_114 = arith.muli %add3A_109, %mul3A_113 : i32
          %add3A_115 = arith.constant 2560 : i32
          %add3A_116 = arith.addi %add3A_115, %mul3A_114 : i32
          %get3A_117 = arith.index_cast %add3A_116 : i32 to index
          %get3A_118 = tpu.vector_load %arg15[%get3A_117] {strides = array<i32>} : memref<5120xi32, #tpu.memory_space<vmem>>, vector<16xi32>,
          %mul3A_119 = arith.constant 16 : i32
          %mul3A_120 = arith.muli %add3A_109, %mul3A_119 : i32
          %add3A_121 = vector.broadcast %mul3A_120 : i32 to vector<16xi32>
          %add3A_122 = arith.addi %add3A_121, %iota3A_94 : vector<16xi32>
          %lt3A_123 = arith.cmpi slt, %add3A_122, %scan3A_101 : vector<16xi32>
          %jit3A = arith.constant 0 : i32
          %broadcast_in_dim3A_124 = vector.broadcast %jit3A : i32 to vector<16xi32>
          %select_n3A = arith.select %lt3A_123, %get3A_112, %broadcast_in_dim3A_124 : vector<16xi1>, vector<16xi32>
          %mul3A_125 = arith.constant 4 : i32
          %mul3A_126 = vector.broadcast %mul3A_125 : i32 to vector<16xi32>
          %mul3A_127 = arith.muli %select_n3A, %mul3A_126 : vector<16xi32>
          %mul3A_128 = arith.constant 4 : i32
          %mul3A_129 = vector.broadcast %mul3A_128 : i32 to vector<16xi32>
          %mul3A_130 = arith.muli %get3A_118, %mul3A_129 : vector<16xi32>
          %add3A_131 = arith.constant 0 : i32
          %add3A_132 = vector.broadcast %add3A_131 : i32 to vector<16xi32>
          %add3A_133 = arith.addi %mul3A_127, %add3A_132 : vector<16xi32>
          %add3A_134 = arith.constant 1 : i32
          %add3A_135 = vector.broadcast %add3A_134 : i32 to vector<16xi32>
          %add3A_136 = arith.addi %mul3A_127, %add3A_135 : vector<16xi32>
          %add3A_137 = arith.constant 2 : i32
          %add3A_138 = vector.broadcast %add3A_137 : i32 to vector<16xi32>
          %add3A_139 = arith.addi %mul3A_127, %add3A_138 : vector<16xi32>
          %add3A_140 = arith.constant 3 : i32
          %add3A_141 = vector.broadcast %add3A_140 : i32 to vector<16xi32>
          %add3A_142 = arith.addi %mul3A_127, %add3A_141 : vector<16xi32>
          %add3A_143 = arith.constant 0 : i32
          %add3A_144 = vector.broadcast %add3A_143 : i32 to vector<16xi32>
          %add3A_145 = arith.addi %mul3A_130, %add3A_144 : vector<16xi32>
          %gather3A = tpu.vector_load_idx %arg10[%add3A_145] : memref<40000xf32, #tpu.memory_space<vmem>>[vector<16xi32>], vector<16xf32>,
          %add3A_146 = arith.constant 1 : i32
          %add3A_147 = vector.broadcast %add3A_146 : i32 to vector<16xi32>
          %add3A_148 = arith.addi %mul3A_130, %add3A_147 : vector<16xi32>
          %gather3A_149 = tpu.vector_load_idx %arg10[%add3A_148] : memref<40000xf32, #tpu.memory_space<vmem>>[vector<16xi32>], vector<16xf32>,
          %add3A_150 = arith.constant 2 : i32
          %add3A_151 = vector.broadcast %add3A_150 : i32 to vector<16xi32>
          %add3A_152 = arith.addi %mul3A_130, %add3A_151 : vector<16xi32>
          %gather3A_153 = tpu.vector_load_idx %arg10[%add3A_152] : memref<40000xf32, #tpu.memory_space<vmem>>[vector<16xi32>], vector<16xf32>,
          %add3A_154 = arith.constant 3 : i32
          %add3A_155 = vector.broadcast %add3A_154 : i32 to vector<16xi32>
          %add3A_156 = arith.addi %mul3A_130, %add3A_155 : vector<16xi32>
          %gather3A_157 = tpu.vector_load_idx %arg10[%add3A_156] : memref<40000xf32, #tpu.memory_space<vmem>>[vector<16xi32>], vector<16xf32>,
          %mul3A_158 = arith.constant 2 : i32
          %mul3A_159 = arith.muli %while3A_105, %mul3A_158 : i32
          %add3A_160 = arith.constant 1 : i32
          %add3A_161 = arith.addi %mul3A_159, %add3A_160 : i32
          %mul3A_162 = arith.constant 16 : i32
          %mul3A_163 = arith.muli %add3A_161, %mul3A_162 : i32
          %get3A_164 = arith.index_cast %mul3A_163 : i32 to index
          %get3A_165 = tpu.vector_load %arg15[%get3A_164] {strides = array<i32>} : memref<5120xi32, #tpu.memory_space<vmem>>, vector<16xi32>,
          %mul3A_166 = arith.constant 16 : i32
          %mul3A_167 = arith.muli %add3A_161, %mul3A_166 : i32
          %add3A_168 = arith.constant 2560 : i32
          %add3A_169 = arith.addi %add3A_168, %mul3A_167 : i32
          %get3A_170 = arith.index_cast %add3A_169 : i32 to index
          %get3A_171 = tpu.vector_load %arg15[%get3A_170] {strides = array<i32>} : memref<5120xi32, #tpu.memory_space<vmem>>, vector<16xi32>,
          %mul3A_172 = arith.constant 16 : i32
          %mul3A_173 = arith.muli %add3A_161, %mul3A_172 : i32
          %add3A_174 = vector.broadcast %mul3A_173 : i32 to vector<16xi32>
          %add3A_175 = arith.addi %add3A_174, %iota3A_94 : vector<16xi32>
          %lt3A_176 = arith.cmpi slt, %add3A_175, %scan3A_101 : vector<16xi32>
          %jit3A_177 = arith.constant 0 : i32
          %broadcast_in_dim3A_178 = vector.broadcast %jit3A_177 : i32 to vector<16xi32>
          %select_n3A_179 = arith.select %lt3A_176, %get3A_165, %broadcast_in_dim3A_178 : vector<16xi1>, vector<16xi32>
          %mul3A_180 = arith.constant 4 : i32
          %mul3A_181 = vector.broadcast %mul3A_180 : i32 to vector<16xi32>
          %mul3A_182 = arith.muli %select_n3A_179, %mul3A_181 : vector<16xi32>
          %mul3A_183 = arith.constant 4 : i32
          %mul3A_184 = vector.broadcast %mul3A_183 : i32 to vector<16xi32>
          %mul3A_185 = arith.muli %get3A_171, %mul3A_184 : vector<16xi32>
          %add3A_186 = arith.constant 0 : i32
          %add3A_187 = vector.broadcast %add3A_186 : i32 to vector<16xi32>
          %add3A_188 = arith.addi %mul3A_182, %add3A_187 : vector<16xi32>
          %add3A_189 = arith.constant 1 : i32
          %add3A_190 = vector.broadcast %add3A_189 : i32 to vector<16xi32>
          %add3A_191 = arith.addi %mul3A_182, %add3A_190 : vector<16xi32>
          %add3A_192 = arith.constant 2 : i32
          %add3A_193 = vector.broadcast %add3A_192 : i32 to vector<16xi32>
          %add3A_194 = arith.addi %mul3A_182, %add3A_193 : vector<16xi32>
          %add3A_195 = arith.constant 3 : i32
          %add3A_196 = vector.broadcast %add3A_195 : i32 to vector<16xi32>
          %add3A_197 = arith.addi %mul3A_182, %add3A_196 : vector<16xi32>
          %add3A_198 = arith.constant 0 : i32
          %add3A_199 = vector.broadcast %add3A_198 : i32 to vector<16xi32>
          %add3A_200 = arith.addi %mul3A_185, %add3A_199 : vector<16xi32>
          %gather3A_201 = tpu.vector_load_idx %arg10[%add3A_200] : memref<40000xf32, #tpu.memory_space<vmem>>[vector<16xi32>], vector<16xf32>,
          %add3A_202 = arith.constant 1 : i32
          %add3A_203 = vector.broadcast %add3A_202 : i32 to vector<16xi32>
          %add3A_204 = arith.addi %mul3A_185, %add3A_203 : vector<16xi32>
          %gather3A_205 = tpu.vector_load_idx %arg10[%add3A_204] : memref<40000xf32, #tpu.memory_space<vmem>>[vector<16xi32>], vector<16xf32>,
          %add3A_206 = arith.constant 2 : i32
          %add3A_207 = vector.broadcast %add3A_206 : i32 to vector<16xi32>
          %add3A_208 = arith.addi %mul3A_185, %add3A_207 : vector<16xi32>
          %gather3A_209 = tpu.vector_load_idx %arg10[%add3A_208] : memref<40000xf32, #tpu.memory_space<vmem>>[vector<16xi32>], vector<16xf32>,
          %add3A_210 = arith.constant 3 : i32
          %add3A_211 = vector.broadcast %add3A_210 : i32 to vector<16xi32>
          %add3A_212 = arith.addi %mul3A_185, %add3A_211 : vector<16xi32>
          %gather3A_213 = tpu.vector_load_idx %arg10[%add3A_212] : memref<40000xf32, #tpu.memory_space<vmem>>[vector<16xi32>], vector<16xf32>,
          %gather3A_214 = tpu.vector_load_idx %arg12[%add3A_133] : memref<20000xf32, #tpu.memory_space<vmem>>[vector<16xi32>], vector<16xf32>,
          %gt3A = arith.cmpf ogt, %gather3A, %gather3A_214 : vector<16xf32>
          %and3A = arith.andi %lt3A_123, %gt3A : vector<16xi1>
          tpu.vector_store_idx %arg12[%add3A_133], %gather3A masked %and3A : memref<20000xf32, #tpu.memory_space<vmem>>[vector<16xi32>], vector<16xf32>, vector<16xi1>
          %gather3A_215 = tpu.vector_load_idx %arg12[%add3A_136] : memref<20000xf32, #tpu.memory_space<vmem>>[vector<16xi32>], vector<16xf32>,
          %gt3A_216 = arith.cmpf ogt, %gather3A_149, %gather3A_215 : vector<16xf32>
          %and3A_217 = arith.andi %lt3A_123, %gt3A_216 : vector<16xi1>
          tpu.vector_store_idx %arg12[%add3A_136], %gather3A_149 masked %and3A_217 : memref<20000xf32, #tpu.memory_space<vmem>>[vector<16xi32>], vector<16xf32>, vector<16xi1>
          %gather3A_218 = tpu.vector_load_idx %arg12[%add3A_139] : memref<20000xf32, #tpu.memory_space<vmem>>[vector<16xi32>], vector<16xf32>,
          %gt3A_219 = arith.cmpf ogt, %gather3A_153, %gather3A_218 : vector<16xf32>
          %and3A_220 = arith.andi %lt3A_123, %gt3A_219 : vector<16xi1>
          tpu.vector_store_idx %arg12[%add3A_139], %gather3A_153 masked %and3A_220 : memref<20000xf32, #tpu.memory_space<vmem>>[vector<16xi32>], vector<16xf32>, vector<16xi1>
          %gather3A_221 = tpu.vector_load_idx %arg12[%add3A_142] : memref<20000xf32, #tpu.memory_space<vmem>>[vector<16xi32>], vector<16xf32>,
          %gt3A_222 = arith.cmpf ogt, %gather3A_157, %gather3A_221 : vector<16xf32>
          %and3A_223 = arith.andi %lt3A_123, %gt3A_222 : vector<16xi1>
          tpu.vector_store_idx %arg12[%add3A_142], %gather3A_157 masked %and3A_223 : memref<20000xf32, #tpu.memory_space<vmem>>[vector<16xi32>], vector<16xf32>, vector<16xi1>
          %gather3A_224 = tpu.vector_load_idx %arg12[%add3A_188] : memref<20000xf32, #tpu.memory_space<vmem>>[vector<16xi32>], vector<16xf32>,
          %gt3A_225 = arith.cmpf ogt, %gather3A_201, %gather3A_224 : vector<16xf32>
          %and3A_226 = arith.andi %lt3A_176, %gt3A_225 : vector<16xi1>
          tpu.vector_store_idx %arg12[%add3A_188], %gather3A_201 masked %and3A_226 : memref<20000xf32, #tpu.memory_space<vmem>>[vector<16xi32>], vector<16xf32>, vector<16xi1>
          %gather3A_227 = tpu.vector_load_idx %arg12[%add3A_191] : memref<20000xf32, #tpu.memory_space<vmem>>[vector<16xi32>], vector<16xf32>,
          %gt3A_228 = arith.cmpf ogt, %gather3A_205, %gather3A_227 : vector<16xf32>
          %and3A_229 = arith.andi %lt3A_176, %gt3A_228 : vector<16xi1>
          tpu.vector_store_idx %arg12[%add3A_191], %gather3A_205 masked %and3A_229 : memref<20000xf32, #tpu.memory_space<vmem>>[vector<16xi32>], vector<16xf32>, vector<16xi1>
          %gather3A_230 = tpu.vector_load_idx %arg12[%add3A_194] : memref<20000xf32, #tpu.memory_space<vmem>>[vector<16xi32>], vector<16xf32>,
          %gt3A_231 = arith.cmpf ogt, %gather3A_209, %gather3A_230 : vector<16xf32>
          %and3A_232 = arith.andi %lt3A_176, %gt3A_231 : vector<16xi1>
          tpu.vector_store_idx %arg12[%add3A_194], %gather3A_209 masked %and3A_232 : memref<20000xf32, #tpu.memory_space<vmem>>[vector<16xi32>], vector<16xf32>, vector<16xi1>
          %gather3A_233 = tpu.vector_load_idx %arg12[%add3A_197] : memref<20000xf32, #tpu.memory_space<vmem>>[vector<16xi32>], vector<16xf32>,
          %gt3A_234 = arith.cmpf ogt, %gather3A_213, %gather3A_233 : vector<16xf32>
          %and3A_235 = arith.andi %lt3A_176, %gt3A_234 : vector<16xi1>
          tpu.vector_store_idx %arg12[%add3A_197], %gather3A_213 masked %and3A_235 : memref<20000xf32, #tpu.memory_space<vmem>>[vector<16xi32>], vector<16xf32>, vector<16xi1>
          %gather3A_236 = tpu.vector_load_idx %arg12[%add3A_133] : memref<20000xf32, #tpu.memory_space<vmem>>[vector<16xi32>], vector<16xf32>,
          %lt3A_237 = arith.cmpf olt, %gather3A_236, %gather3A : vector<16xf32>
          %and3A_238 = arith.andi %and3A, %lt3A_237 : vector<16xi1>
          %gather3A_239 = tpu.vector_load_idx %arg12[%add3A_136] : memref<20000xf32, #tpu.memory_space<vmem>>[vector<16xi32>], vector<16xf32>,
          %lt3A_240 = arith.cmpf olt, %gather3A_239, %gather3A_149 : vector<16xf32>
          %and3A_241 = arith.andi %and3A_217, %lt3A_240 : vector<16xi1>
          %gather3A_242 = tpu.vector_load_idx %arg12[%add3A_139] : memref<20000xf32, #tpu.memory_space<vmem>>[vector<16xi32>], vector<16xf32>,
          %lt3A_243 = arith.cmpf olt, %gather3A_242, %gather3A_153 : vector<16xf32>
          %and3A_244 = arith.andi %and3A_220, %lt3A_243 : vector<16xi1>
          %gather3A_245 = tpu.vector_load_idx %arg12[%add3A_142] : memref<20000xf32, #tpu.memory_space<vmem>>[vector<16xi32>], vector<16xf32>,
          %lt3A_246 = arith.cmpf olt, %gather3A_245, %gather3A_157 : vector<16xf32>
          %and3A_247 = arith.andi %and3A_223, %lt3A_246 : vector<16xi1>
          %gather3A_248 = tpu.vector_load_idx %arg12[%add3A_188] : memref<20000xf32, #tpu.memory_space<vmem>>[vector<16xi32>], vector<16xf32>,
          %lt3A_249 = arith.cmpf olt, %gather3A_248, %gather3A_201 : vector<16xf32>
          %and3A_250 = arith.andi %and3A_226, %lt3A_249 : vector<16xi1>
          %gather3A_251 = tpu.vector_load_idx %arg12[%add3A_191] : memref<20000xf32, #tpu.memory_space<vmem>>[vector<16xi32>], vector<16xf32>,
          %lt3A_252 = arith.cmpf olt, %gather3A_251, %gather3A_205 : vector<16xf32>
          %and3A_253 = arith.andi %and3A_229, %lt3A_252 : vector<16xi1>
          %gather3A_254 = tpu.vector_load_idx %arg12[%add3A_194] : memref<20000xf32, #tpu.memory_space<vmem>>[vector<16xi32>], vector<16xf32>,
          %lt3A_255 = arith.cmpf olt, %gather3A_254, %gather3A_209 : vector<16xf32>
          %and3A_256 = arith.andi %and3A_232, %lt3A_255 : vector<16xi1>
          %gather3A_257 = tpu.vector_load_idx %arg12[%add3A_197] : memref<20000xf32, #tpu.memory_space<vmem>>[vector<16xi32>], vector<16xf32>,
          %lt3A_258 = arith.cmpf olt, %gather3A_257, %gather3A_213 : vector<16xf32>
          %and3A_259 = arith.andi %and3A_235, %lt3A_258 : vector<16xi1>
          %while3A_260:8 = scf.while (%while3A_263 = %and3A_238, %while3A_264 = %and3A_241, %while3A_265 = %and3A_244, %while3A_266 = %and3A_247, %while3A_267 = %and3A_250, %while3A_268 = %and3A_253, %while3A_269 = %and3A_256, %while3A_270 = %and3A_259) : (vector<16xi1>, vector<16xi1>, vector<16xi1>, vector<16xi1>, vector<16xi1>, vector<16xi1>, vector<16xi1>, vector<16xi1>) -> (vector<16xi1>, vector<16xi1>, vector<16xi1>, vector<16xi1>, vector<16xi1>, vector<16xi1>, vector<16xi1>, vector<16xi1>) {
            %or3A = arith.ori %while3A_263, %while3A_264 : vector<16xi1>
            %or3A_271 = arith.ori %or3A, %while3A_265 : vector<16xi1>
            %or3A_272 = arith.ori %or3A_271, %while3A_266 : vector<16xi1>
            %or3A_273 = arith.ori %or3A_272, %while3A_267 : vector<16xi1>
            %or3A_274 = arith.ori %or3A_273, %while3A_268 : vector<16xi1>
            %or3A_275 = arith.ori %or3A_274, %while3A_269 : vector<16xi1>
            %or3A_276 = arith.ori %or3A_275, %while3A_270 : vector<16xi1>
            %reduce_or3A = arith.constant 1.000000e+00 : f32
            %reduce_or3A_277 = arith.constant 0.000000e+00 : f32
            %reduce_or3A_278 = vector.broadcast %reduce_or3A : f32 to vector<16xf32>
            %reduce_or3A_279 = vector.broadcast %reduce_or3A_277 : f32 to vector<16xf32>
            %reduce_or3A_280 = arith.select %or3A_276, %reduce_or3A_278, %reduce_or3A_279 : vector<16xi1>, vector<16xf32>
            %reduce_or3A_281 = arith.constant true
            %reduce_or3A_282 = vector.broadcast %reduce_or3A_281 : i1 to vector<16xi1>
            %reduce_or3A_283 = tpu.scan <max>, %reduce_or3A_280 masked %reduce_or3A_282 : vector<16xf32>, vector<16xi1> -> vector<16xf32>
            %reduce_or3A_284 = vector.extract %reduce_or3A_283[15] : f32 from vector<16xf32>
            %reduce_or3A_285 = arith.constant 0.000000e+00 : f32
            %reduce_or3A_286 = arith.cmpf ogt, %reduce_or3A_284, %reduce_or3A_285 : f32
            scf.condition(%reduce_or3A_286) %while3A_263, %while3A_264, %while3A_265, %while3A_266, %while3A_267, %while3A_268, %while3A_269, %while3A_270 : vector<16xi1>, vector<16xi1>, vector<16xi1>, vector<16xi1>, vector<16xi1>, vector<16xi1>, vector<16xi1>, vector<16xi1>
          } do {
          ^bb0(%while3A_263: vector<16xi1>, %while3A_264: vector<16xi1>, %while3A_265: vector<16xi1>, %while3A_266: vector<16xi1>, %while3A_267: vector<16xi1>, %while3A_268: vector<16xi1>, %while3A_269: vector<16xi1>, %while3A_270: vector<16xi1>):
            %gather3A_271 = tpu.vector_load_idx %arg12[%add3A_133] : memref<20000xf32, #tpu.memory_space<vmem>>[vector<16xi32>], vector<16xf32>,
            %gt3A_272 = arith.cmpf ogt, %gather3A, %gather3A_271 : vector<16xf32>
            %and3A_273 = arith.andi %while3A_263, %gt3A_272 : vector<16xi1>
            tpu.vector_store_idx %arg12[%add3A_133], %gather3A masked %and3A_273 : memref<20000xf32, #tpu.memory_space<vmem>>[vector<16xi32>], vector<16xf32>, vector<16xi1>
            %gather3A_274 = tpu.vector_load_idx %arg12[%add3A_136] : memref<20000xf32, #tpu.memory_space<vmem>>[vector<16xi32>], vector<16xf32>,
            %gt3A_275 = arith.cmpf ogt, %gather3A_149, %gather3A_274 : vector<16xf32>
            %and3A_276 = arith.andi %while3A_264, %gt3A_275 : vector<16xi1>
            tpu.vector_store_idx %arg12[%add3A_136], %gather3A_149 masked %and3A_276 : memref<20000xf32, #tpu.memory_space<vmem>>[vector<16xi32>], vector<16xf32>, vector<16xi1>
            %gather3A_277 = tpu.vector_load_idx %arg12[%add3A_139] : memref<20000xf32, #tpu.memory_space<vmem>>[vector<16xi32>], vector<16xf32>,
            %gt3A_278 = arith.cmpf ogt, %gather3A_153, %gather3A_277 : vector<16xf32>
            %and3A_279 = arith.andi %while3A_265, %gt3A_278 : vector<16xi1>
            tpu.vector_store_idx %arg12[%add3A_139], %gather3A_153 masked %and3A_279 : memref<20000xf32, #tpu.memory_space<vmem>>[vector<16xi32>], vector<16xf32>, vector<16xi1>
            %gather3A_280 = tpu.vector_load_idx %arg12[%add3A_142] : memref<20000xf32, #tpu.memory_space<vmem>>[vector<16xi32>], vector<16xf32>,
            %gt3A_281 = arith.cmpf ogt, %gather3A_157, %gather3A_280 : vector<16xf32>
            %and3A_282 = arith.andi %while3A_266, %gt3A_281 : vector<16xi1>
            tpu.vector_store_idx %arg12[%add3A_142], %gather3A_157 masked %and3A_282 : memref<20000xf32, #tpu.memory_space<vmem>>[vector<16xi32>], vector<16xf32>, vector<16xi1>
            %gather3A_283 = tpu.vector_load_idx %arg12[%add3A_188] : memref<20000xf32, #tpu.memory_space<vmem>>[vector<16xi32>], vector<16xf32>,
            %gt3A_284 = arith.cmpf ogt, %gather3A_201, %gather3A_283 : vector<16xf32>
            %and3A_285 = arith.andi %while3A_267, %gt3A_284 : vector<16xi1>
            tpu.vector_store_idx %arg12[%add3A_188], %gather3A_201 masked %and3A_285 : memref<20000xf32, #tpu.memory_space<vmem>>[vector<16xi32>], vector<16xf32>, vector<16xi1>
            %gather3A_286 = tpu.vector_load_idx %arg12[%add3A_191] : memref<20000xf32, #tpu.memory_space<vmem>>[vector<16xi32>], vector<16xf32>,
            %gt3A_287 = arith.cmpf ogt, %gather3A_205, %gather3A_286 : vector<16xf32>
            %and3A_288 = arith.andi %while3A_268, %gt3A_287 : vector<16xi1>
            tpu.vector_store_idx %arg12[%add3A_191], %gather3A_205 masked %and3A_288 : memref<20000xf32, #tpu.memory_space<vmem>>[vector<16xi32>], vector<16xf32>, vector<16xi1>
            %gather3A_289 = tpu.vector_load_idx %arg12[%add3A_194] : memref<20000xf32, #tpu.memory_space<vmem>>[vector<16xi32>], vector<16xf32>,
            %gt3A_290 = arith.cmpf ogt, %gather3A_209, %gather3A_289 : vector<16xf32>
            %and3A_291 = arith.andi %while3A_269, %gt3A_290 : vector<16xi1>
            tpu.vector_store_idx %arg12[%add3A_194], %gather3A_209 masked %and3A_291 : memref<20000xf32, #tpu.memory_space<vmem>>[vector<16xi32>], vector<16xf32>, vector<16xi1>
            %gather3A_292 = tpu.vector_load_idx %arg12[%add3A_197] : memref<20000xf32, #tpu.memory_space<vmem>>[vector<16xi32>], vector<16xf32>,
            %gt3A_293 = arith.cmpf ogt, %gather3A_213, %gather3A_292 : vector<16xf32>
            %and3A_294 = arith.andi %while3A_270, %gt3A_293 : vector<16xi1>
            tpu.vector_store_idx %arg12[%add3A_197], %gather3A_213 masked %and3A_294 : memref<20000xf32, #tpu.memory_space<vmem>>[vector<16xi32>], vector<16xf32>, vector<16xi1>
            %gather3A_295 = tpu.vector_load_idx %arg12[%add3A_133] : memref<20000xf32, #tpu.memory_space<vmem>>[vector<16xi32>], vector<16xf32>,
            %lt3A_296 = arith.cmpf olt, %gather3A_295, %gather3A : vector<16xf32>
            %and3A_297 = arith.andi %and3A_273, %lt3A_296 : vector<16xi1>
            %gather3A_298 = tpu.vector_load_idx %arg12[%add3A_136] : memref<20000xf32, #tpu.memory_space<vmem>>[vector<16xi32>], vector<16xf32>,
            %lt3A_299 = arith.cmpf olt, %gather3A_298, %gather3A_149 : vector<16xf32>
            %and3A_300 = arith.andi %and3A_276, %lt3A_299 : vector<16xi1>
            %gather3A_301 = tpu.vector_load_idx %arg12[%add3A_139] : memref<20000xf32, #tpu.memory_space<vmem>>[vector<16xi32>], vector<16xf32>,
            %lt3A_302 = arith.cmpf olt, %gather3A_301, %gather3A_153 : vector<16xf32>
            %and3A_303 = arith.andi %and3A_279, %lt3A_302 : vector<16xi1>
            %gather3A_304 = tpu.vector_load_idx %arg12[%add3A_142] : memref<20000xf32, #tpu.memory_space<vmem>>[vector<16xi32>], vector<16xf32>,
            %lt3A_305 = arith.cmpf olt, %gather3A_304, %gather3A_157 : vector<16xf32>
            %and3A_306 = arith.andi %and3A_282, %lt3A_305 : vector<16xi1>
            %gather3A_307 = tpu.vector_load_idx %arg12[%add3A_188] : memref<20000xf32, #tpu.memory_space<vmem>>[vector<16xi32>], vector<16xf32>,
            %lt3A_308 = arith.cmpf olt, %gather3A_307, %gather3A_201 : vector<16xf32>
            %and3A_309 = arith.andi %and3A_285, %lt3A_308 : vector<16xi1>
            %gather3A_310 = tpu.vector_load_idx %arg12[%add3A_191] : memref<20000xf32, #tpu.memory_space<vmem>>[vector<16xi32>], vector<16xf32>,
            %lt3A_311 = arith.cmpf olt, %gather3A_310, %gather3A_205 : vector<16xf32>
            %and3A_312 = arith.andi %and3A_288, %lt3A_311 : vector<16xi1>
            %gather3A_313 = tpu.vector_load_idx %arg12[%add3A_194] : memref<20000xf32, #tpu.memory_space<vmem>>[vector<16xi32>], vector<16xf32>,
            %lt3A_314 = arith.cmpf olt, %gather3A_313, %gather3A_209 : vector<16xf32>
            %and3A_315 = arith.andi %and3A_291, %lt3A_314 : vector<16xi1>
            %gather3A_316 = tpu.vector_load_idx %arg12[%add3A_197] : memref<20000xf32, #tpu.memory_space<vmem>>[vector<16xi32>], vector<16xf32>,
            %lt3A_317 = arith.cmpf olt, %gather3A_316, %gather3A_213 : vector<16xf32>
            %and3A_318 = arith.andi %and3A_294, %lt3A_317 : vector<16xi1>
            scf.yield %and3A_297, %and3A_300, %and3A_303, %and3A_306, %and3A_309, %and3A_312, %and3A_315, %and3A_318 : vector<16xi1>, vector<16xi1>, vector<16xi1>, vector<16xi1>, vector<16xi1>, vector<16xi1>, vector<16xi1>, vector<16xi1>
          }
          %add3A_261 = arith.constant 1 : i32
          %add3A_262 = arith.addi %while3A_105, %add3A_261 : i32
          scf.yield %add3A_262 : i32
        }
      } else {
      }
    }
    %scan3A_37 = arith.constant 63 : i32
    %dma_start3A_38 = arith.constant 0 : i32
    %dma_start3A_39 = arith.constant 0 : i32
    %dma_start3A_40 = tpu.memref_slice %arg6[%dma_start3A_38, %dma_start3A_39] : memref<125x5120xi32, #tpu.memory_space<hbm>> -> memref<1x5120xi32, #tpu.memory_space<hbm>>
    %dma_start3A_41 = tpu.memref_squeeze %dma_start3A_40 : memref<1x5120xi32, #tpu.memory_space<hbm>> -> memref<5120xi32, #tpu.memory_space<hbm>>
    %dma_start3A_42 = arith.constant 0 : i32
    %dma_start3A_43 = tpu.memref_slice %arg6[%dma_start3A_38, %dma_start3A_42] : memref<125x5120xi32, #tpu.memory_space<hbm>> -> memref<1x5120xi32, #tpu.memory_space<hbm>>
    %dma_start3A_44 = tpu.memref_squeeze %dma_start3A_43 : memref<1x5120xi32, #tpu.memory_space<hbm>> -> memref<5120xi32, #tpu.memory_space<hbm>>
    tpu.enqueue_dma source(%dma_start3A_44 : memref<5120xi32, #tpu.memory_space<hbm>>) target(%arg14 : memref<5120xi32, #tpu.memory_space<vmem>>) target_semaphore(%arg16 : memref<!tpu.dma_semaphore, #tpu.memory_space<semaphore_mem>>)
    %scan3A_45 = arith.constant 0 : i32
    %scan3A_46 = arith.constant 0 : i32
    %scan3A_47 = arith.constant 63 : i32
    %scan3A_48 = arith.addi %scan3A_46, %scan3A_47 : i32
    %scan3A_49 = arith.constant 1 : i32
    scf.for %scan3A_51 = %scan3A_46 to %scan3A_48 step %scan3A_49  : i32 {
      %mul3A_52 = arith.constant 2 : i32
      %mul3A_53 = arith.muli %scan3A_51, %mul3A_52 : i32
      %add3A_54 = arith.constant 1 : i32
      %add3A_55 = arith.addi %mul3A_53, %add3A_54 : i32
      %lt3A = arith.constant 125 : i32
      %lt3A_56 = arith.cmpi slt, %add3A_55, %lt3A : i32
      %convert_element_type3A = arith.extui %lt3A_56 : i1 to i32
      %cond3A = arith.constant 0 : i32
      %cond3A_57 = arith.cmpi ne, %convert_element_type3A, %cond3A : i32
      scf.if %cond3A_57 {
        %add3A_86 = arith.constant 1 : i32
        %add3A_87 = arith.addi %mul3A_53, %add3A_86 : i32
        %dma_start3A_88 = arith.constant 0 : i32
        %dma_start3A_89 = tpu.memref_slice %arg6[%add3A_87, %dma_start3A_88] : memref<125x5120xi32, #tpu.memory_space<hbm>> -> memref<1x5120xi32, #tpu.memory_space<hbm>>
        %dma_start3A_90 = tpu.memref_squeeze %dma_start3A_89 : memref<1x5120xi32, #tpu.memory_space<hbm>> -> memref<5120xi32, #tpu.memory_space<hbm>>
        %dma_start3A_91 = arith.constant 0 : i32
        %dma_start3A_92 = tpu.memref_slice %arg6[%add3A_87, %dma_start3A_91] : memref<125x5120xi32, #tpu.memory_space<hbm>> -> memref<1x5120xi32, #tpu.memory_space<hbm>>
        %dma_start3A_93 = tpu.memref_squeeze %dma_start3A_92 : memref<1x5120xi32, #tpu.memory_space<hbm>> -> memref<5120xi32, #tpu.memory_space<hbm>>
        tpu.enqueue_dma source(%dma_start3A_93 : memref<5120xi32, #tpu.memory_space<hbm>>) target(%arg15 : memref<5120xi32, #tpu.memory_space<vmem>>) target_semaphore(%arg17 : memref<!tpu.dma_semaphore, #tpu.memory_space<semaphore_mem>>)
      } else {
      }
      %dma_wait3A = arith.constant 0 : i32
      %dma_wait3A_58 = tpu.memref_slice %arg6[%mul3A_53, %dma_wait3A] : memref<125x5120xi32, #tpu.memory_space<hbm>> -> memref<1x5120xi32, #tpu.memory_space<hbm>>
      %dma_wait3A_59 = tpu.memref_squeeze %dma_wait3A_58 : memref<1x5120xi32, #tpu.memory_space<hbm>> -> memref<5120xi32, #tpu.memory_space<hbm>>
      %dma_wait3A_60 = arith.constant 0 : i32
      %dma_wait3A_61 = tpu.memref_slice %arg6[%mul3A_53, %dma_wait3A_60] : memref<125x5120xi32, #tpu.memory_space<hbm>> -> memref<1x5120xi32, #tpu.memory_space<hbm>>
      %dma_wait3A_62 = tpu.memref_squeeze %dma_wait3A_61 : memref<1x5120xi32, #tpu.memory_space<hbm>> -> memref<5120xi32, #tpu.memory_space<hbm>>
      tpu.wait_dma2 semaphore(%arg16 : memref<!tpu.dma_semaphore, #tpu.memory_space<semaphore_mem>>) src(%dma_wait3A_62 : memref<5120xi32, #tpu.memory_space<hbm>>) dst(%arg14 : memref<5120xi32, #tpu.memory_space<vmem>>)
      %iota3A = tpu.iota {dimensions = array<i32: 0>} : vector<16xi32>
      %broadcast_in_dim3A_63 = arith.constant 0 : i32
      %broadcast_in_dim3A_64 = vector.broadcast %broadcast_in_dim3A_63 : i32 to vector<16xi32>
      %scan3A_65 = arith.constant 0 : i32
      %scan3A_66 = arith.constant 160 : i32
      %scan3A_67 = arith.addi %scan3A_65, %scan3A_66 : i32
      %scan3A_68 = arith.constant 1 : i32
      %scan3A_69 = scf.for %scan3A_86 = %scan3A_65 to %scan3A_67 step %scan3A_68 iter_args(%scan3A_87 = %broadcast_in_dim3A_64) -> (vector<16xi32>)  : i32 {
        %mul3A_88 = arith.constant 16 : i32
        %mul3A_89 = arith.muli %scan3A_86, %mul3A_88 : i32
        %get3A = arith.index_cast %mul3A_89 : i32 to index
        %get3A_90 = tpu.vector_load %arg14[%get3A] {strides = array<i32>} : memref<5120xi32, #tpu.memory_space<vmem>>, vector<16xi32>,
        %mul3A_91 = arith.constant 16 : i32
        %mul3A_92 = arith.muli %scan3A_86, %mul3A_91 : i32
        %add3A_93 = arith.constant 2560 : i32
        %add3A_94 = arith.addi %add3A_93, %mul3A_92 : i32
        %get3A_95 = arith.index_cast %add3A_94 : i32 to index
        %get3A_96 = tpu.vector_load %arg14[%get3A_95] {strides = array<i32>} : memref<5120xi32, #tpu.memory_space<vmem>>, vector<16xi32>,
        %lt3A_97 = arith.constant 5000 : i32
        %lt3A_98 = vector.broadcast %lt3A_97 : i32 to vector<16xi32>
        %lt3A_99 = arith.cmpi slt, %get3A_90, %lt3A_98 : vector<16xi32>
        %jit3A = arith.constant 1 : i32
        %jit3A_100 = arith.constant 0 : i32
        %broadcast_in_dim3A_101 = vector.broadcast %jit3A : i32 to vector<16xi32>
        %broadcast_in_dim3A_102 = vector.broadcast %jit3A_100 : i32 to vector<16xi32>
        %select_n3A = arith.select %lt3A_99, %broadcast_in_dim3A_101, %broadcast_in_dim3A_102 : vector<16xi1>, vector<16xi32>
        %broadcast_in_dim3A_103 = arith.constant true
        %broadcast_in_dim3A_104 = vector.broadcast %broadcast_in_dim3A_103 : i1 to vector<16xi1>
        %masked_cumsum3A = tpu.scan <sum>, %select_n3A masked %broadcast_in_dim3A_104 : vector<16xi32>, vector<16xi1> -> vector<16xi32>
        %add3A_105 = arith.addi %scan3A_87, %masked_cumsum3A : vector<16xi32>
        %sub3A = arith.constant 1 : i32
        %sub3A_106 = vector.broadcast %sub3A : i32 to vector<16xi32>
        %sub3A_107 = arith.subi %add3A_105, %sub3A_106 : vector<16xi32>
        %jit3A_108 = arith.constant 0 : i32
        %broadcast_in_dim3A_109 = vector.broadcast %jit3A_108 : i32 to vector<16xi32>
        %select_n3A_110 = arith.select %lt3A_99, %sub3A_107, %broadcast_in_dim3A_109 : vector<16xi1>, vector<16xi32>
        tpu.vector_store_idx %arg14[%select_n3A_110], %get3A_90 masked %lt3A_99 : memref<5120xi32, #tpu.memory_space<vmem>>[vector<16xi32>], vector<16xi32>, vector<16xi1>
        %add3A_111 = arith.constant 2560 : i32
        %add3A_112 = vector.broadcast %add3A_111 : i32 to vector<16xi32>
        %add3A_113 = arith.addi %select_n3A_110, %add3A_112 : vector<16xi32>
        tpu.vector_store_idx %arg14[%add3A_113], %get3A_96 masked %lt3A_99 : memref<5120xi32, #tpu.memory_space<vmem>>[vector<16xi32>], vector<16xi32>, vector<16xi1>
        %all_reduce_population_count3A = tpu.all_reduce %lt3A_99 {dim = 0 : i64, kind = #tpu.reduction_kind<sum>} : vector<16xi1> -> vector<16xi32>
        %add3A_114 = arith.addi %scan3A_87, %all_reduce_population_count3A : vector<16xi32>
        scf.yield %add3A_114 : vector<16xi32>
      }
      %scan3A_70 = arith.constant 160 : i32
      %while3A = arith.constant 0 : i32
      %while3A_71 = scf.while (%while3A_86 = %while3A) : (i32) -> i32 {
        %mul3A_87 = arith.constant 32 : i32
        %mul3A_88 = arith.muli %while3A_86, %mul3A_87 : i32
        %lt3A_89 = vector.broadcast %mul3A_88 : i32 to vector<16xi32>
        %lt3A_90 = arith.cmpi slt, %lt3A_89, %scan3A_69 : vector<16xi32>
        %reduce_or3A = arith.constant 1.000000e+00 : f32
        %reduce_or3A_91 = arith.constant 0.000000e+00 : f32
        %reduce_or3A_92 = vector.broadcast %reduce_or3A : f32 to vector<16xf32>
        %reduce_or3A_93 = vector.broadcast %reduce_or3A_91 : f32 to vector<16xf32>
        %reduce_or3A_94 = arith.select %lt3A_90, %reduce_or3A_92, %reduce_or3A_93 : vector<16xi1>, vector<16xf32>
        %reduce_or3A_95 = arith.constant true
        %reduce_or3A_96 = vector.broadcast %reduce_or3A_95 : i1 to vector<16xi1>
        %reduce_or3A_97 = tpu.scan <max>, %reduce_or3A_94 masked %reduce_or3A_96 : vector<16xf32>, vector<16xi1> -> vector<16xf32>
        %reduce_or3A_98 = vector.extract %reduce_or3A_97[15] : f32 from vector<16xf32>
        %reduce_or3A_99 = arith.constant 0.000000e+00 : f32
        %reduce_or3A_100 = arith.cmpf ogt, %reduce_or3A_98, %reduce_or3A_99 : f32
        scf.condition(%reduce_or3A_100) %while3A_86 : i32
      } do {
      ^bb0(%while3A_86: i32):
        %mul3A_87 = arith.constant 2 : i32
        %mul3A_88 = arith.muli %while3A_86, %mul3A_87 : i32
        %add3A_89 = arith.constant 0 : i32
        %add3A_90 = arith.addi %mul3A_88, %add3A_89 : i32
        %mul3A_91 = arith.constant 16 : i32
        %mul3A_92 = arith.muli %add3A_90, %mul3A_91 : i32
        %get3A = arith.index_cast %mul3A_92 : i32 to index
        %get3A_93 = tpu.vector_load %arg14[%get3A] {strides = array<i32>} : memref<5120xi32, #tpu.memory_space<vmem>>, vector<16xi32>,
        %mul3A_94 = arith.constant 16 : i32
        %mul3A_95 = arith.muli %add3A_90, %mul3A_94 : i32
        %add3A_96 = arith.constant 2560 : i32
        %add3A_97 = arith.addi %add3A_96, %mul3A_95 : i32
        %get3A_98 = arith.index_cast %add3A_97 : i32 to index
        %get3A_99 = tpu.vector_load %arg14[%get3A_98] {strides = array<i32>} : memref<5120xi32, #tpu.memory_space<vmem>>, vector<16xi32>,
        %mul3A_100 = arith.constant 16 : i32
        %mul3A_101 = arith.muli %add3A_90, %mul3A_100 : i32
        %add3A_102 = vector.broadcast %mul3A_101 : i32 to vector<16xi32>
        %add3A_103 = arith.addi %add3A_102, %iota3A : vector<16xi32>
        %lt3A_104 = arith.cmpi slt, %add3A_103, %scan3A_69 : vector<16xi32>
        %jit3A = arith.constant 0 : i32
        %broadcast_in_dim3A_105 = vector.broadcast %jit3A : i32 to vector<16xi32>
        %select_n3A = arith.select %lt3A_104, %get3A_93, %broadcast_in_dim3A_105 : vector<16xi1>, vector<16xi32>
        %mul3A_106 = arith.constant 4 : i32
        %mul3A_107 = vector.broadcast %mul3A_106 : i32 to vector<16xi32>
        %mul3A_108 = arith.muli %select_n3A, %mul3A_107 : vector<16xi32>
        %mul3A_109 = arith.constant 4 : i32
        %mul3A_110 = vector.broadcast %mul3A_109 : i32 to vector<16xi32>
        %mul3A_111 = arith.muli %get3A_99, %mul3A_110 : vector<16xi32>
        %add3A_112 = arith.constant 0 : i32
        %add3A_113 = vector.broadcast %add3A_112 : i32 to vector<16xi32>
        %add3A_114 = arith.addi %mul3A_108, %add3A_113 : vector<16xi32>
        %add3A_115 = arith.constant 1 : i32
        %add3A_116 = vector.broadcast %add3A_115 : i32 to vector<16xi32>
        %add3A_117 = arith.addi %mul3A_108, %add3A_116 : vector<16xi32>
        %add3A_118 = arith.constant 2 : i32
        %add3A_119 = vector.broadcast %add3A_118 : i32 to vector<16xi32>
        %add3A_120 = arith.addi %mul3A_108, %add3A_119 : vector<16xi32>
        %add3A_121 = arith.constant 3 : i32
        %add3A_122 = vector.broadcast %add3A_121 : i32 to vector<16xi32>
        %add3A_123 = arith.addi %mul3A_108, %add3A_122 : vector<16xi32>
        %add3A_124 = arith.constant 0 : i32
        %add3A_125 = vector.broadcast %add3A_124 : i32 to vector<16xi32>
        %add3A_126 = arith.addi %mul3A_111, %add3A_125 : vector<16xi32>
        %gather3A = tpu.vector_load_idx %arg10[%add3A_126] : memref<40000xf32, #tpu.memory_space<vmem>>[vector<16xi32>], vector<16xf32>,
        %add3A_127 = arith.constant 1 : i32
        %add3A_128 = vector.broadcast %add3A_127 : i32 to vector<16xi32>
        %add3A_129 = arith.addi %mul3A_111, %add3A_128 : vector<16xi32>
        %gather3A_130 = tpu.vector_load_idx %arg10[%add3A_129] : memref<40000xf32, #tpu.memory_space<vmem>>[vector<16xi32>], vector<16xf32>,
        %add3A_131 = arith.constant 2 : i32
        %add3A_132 = vector.broadcast %add3A_131 : i32 to vector<16xi32>
        %add3A_133 = arith.addi %mul3A_111, %add3A_132 : vector<16xi32>
        %gather3A_134 = tpu.vector_load_idx %arg10[%add3A_133] : memref<40000xf32, #tpu.memory_space<vmem>>[vector<16xi32>], vector<16xf32>,
        %add3A_135 = arith.constant 3 : i32
        %add3A_136 = vector.broadcast %add3A_135 : i32 to vector<16xi32>
        %add3A_137 = arith.addi %mul3A_111, %add3A_136 : vector<16xi32>
        %gather3A_138 = tpu.vector_load_idx %arg10[%add3A_137] : memref<40000xf32, #tpu.memory_space<vmem>>[vector<16xi32>], vector<16xf32>,
        %mul3A_139 = arith.constant 2 : i32
        %mul3A_140 = arith.muli %while3A_86, %mul3A_139 : i32
        %add3A_141 = arith.constant 1 : i32
        %add3A_142 = arith.addi %mul3A_140, %add3A_141 : i32
        %mul3A_143 = arith.constant 16 : i32
        %mul3A_144 = arith.muli %add3A_142, %mul3A_143 : i32
        %get3A_145 = arith.index_cast %mul3A_144 : i32 to index
        %get3A_146 = tpu.vector_load %arg14[%get3A_145] {strides = array<i32>} : memref<5120xi32, #tpu.memory_space<vmem>>, vector<16xi32>,
        %mul3A_147 = arith.constant 16 : i32
        %mul3A_148 = arith.muli %add3A_142, %mul3A_147 : i32
        %add3A_149 = arith.constant 2560 : i32
        %add3A_150 = arith.addi %add3A_149, %mul3A_148 : i32
        %get3A_151 = arith.index_cast %add3A_150 : i32 to index
        %get3A_152 = tpu.vector_load %arg14[%get3A_151] {strides = array<i32>} : memref<5120xi32, #tpu.memory_space<vmem>>, vector<16xi32>,
        %mul3A_153 = arith.constant 16 : i32
        %mul3A_154 = arith.muli %add3A_142, %mul3A_153 : i32
        %add3A_155 = vector.broadcast %mul3A_154 : i32 to vector<16xi32>
        %add3A_156 = arith.addi %add3A_155, %iota3A : vector<16xi32>
        %lt3A_157 = arith.cmpi slt, %add3A_156, %scan3A_69 : vector<16xi32>
        %jit3A_158 = arith.constant 0 : i32
        %broadcast_in_dim3A_159 = vector.broadcast %jit3A_158 : i32 to vector<16xi32>
        %select_n3A_160 = arith.select %lt3A_157, %get3A_146, %broadcast_in_dim3A_159 : vector<16xi1>, vector<16xi32>
        %mul3A_161 = arith.constant 4 : i32
        %mul3A_162 = vector.broadcast %mul3A_161 : i32 to vector<16xi32>
        %mul3A_163 = arith.muli %select_n3A_160, %mul3A_162 : vector<16xi32>
        %mul3A_164 = arith.constant 4 : i32
        %mul3A_165 = vector.broadcast %mul3A_164 : i32 to vector<16xi32>
        %mul3A_166 = arith.muli %get3A_152, %mul3A_165 : vector<16xi32>
        %add3A_167 = arith.constant 0 : i32
        %add3A_168 = vector.broadcast %add3A_167 : i32 to vector<16xi32>
        %add3A_169 = arith.addi %mul3A_163, %add3A_168 : vector<16xi32>
        %add3A_170 = arith.constant 1 : i32
        %add3A_171 = vector.broadcast %add3A_170 : i32 to vector<16xi32>
        %add3A_172 = arith.addi %mul3A_163, %add3A_171 : vector<16xi32>
        %add3A_173 = arith.constant 2 : i32
        %add3A_174 = vector.broadcast %add3A_173 : i32 to vector<16xi32>
        %add3A_175 = arith.addi %mul3A_163, %add3A_174 : vector<16xi32>
        %add3A_176 = arith.constant 3 : i32
        %add3A_177 = vector.broadcast %add3A_176 : i32 to vector<16xi32>
        %add3A_178 = arith.addi %mul3A_163, %add3A_177 : vector<16xi32>
        %add3A_179 = arith.constant 0 : i32
        %add3A_180 = vector.broadcast %add3A_179 : i32 to vector<16xi32>
        %add3A_181 = arith.addi %mul3A_166, %add3A_180 : vector<16xi32>
        %gather3A_182 = tpu.vector_load_idx %arg10[%add3A_181] : memref<40000xf32, #tpu.memory_space<vmem>>[vector<16xi32>], vector<16xf32>,
        %add3A_183 = arith.constant 1 : i32
        %add3A_184 = vector.broadcast %add3A_183 : i32 to vector<16xi32>
        %add3A_185 = arith.addi %mul3A_166, %add3A_184 : vector<16xi32>
        %gather3A_186 = tpu.vector_load_idx %arg10[%add3A_185] : memref<40000xf32, #tpu.memory_space<vmem>>[vector<16xi32>], vector<16xf32>,
        %add3A_187 = arith.constant 2 : i32
        %add3A_188 = vector.broadcast %add3A_187 : i32 to vector<16xi32>
        %add3A_189 = arith.addi %mul3A_166, %add3A_188 : vector<16xi32>
        %gather3A_190 = tpu.vector_load_idx %arg10[%add3A_189] : memref<40000xf32, #tpu.memory_space<vmem>>[vector<16xi32>], vector<16xf32>,
        %add3A_191 = arith.constant 3 : i32
        %add3A_192 = vector.broadcast %add3A_191 : i32 to vector<16xi32>
        %add3A_193 = arith.addi %mul3A_166, %add3A_192 : vector<16xi32>
        %gather3A_194 = tpu.vector_load_idx %arg10[%add3A_193] : memref<40000xf32, #tpu.memory_space<vmem>>[vector<16xi32>], vector<16xf32>,
        %gather3A_195 = tpu.vector_load_idx %arg12[%add3A_114] : memref<20000xf32, #tpu.memory_space<vmem>>[vector<16xi32>], vector<16xf32>,
        %gt3A = arith.cmpf ogt, %gather3A, %gather3A_195 : vector<16xf32>
        %and3A = arith.andi %lt3A_104, %gt3A : vector<16xi1>
        tpu.vector_store_idx %arg12[%add3A_114], %gather3A masked %and3A : memref<20000xf32, #tpu.memory_space<vmem>>[vector<16xi32>], vector<16xf32>, vector<16xi1>
        %gather3A_196 = tpu.vector_load_idx %arg12[%add3A_117] : memref<20000xf32, #tpu.memory_space<vmem>>[vector<16xi32>], vector<16xf32>,
        %gt3A_197 = arith.cmpf ogt, %gather3A_130, %gather3A_196 : vector<16xf32>
        %and3A_198 = arith.andi %lt3A_104, %gt3A_197 : vector<16xi1>
        tpu.vector_store_idx %arg12[%add3A_117], %gather3A_130 masked %and3A_198 : memref<20000xf32, #tpu.memory_space<vmem>>[vector<16xi32>], vector<16xf32>, vector<16xi1>
        %gather3A_199 = tpu.vector_load_idx %arg12[%add3A_120] : memref<20000xf32, #tpu.memory_space<vmem>>[vector<16xi32>], vector<16xf32>,
        %gt3A_200 = arith.cmpf ogt, %gather3A_134, %gather3A_199 : vector<16xf32>
        %and3A_201 = arith.andi %lt3A_104, %gt3A_200 : vector<16xi1>
        tpu.vector_store_idx %arg12[%add3A_120], %gather3A_134 masked %and3A_201 : memref<20000xf32, #tpu.memory_space<vmem>>[vector<16xi32>], vector<16xf32>, vector<16xi1>
        %gather3A_202 = tpu.vector_load_idx %arg12[%add3A_123] : memref<20000xf32, #tpu.memory_space<vmem>>[vector<16xi32>], vector<16xf32>,
        %gt3A_203 = arith.cmpf ogt, %gather3A_138, %gather3A_202 : vector<16xf32>
        %and3A_204 = arith.andi %lt3A_104, %gt3A_203 : vector<16xi1>
        tpu.vector_store_idx %arg12[%add3A_123], %gather3A_138 masked %and3A_204 : memref<20000xf32, #tpu.memory_space<vmem>>[vector<16xi32>], vector<16xf32>, vector<16xi1>
        %gather3A_205 = tpu.vector_load_idx %arg12[%add3A_169] : memref<20000xf32, #tpu.memory_space<vmem>>[vector<16xi32>], vector<16xf32>,
        %gt3A_206 = arith.cmpf ogt, %gather3A_182, %gather3A_205 : vector<16xf32>
        %and3A_207 = arith.andi %lt3A_157, %gt3A_206 : vector<16xi1>
        tpu.vector_store_idx %arg12[%add3A_169], %gather3A_182 masked %and3A_207 : memref<20000xf32, #tpu.memory_space<vmem>>[vector<16xi32>], vector<16xf32>, vector<16xi1>
        %gather3A_208 = tpu.vector_load_idx %arg12[%add3A_172] : memref<20000xf32, #tpu.memory_space<vmem>>[vector<16xi32>], vector<16xf32>,
        %gt3A_209 = arith.cmpf ogt, %gather3A_186, %gather3A_208 : vector<16xf32>
        %and3A_210 = arith.andi %lt3A_157, %gt3A_209 : vector<16xi1>
        tpu.vector_store_idx %arg12[%add3A_172], %gather3A_186 masked %and3A_210 : memref<20000xf32, #tpu.memory_space<vmem>>[vector<16xi32>], vector<16xf32>, vector<16xi1>
        %gather3A_211 = tpu.vector_load_idx %arg12[%add3A_175] : memref<20000xf32, #tpu.memory_space<vmem>>[vector<16xi32>], vector<16xf32>,
        %gt3A_212 = arith.cmpf ogt, %gather3A_190, %gather3A_211 : vector<16xf32>
        %and3A_213 = arith.andi %lt3A_157, %gt3A_212 : vector<16xi1>
        tpu.vector_store_idx %arg12[%add3A_175], %gather3A_190 masked %and3A_213 : memref<20000xf32, #tpu.memory_space<vmem>>[vector<16xi32>], vector<16xf32>, vector<16xi1>
        %gather3A_214 = tpu.vector_load_idx %arg12[%add3A_178] : memref<20000xf32, #tpu.memory_space<vmem>>[vector<16xi32>], vector<16xf32>,
        %gt3A_215 = arith.cmpf ogt, %gather3A_194, %gather3A_214 : vector<16xf32>
        %and3A_216 = arith.andi %lt3A_157, %gt3A_215 : vector<16xi1>
        tpu.vector_store_idx %arg12[%add3A_178], %gather3A_194 masked %and3A_216 : memref<20000xf32, #tpu.memory_space<vmem>>[vector<16xi32>], vector<16xf32>, vector<16xi1>
        %gather3A_217 = tpu.vector_load_idx %arg12[%add3A_114] : memref<20000xf32, #tpu.memory_space<vmem>>[vector<16xi32>], vector<16xf32>,
        %lt3A_218 = arith.cmpf olt, %gather3A_217, %gather3A : vector<16xf32>
        %and3A_219 = arith.andi %and3A, %lt3A_218 : vector<16xi1>
        %gather3A_220 = tpu.vector_load_idx %arg12[%add3A_117] : memref<20000xf32, #tpu.memory_space<vmem>>[vector<16xi32>], vector<16xf32>,
        %lt3A_221 = arith.cmpf olt, %gather3A_220, %gather3A_130 : vector<16xf32>
        %and3A_222 = arith.andi %and3A_198, %lt3A_221 : vector<16xi1>
        %gather3A_223 = tpu.vector_load_idx %arg12[%add3A_120] : memref<20000xf32, #tpu.memory_space<vmem>>[vector<16xi32>], vector<16xf32>,
        %lt3A_224 = arith.cmpf olt, %gather3A_223, %gather3A_134 : vector<16xf32>
        %and3A_225 = arith.andi %and3A_201, %lt3A_224 : vector<16xi1>
        %gather3A_226 = tpu.vector_load_idx %arg12[%add3A_123] : memref<20000xf32, #tpu.memory_space<vmem>>[vector<16xi32>], vector<16xf32>,
        %lt3A_227 = arith.cmpf olt, %gather3A_226, %gather3A_138 : vector<16xf32>
        %and3A_228 = arith.andi %and3A_204, %lt3A_227 : vector<16xi1>
        %gather3A_229 = tpu.vector_load_idx %arg12[%add3A_169] : memref<20000xf32, #tpu.memory_space<vmem>>[vector<16xi32>], vector<16xf32>,
        %lt3A_230 = arith.cmpf olt, %gather3A_229, %gather3A_182 : vector<16xf32>
        %and3A_231 = arith.andi %and3A_207, %lt3A_230 : vector<16xi1>
        %gather3A_232 = tpu.vector_load_idx %arg12[%add3A_172] : memref<20000xf32, #tpu.memory_space<vmem>>[vector<16xi32>], vector<16xf32>,
        %lt3A_233 = arith.cmpf olt, %gather3A_232, %gather3A_186 : vector<16xf32>
        %and3A_234 = arith.andi %and3A_210, %lt3A_233 : vector<16xi1>
        %gather3A_235 = tpu.vector_load_idx %arg12[%add3A_175] : memref<20000xf32, #tpu.memory_space<vmem>>[vector<16xi32>], vector<16xf32>,
        %lt3A_236 = arith.cmpf olt, %gather3A_235, %gather3A_190 : vector<16xf32>
        %and3A_237 = arith.andi %and3A_213, %lt3A_236 : vector<16xi1>
        %gather3A_238 = tpu.vector_load_idx %arg12[%add3A_178] : memref<20000xf32, #tpu.memory_space<vmem>>[vector<16xi32>], vector<16xf32>,
        %lt3A_239 = arith.cmpf olt, %gather3A_238, %gather3A_194 : vector<16xf32>
        %and3A_240 = arith.andi %and3A_216, %lt3A_239 : vector<16xi1>
        %while3A_241:8 = scf.while (%while3A_244 = %and3A_219, %while3A_245 = %and3A_222, %while3A_246 = %and3A_225, %while3A_247 = %and3A_228, %while3A_248 = %and3A_231, %while3A_249 = %and3A_234, %while3A_250 = %and3A_237, %while3A_251 = %and3A_240) : (vector<16xi1>, vector<16xi1>, vector<16xi1>, vector<16xi1>, vector<16xi1>, vector<16xi1>, vector<16xi1>, vector<16xi1>) -> (vector<16xi1>, vector<16xi1>, vector<16xi1>, vector<16xi1>, vector<16xi1>, vector<16xi1>, vector<16xi1>, vector<16xi1>) {
          %or3A = arith.ori %while3A_244, %while3A_245 : vector<16xi1>
          %or3A_252 = arith.ori %or3A, %while3A_246 : vector<16xi1>
          %or3A_253 = arith.ori %or3A_252, %while3A_247 : vector<16xi1>
          %or3A_254 = arith.ori %or3A_253, %while3A_248 : vector<16xi1>
          %or3A_255 = arith.ori %or3A_254, %while3A_249 : vector<16xi1>
          %or3A_256 = arith.ori %or3A_255, %while3A_250 : vector<16xi1>
          %or3A_257 = arith.ori %or3A_256, %while3A_251 : vector<16xi1>
          %reduce_or3A = arith.constant 1.000000e+00 : f32
          %reduce_or3A_258 = arith.constant 0.000000e+00 : f32
          %reduce_or3A_259 = vector.broadcast %reduce_or3A : f32 to vector<16xf32>
          %reduce_or3A_260 = vector.broadcast %reduce_or3A_258 : f32 to vector<16xf32>
          %reduce_or3A_261 = arith.select %or3A_257, %reduce_or3A_259, %reduce_or3A_260 : vector<16xi1>, vector<16xf32>
          %reduce_or3A_262 = arith.constant true
          %reduce_or3A_263 = vector.broadcast %reduce_or3A_262 : i1 to vector<16xi1>
          %reduce_or3A_264 = tpu.scan <max>, %reduce_or3A_261 masked %reduce_or3A_263 : vector<16xf32>, vector<16xi1> -> vector<16xf32>
          %reduce_or3A_265 = vector.extract %reduce_or3A_264[15] : f32 from vector<16xf32>
          %reduce_or3A_266 = arith.constant 0.000000e+00 : f32
          %reduce_or3A_267 = arith.cmpf ogt, %reduce_or3A_265, %reduce_or3A_266 : f32
          scf.condition(%reduce_or3A_267) %while3A_244, %while3A_245, %while3A_246, %while3A_247, %while3A_248, %while3A_249, %while3A_250, %while3A_251 : vector<16xi1>, vector<16xi1>, vector<16xi1>, vector<16xi1>, vector<16xi1>, vector<16xi1>, vector<16xi1>, vector<16xi1>
        } do {
        ^bb0(%while3A_244: vector<16xi1>, %while3A_245: vector<16xi1>, %while3A_246: vector<16xi1>, %while3A_247: vector<16xi1>, %while3A_248: vector<16xi1>, %while3A_249: vector<16xi1>, %while3A_250: vector<16xi1>, %while3A_251: vector<16xi1>):
          %gather3A_252 = tpu.vector_load_idx %arg12[%add3A_114] : memref<20000xf32, #tpu.memory_space<vmem>>[vector<16xi32>], vector<16xf32>,
          %gt3A_253 = arith.cmpf ogt, %gather3A, %gather3A_252 : vector<16xf32>
          %and3A_254 = arith.andi %while3A_244, %gt3A_253 : vector<16xi1>
          tpu.vector_store_idx %arg12[%add3A_114], %gather3A masked %and3A_254 : memref<20000xf32, #tpu.memory_space<vmem>>[vector<16xi32>], vector<16xf32>, vector<16xi1>
          %gather3A_255 = tpu.vector_load_idx %arg12[%add3A_117] : memref<20000xf32, #tpu.memory_space<vmem>>[vector<16xi32>], vector<16xf32>,
          %gt3A_256 = arith.cmpf ogt, %gather3A_130, %gather3A_255 : vector<16xf32>
          %and3A_257 = arith.andi %while3A_245, %gt3A_256 : vector<16xi1>
          tpu.vector_store_idx %arg12[%add3A_117], %gather3A_130 masked %and3A_257 : memref<20000xf32, #tpu.memory_space<vmem>>[vector<16xi32>], vector<16xf32>, vector<16xi1>
          %gather3A_258 = tpu.vector_load_idx %arg12[%add3A_120] : memref<20000xf32, #tpu.memory_space<vmem>>[vector<16xi32>], vector<16xf32>,
          %gt3A_259 = arith.cmpf ogt, %gather3A_134, %gather3A_258 : vector<16xf32>
          %and3A_260 = arith.andi %while3A_246, %gt3A_259 : vector<16xi1>
          tpu.vector_store_idx %arg12[%add3A_120], %gather3A_134 masked %and3A_260 : memref<20000xf32, #tpu.memory_space<vmem>>[vector<16xi32>], vector<16xf32>, vector<16xi1>
          %gather3A_261 = tpu.vector_load_idx %arg12[%add3A_123] : memref<20000xf32, #tpu.memory_space<vmem>>[vector<16xi32>], vector<16xf32>,
          %gt3A_262 = arith.cmpf ogt, %gather3A_138, %gather3A_261 : vector<16xf32>
          %and3A_263 = arith.andi %while3A_247, %gt3A_262 : vector<16xi1>
          tpu.vector_store_idx %arg12[%add3A_123], %gather3A_138 masked %and3A_263 : memref<20000xf32, #tpu.memory_space<vmem>>[vector<16xi32>], vector<16xf32>, vector<16xi1>
          %gather3A_264 = tpu.vector_load_idx %arg12[%add3A_169] : memref<20000xf32, #tpu.memory_space<vmem>>[vector<16xi32>], vector<16xf32>,
          %gt3A_265 = arith.cmpf ogt, %gather3A_182, %gather3A_264 : vector<16xf32>
          %and3A_266 = arith.andi %while3A_248, %gt3A_265 : vector<16xi1>
          tpu.vector_store_idx %arg12[%add3A_169], %gather3A_182 masked %and3A_266 : memref<20000xf32, #tpu.memory_space<vmem>>[vector<16xi32>], vector<16xf32>, vector<16xi1>
          %gather3A_267 = tpu.vector_load_idx %arg12[%add3A_172] : memref<20000xf32, #tpu.memory_space<vmem>>[vector<16xi32>], vector<16xf32>,
          %gt3A_268 = arith.cmpf ogt, %gather3A_186, %gather3A_267 : vector<16xf32>
          %and3A_269 = arith.andi %while3A_249, %gt3A_268 : vector<16xi1>
          tpu.vector_store_idx %arg12[%add3A_172], %gather3A_186 masked %and3A_269 : memref<20000xf32, #tpu.memory_space<vmem>>[vector<16xi32>], vector<16xf32>, vector<16xi1>
          %gather3A_270 = tpu.vector_load_idx %arg12[%add3A_175] : memref<20000xf32, #tpu.memory_space<vmem>>[vector<16xi32>], vector<16xf32>,
          %gt3A_271 = arith.cmpf ogt, %gather3A_190, %gather3A_270 : vector<16xf32>
          %and3A_272 = arith.andi %while3A_250, %gt3A_271 : vector<16xi1>
          tpu.vector_store_idx %arg12[%add3A_175], %gather3A_190 masked %and3A_272 : memref<20000xf32, #tpu.memory_space<vmem>>[vector<16xi32>], vector<16xf32>, vector<16xi1>
          %gather3A_273 = tpu.vector_load_idx %arg12[%add3A_178] : memref<20000xf32, #tpu.memory_space<vmem>>[vector<16xi32>], vector<16xf32>,
          %gt3A_274 = arith.cmpf ogt, %gather3A_194, %gather3A_273 : vector<16xf32>
          %and3A_275 = arith.andi %while3A_251, %gt3A_274 : vector<16xi1>
          tpu.vector_store_idx %arg12[%add3A_178], %gather3A_194 masked %and3A_275 : memref<20000xf32, #tpu.memory_space<vmem>>[vector<16xi32>], vector<16xf32>, vector<16xi1>
          %gather3A_276 = tpu.vector_load_idx %arg12[%add3A_114] : memref<20000xf32, #tpu.memory_space<vmem>>[vector<16xi32>], vector<16xf32>,
          %lt3A_277 = arith.cmpf olt, %gather3A_276, %gather3A : vector<16xf32>
          %and3A_278 = arith.andi %and3A_254, %lt3A_277 : vector<16xi1>
          %gather3A_279 = tpu.vector_load_idx %arg12[%add3A_117] : memref<20000xf32, #tpu.memory_space<vmem>>[vector<16xi32>], vector<16xf32>,
          %lt3A_280 = arith.cmpf olt, %gather3A_279, %gather3A_130 : vector<16xf32>
          %and3A_281 = arith.andi %and3A_257, %lt3A_280 : vector<16xi1>
          %gather3A_282 = tpu.vector_load_idx %arg12[%add3A_120] : memref<20000xf32, #tpu.memory_space<vmem>>[vector<16xi32>], vector<16xf32>,
          %lt3A_283 = arith.cmpf olt, %gather3A_282, %gather3A_134 : vector<16xf32>
          %and3A_284 = arith.andi %and3A_260, %lt3A_283 : vector<16xi1>
          %gather3A_285 = tpu.vector_load_idx %arg12[%add3A_123] : memref<20000xf32, #tpu.memory_space<vmem>>[vector<16xi32>], vector<16xf32>,
          %lt3A_286 = arith.cmpf olt, %gather3A_285, %gather3A_138 : vector<16xf32>
          %and3A_287 = arith.andi %and3A_263, %lt3A_286 : vector<16xi1>
          %gather3A_288 = tpu.vector_load_idx %arg12[%add3A_169] : memref<20000xf32, #tpu.memory_space<vmem>>[vector<16xi32>], vector<16xf32>,
          %lt3A_289 = arith.cmpf olt, %gather3A_288, %gather3A_182 : vector<16xf32>
          %and3A_290 = arith.andi %and3A_266, %lt3A_289 : vector<16xi1>
          %gather3A_291 = tpu.vector_load_idx %arg12[%add3A_172] : memref<20000xf32, #tpu.memory_space<vmem>>[vector<16xi32>], vector<16xf32>,
          %lt3A_292 = arith.cmpf olt, %gather3A_291, %gather3A_186 : vector<16xf32>
          %and3A_293 = arith.andi %and3A_269, %lt3A_292 : vector<16xi1>
          %gather3A_294 = tpu.vector_load_idx %arg12[%add3A_175] : memref<20000xf32, #tpu.memory_space<vmem>>[vector<16xi32>], vector<16xf32>,
          %lt3A_295 = arith.cmpf olt, %gather3A_294, %gather3A_190 : vector<16xf32>
          %and3A_296 = arith.andi %and3A_272, %lt3A_295 : vector<16xi1>
          %gather3A_297 = tpu.vector_load_idx %arg12[%add3A_178] : memref<20000xf32, #tpu.memory_space<vmem>>[vector<16xi32>], vector<16xf32>,
          %lt3A_298 = arith.cmpf olt, %gather3A_297, %gather3A_194 : vector<16xf32>
          %and3A_299 = arith.andi %and3A_275, %lt3A_298 : vector<16xi1>
          scf.yield %and3A_278, %and3A_281, %and3A_284, %and3A_287, %and3A_290, %and3A_293, %and3A_296, %and3A_299 : vector<16xi1>, vector<16xi1>, vector<16xi1>, vector<16xi1>, vector<16xi1>, vector<16xi1>, vector<16xi1>, vector<16xi1>
        }
        %add3A_242 = arith.constant 1 : i32
        %add3A_243 = arith.addi %while3A_86, %add3A_242 : i32
        scf.yield %add3A_243 : i32
      }
      %add3A_72 = arith.constant 2 : i32
      %add3A_73 = arith.addi %mul3A_53, %add3A_72 : i32
      %lt3A_74 = arith.constant 125 : i32
      %lt3A_75 = arith.cmpi slt, %add3A_73, %lt3A_74 : i32
      %convert_element_type3A_76 = arith.extui %lt3A_75 : i1 to i32
      %cond3A_77 = arith.constant 0 : i32
      %cond3A_78 = arith.cmpi ne, %convert_element_type3A_76, %cond3A_77 : i32
      scf.if %cond3A_78 {
        %add3A_86 = arith.constant 2 : i32
        %add3A_87 = arith.addi %mul3A_53, %add3A_86 : i32
        %dma_start3A_88 = arith.constant 0 : i32
        %dma_start3A_89 = tpu.memref_slice %arg6[%add3A_87, %dma_start3A_88] : memref<125x5120xi32, #tpu.memory_space<hbm>> -> memref<1x5120xi32, #tpu.memory_space<hbm>>
        %dma_start3A_90 = tpu.memref_squeeze %dma_start3A_89 : memref<1x5120xi32, #tpu.memory_space<hbm>> -> memref<5120xi32, #tpu.memory_space<hbm>>
        %dma_start3A_91 = arith.constant 0 : i32
        %dma_start3A_92 = tpu.memref_slice %arg6[%add3A_87, %dma_start3A_91] : memref<125x5120xi32, #tpu.memory_space<hbm>> -> memref<1x5120xi32, #tpu.memory_space<hbm>>
        %dma_start3A_93 = tpu.memref_squeeze %dma_start3A_92 : memref<1x5120xi32, #tpu.memory_space<hbm>> -> memref<5120xi32, #tpu.memory_space<hbm>>
        tpu.enqueue_dma source(%dma_start3A_93 : memref<5120xi32, #tpu.memory_space<hbm>>) target(%arg14 : memref<5120xi32, #tpu.memory_space<vmem>>) target_semaphore(%arg16 : memref<!tpu.dma_semaphore, #tpu.memory_space<semaphore_mem>>)
      } else {
      }
      %add3A_79 = arith.constant 1 : i32
      %add3A_80 = arith.addi %mul3A_53, %add3A_79 : i32
      %lt3A_81 = arith.constant 125 : i32
      %lt3A_82 = arith.cmpi slt, %add3A_80, %lt3A_81 : i32
      %convert_element_type3A_83 = arith.extui %lt3A_82 : i1 to i32
      %cond3A_84 = arith.constant 0 : i32
      %cond3A_85 = arith.cmpi ne, %convert_element_type3A_83, %cond3A_84 : i32
      scf.if %cond3A_85 {
        %add3A_86 = arith.constant 1 : i32
        %add3A_87 = arith.addi %mul3A_53, %add3A_86 : i32
        %dma_wait3A_88 = arith.constant 0 : i32
        %dma_wait3A_89 = tpu.memref_slice %arg6[%add3A_87, %dma_wait3A_88] : memref<125x5120xi32, #tpu.memory_space<hbm>> -> memref<1x5120xi32, #tpu.memory_space<hbm>>
        %dma_wait3A_90 = tpu.memref_squeeze %dma_wait3A_89 : memref<1x5120xi32, #tpu.memory_space<hbm>> -> memref<5120xi32, #tpu.memory_space<hbm>>
        %dma_wait3A_91 = arith.constant 0 : i32
        %dma_wait3A_92 = tpu.memref_slice %arg6[%add3A_87, %dma_wait3A_91] : memref<125x5120xi32, #tpu.memory_space<hbm>> -> memref<1x5120xi32, #tpu.memory_space<hbm>>
        %dma_wait3A_93 = tpu.memref_squeeze %dma_wait3A_92 : memref<1x5120xi32, #tpu.memory_space<hbm>> -> memref<5120xi32, #tpu.memory_space<hbm>>
        tpu.wait_dma2 semaphore(%arg17 : memref<!tpu.dma_semaphore, #tpu.memory_space<semaphore_mem>>) src(%dma_wait3A_93 : memref<5120xi32, #tpu.memory_space<hbm>>) dst(%arg15 : memref<5120xi32, #tpu.memory_space<vmem>>)
        %iota3A_94 = tpu.iota {dimensions = array<i32: 0>} : vector<16xi32>
        %broadcast_in_dim3A_95 = arith.constant 0 : i32
        %broadcast_in_dim3A_96 = vector.broadcast %broadcast_in_dim3A_95 : i32 to vector<16xi32>
        %scan3A_97 = arith.constant 0 : i32
        %scan3A_98 = arith.constant 160 : i32
        %scan3A_99 = arith.addi %scan3A_97, %scan3A_98 : i32
        %scan3A_100 = arith.constant 1 : i32
        %scan3A_101 = scf.for %scan3A_105 = %scan3A_97 to %scan3A_99 step %scan3A_100 iter_args(%scan3A_106 = %broadcast_in_dim3A_96) -> (vector<16xi32>)  : i32 {
          %mul3A_107 = arith.constant 16 : i32
          %mul3A_108 = arith.muli %scan3A_105, %mul3A_107 : i32
          %get3A = arith.index_cast %mul3A_108 : i32 to index
          %get3A_109 = tpu.vector_load %arg15[%get3A] {strides = array<i32>} : memref<5120xi32, #tpu.memory_space<vmem>>, vector<16xi32>,
          %mul3A_110 = arith.constant 16 : i32
          %mul3A_111 = arith.muli %scan3A_105, %mul3A_110 : i32
          %add3A_112 = arith.constant 2560 : i32
          %add3A_113 = arith.addi %add3A_112, %mul3A_111 : i32
          %get3A_114 = arith.index_cast %add3A_113 : i32 to index
          %get3A_115 = tpu.vector_load %arg15[%get3A_114] {strides = array<i32>} : memref<5120xi32, #tpu.memory_space<vmem>>, vector<16xi32>,
          %lt3A_116 = arith.constant 5000 : i32
          %lt3A_117 = vector.broadcast %lt3A_116 : i32 to vector<16xi32>
          %lt3A_118 = arith.cmpi slt, %get3A_109, %lt3A_117 : vector<16xi32>
          %jit3A = arith.constant 1 : i32
          %jit3A_119 = arith.constant 0 : i32
          %broadcast_in_dim3A_120 = vector.broadcast %jit3A : i32 to vector<16xi32>
          %broadcast_in_dim3A_121 = vector.broadcast %jit3A_119 : i32 to vector<16xi32>
          %select_n3A = arith.select %lt3A_118, %broadcast_in_dim3A_120, %broadcast_in_dim3A_121 : vector<16xi1>, vector<16xi32>
          %broadcast_in_dim3A_122 = arith.constant true
          %broadcast_in_dim3A_123 = vector.broadcast %broadcast_in_dim3A_122 : i1 to vector<16xi1>
          %masked_cumsum3A = tpu.scan <sum>, %select_n3A masked %broadcast_in_dim3A_123 : vector<16xi32>, vector<16xi1> -> vector<16xi32>
          %add3A_124 = arith.addi %scan3A_106, %masked_cumsum3A : vector<16xi32>
          %sub3A = arith.constant 1 : i32
          %sub3A_125 = vector.broadcast %sub3A : i32 to vector<16xi32>
          %sub3A_126 = arith.subi %add3A_124, %sub3A_125 : vector<16xi32>
          %jit3A_127 = arith.constant 0 : i32
          %broadcast_in_dim3A_128 = vector.broadcast %jit3A_127 : i32 to vector<16xi32>
          %select_n3A_129 = arith.select %lt3A_118, %sub3A_126, %broadcast_in_dim3A_128 : vector<16xi1>, vector<16xi32>
          tpu.vector_store_idx %arg15[%select_n3A_129], %get3A_109 masked %lt3A_118 : memref<5120xi32, #tpu.memory_space<vmem>>[vector<16xi32>], vector<16xi32>, vector<16xi1>
          %add3A_130 = arith.constant 2560 : i32
          %add3A_131 = vector.broadcast %add3A_130 : i32 to vector<16xi32>
          %add3A_132 = arith.addi %select_n3A_129, %add3A_131 : vector<16xi32>
          tpu.vector_store_idx %arg15[%add3A_132], %get3A_115 masked %lt3A_118 : memref<5120xi32, #tpu.memory_space<vmem>>[vector<16xi32>], vector<16xi32>, vector<16xi1>
          %all_reduce_population_count3A = tpu.all_reduce %lt3A_118 {dim = 0 : i64, kind = #tpu.reduction_kind<sum>} : vector<16xi1> -> vector<16xi32>
          %add3A_133 = arith.addi %scan3A_106, %all_reduce_population_count3A : vector<16xi32>
          scf.yield %add3A_133 : vector<16xi32>
        }
        %scan3A_102 = arith.constant 160 : i32
        %while3A_103 = arith.constant 0 : i32
        %while3A_104 = scf.while (%while3A_105 = %while3A_103) : (i32) -> i32 {
          %mul3A_106 = arith.constant 32 : i32
          %mul3A_107 = arith.muli %while3A_105, %mul3A_106 : i32
          %lt3A_108 = vector.broadcast %mul3A_107 : i32 to vector<16xi32>
          %lt3A_109 = arith.cmpi slt, %lt3A_108, %scan3A_101 : vector<16xi32>
          %reduce_or3A = arith.constant 1.000000e+00 : f32
          %reduce_or3A_110 = arith.constant 0.000000e+00 : f32
          %reduce_or3A_111 = vector.broadcast %reduce_or3A : f32 to vector<16xf32>
          %reduce_or3A_112 = vector.broadcast %reduce_or3A_110 : f32 to vector<16xf32>
          %reduce_or3A_113 = arith.select %lt3A_109, %reduce_or3A_111, %reduce_or3A_112 : vector<16xi1>, vector<16xf32>
          %reduce_or3A_114 = arith.constant true
          %reduce_or3A_115 = vector.broadcast %reduce_or3A_114 : i1 to vector<16xi1>
          %reduce_or3A_116 = tpu.scan <max>, %reduce_or3A_113 masked %reduce_or3A_115 : vector<16xf32>, vector<16xi1> -> vector<16xf32>
          %reduce_or3A_117 = vector.extract %reduce_or3A_116[15] : f32 from vector<16xf32>
          %reduce_or3A_118 = arith.constant 0.000000e+00 : f32
          %reduce_or3A_119 = arith.cmpf ogt, %reduce_or3A_117, %reduce_or3A_118 : f32
          scf.condition(%reduce_or3A_119) %while3A_105 : i32
        } do {
        ^bb0(%while3A_105: i32):
          %mul3A_106 = arith.constant 2 : i32
          %mul3A_107 = arith.muli %while3A_105, %mul3A_106 : i32
          %add3A_108 = arith.constant 0 : i32
          %add3A_109 = arith.addi %mul3A_107, %add3A_108 : i32
          %mul3A_110 = arith.constant 16 : i32
          %mul3A_111 = arith.muli %add3A_109, %mul3A_110 : i32
          %get3A = arith.index_cast %mul3A_111 : i32 to index
          %get3A_112 = tpu.vector_load %arg15[%get3A] {strides = array<i32>} : memref<5120xi32, #tpu.memory_space<vmem>>, vector<16xi32>,
          %mul3A_113 = arith.constant 16 : i32
          %mul3A_114 = arith.muli %add3A_109, %mul3A_113 : i32
          %add3A_115 = arith.constant 2560 : i32
          %add3A_116 = arith.addi %add3A_115, %mul3A_114 : i32
          %get3A_117 = arith.index_cast %add3A_116 : i32 to index
          %get3A_118 = tpu.vector_load %arg15[%get3A_117] {strides = array<i32>} : memref<5120xi32, #tpu.memory_space<vmem>>, vector<16xi32>,
          %mul3A_119 = arith.constant 16 : i32
          %mul3A_120 = arith.muli %add3A_109, %mul3A_119 : i32
          %add3A_121 = vector.broadcast %mul3A_120 : i32 to vector<16xi32>
          %add3A_122 = arith.addi %add3A_121, %iota3A_94 : vector<16xi32>
          %lt3A_123 = arith.cmpi slt, %add3A_122, %scan3A_101 : vector<16xi32>
          %jit3A = arith.constant 0 : i32
          %broadcast_in_dim3A_124 = vector.broadcast %jit3A : i32 to vector<16xi32>
          %select_n3A = arith.select %lt3A_123, %get3A_112, %broadcast_in_dim3A_124 : vector<16xi1>, vector<16xi32>
          %mul3A_125 = arith.constant 4 : i32
          %mul3A_126 = vector.broadcast %mul3A_125 : i32 to vector<16xi32>
          %mul3A_127 = arith.muli %select_n3A, %mul3A_126 : vector<16xi32>
          %mul3A_128 = arith.constant 4 : i32
          %mul3A_129 = vector.broadcast %mul3A_128 : i32 to vector<16xi32>
          %mul3A_130 = arith.muli %get3A_118, %mul3A_129 : vector<16xi32>
          %add3A_131 = arith.constant 0 : i32
          %add3A_132 = vector.broadcast %add3A_131 : i32 to vector<16xi32>
          %add3A_133 = arith.addi %mul3A_127, %add3A_132 : vector<16xi32>
          %add3A_134 = arith.constant 1 : i32
          %add3A_135 = vector.broadcast %add3A_134 : i32 to vector<16xi32>
          %add3A_136 = arith.addi %mul3A_127, %add3A_135 : vector<16xi32>
          %add3A_137 = arith.constant 2 : i32
          %add3A_138 = vector.broadcast %add3A_137 : i32 to vector<16xi32>
          %add3A_139 = arith.addi %mul3A_127, %add3A_138 : vector<16xi32>
          %add3A_140 = arith.constant 3 : i32
          %add3A_141 = vector.broadcast %add3A_140 : i32 to vector<16xi32>
          %add3A_142 = arith.addi %mul3A_127, %add3A_141 : vector<16xi32>
          %add3A_143 = arith.constant 0 : i32
          %add3A_144 = vector.broadcast %add3A_143 : i32 to vector<16xi32>
          %add3A_145 = arith.addi %mul3A_130, %add3A_144 : vector<16xi32>
          %gather3A = tpu.vector_load_idx %arg10[%add3A_145] : memref<40000xf32, #tpu.memory_space<vmem>>[vector<16xi32>], vector<16xf32>,
          %add3A_146 = arith.constant 1 : i32
          %add3A_147 = vector.broadcast %add3A_146 : i32 to vector<16xi32>
          %add3A_148 = arith.addi %mul3A_130, %add3A_147 : vector<16xi32>
          %gather3A_149 = tpu.vector_load_idx %arg10[%add3A_148] : memref<40000xf32, #tpu.memory_space<vmem>>[vector<16xi32>], vector<16xf32>,
          %add3A_150 = arith.constant 2 : i32
          %add3A_151 = vector.broadcast %add3A_150 : i32 to vector<16xi32>
          %add3A_152 = arith.addi %mul3A_130, %add3A_151 : vector<16xi32>
          %gather3A_153 = tpu.vector_load_idx %arg10[%add3A_152] : memref<40000xf32, #tpu.memory_space<vmem>>[vector<16xi32>], vector<16xf32>,
          %add3A_154 = arith.constant 3 : i32
          %add3A_155 = vector.broadcast %add3A_154 : i32 to vector<16xi32>
          %add3A_156 = arith.addi %mul3A_130, %add3A_155 : vector<16xi32>
          %gather3A_157 = tpu.vector_load_idx %arg10[%add3A_156] : memref<40000xf32, #tpu.memory_space<vmem>>[vector<16xi32>], vector<16xf32>,
          %mul3A_158 = arith.constant 2 : i32
          %mul3A_159 = arith.muli %while3A_105, %mul3A_158 : i32
          %add3A_160 = arith.constant 1 : i32
          %add3A_161 = arith.addi %mul3A_159, %add3A_160 : i32
          %mul3A_162 = arith.constant 16 : i32
          %mul3A_163 = arith.muli %add3A_161, %mul3A_162 : i32
          %get3A_164 = arith.index_cast %mul3A_163 : i32 to index
          %get3A_165 = tpu.vector_load %arg15[%get3A_164] {strides = array<i32>} : memref<5120xi32, #tpu.memory_space<vmem>>, vector<16xi32>,
          %mul3A_166 = arith.constant 16 : i32
          %mul3A_167 = arith.muli %add3A_161, %mul3A_166 : i32
          %add3A_168 = arith.constant 2560 : i32
          %add3A_169 = arith.addi %add3A_168, %mul3A_167 : i32
          %get3A_170 = arith.index_cast %add3A_169 : i32 to index
          %get3A_171 = tpu.vector_load %arg15[%get3A_170] {strides = array<i32>} : memref<5120xi32, #tpu.memory_space<vmem>>, vector<16xi32>,
          %mul3A_172 = arith.constant 16 : i32
          %mul3A_173 = arith.muli %add3A_161, %mul3A_172 : i32
          %add3A_174 = vector.broadcast %mul3A_173 : i32 to vector<16xi32>
          %add3A_175 = arith.addi %add3A_174, %iota3A_94 : vector<16xi32>
          %lt3A_176 = arith.cmpi slt, %add3A_175, %scan3A_101 : vector<16xi32>
          %jit3A_177 = arith.constant 0 : i32
          %broadcast_in_dim3A_178 = vector.broadcast %jit3A_177 : i32 to vector<16xi32>
          %select_n3A_179 = arith.select %lt3A_176, %get3A_165, %broadcast_in_dim3A_178 : vector<16xi1>, vector<16xi32>
          %mul3A_180 = arith.constant 4 : i32
          %mul3A_181 = vector.broadcast %mul3A_180 : i32 to vector<16xi32>
          %mul3A_182 = arith.muli %select_n3A_179, %mul3A_181 : vector<16xi32>
          %mul3A_183 = arith.constant 4 : i32
          %mul3A_184 = vector.broadcast %mul3A_183 : i32 to vector<16xi32>
          %mul3A_185 = arith.muli %get3A_171, %mul3A_184 : vector<16xi32>
          %add3A_186 = arith.constant 0 : i32
          %add3A_187 = vector.broadcast %add3A_186 : i32 to vector<16xi32>
          %add3A_188 = arith.addi %mul3A_182, %add3A_187 : vector<16xi32>
          %add3A_189 = arith.constant 1 : i32
          %add3A_190 = vector.broadcast %add3A_189 : i32 to vector<16xi32>
          %add3A_191 = arith.addi %mul3A_182, %add3A_190 : vector<16xi32>
          %add3A_192 = arith.constant 2 : i32
          %add3A_193 = vector.broadcast %add3A_192 : i32 to vector<16xi32>
          %add3A_194 = arith.addi %mul3A_182, %add3A_193 : vector<16xi32>
          %add3A_195 = arith.constant 3 : i32
          %add3A_196 = vector.broadcast %add3A_195 : i32 to vector<16xi32>
          %add3A_197 = arith.addi %mul3A_182, %add3A_196 : vector<16xi32>
          %add3A_198 = arith.constant 0 : i32
          %add3A_199 = vector.broadcast %add3A_198 : i32 to vector<16xi32>
          %add3A_200 = arith.addi %mul3A_185, %add3A_199 : vector<16xi32>
          %gather3A_201 = tpu.vector_load_idx %arg10[%add3A_200] : memref<40000xf32, #tpu.memory_space<vmem>>[vector<16xi32>], vector<16xf32>,
          %add3A_202 = arith.constant 1 : i32
          %add3A_203 = vector.broadcast %add3A_202 : i32 to vector<16xi32>
          %add3A_204 = arith.addi %mul3A_185, %add3A_203 : vector<16xi32>
          %gather3A_205 = tpu.vector_load_idx %arg10[%add3A_204] : memref<40000xf32, #tpu.memory_space<vmem>>[vector<16xi32>], vector<16xf32>,
          %add3A_206 = arith.constant 2 : i32
          %add3A_207 = vector.broadcast %add3A_206 : i32 to vector<16xi32>
          %add3A_208 = arith.addi %mul3A_185, %add3A_207 : vector<16xi32>
          %gather3A_209 = tpu.vector_load_idx %arg10[%add3A_208] : memref<40000xf32, #tpu.memory_space<vmem>>[vector<16xi32>], vector<16xf32>,
          %add3A_210 = arith.constant 3 : i32
          %add3A_211 = vector.broadcast %add3A_210 : i32 to vector<16xi32>
          %add3A_212 = arith.addi %mul3A_185, %add3A_211 : vector<16xi32>
          %gather3A_213 = tpu.vector_load_idx %arg10[%add3A_212] : memref<40000xf32, #tpu.memory_space<vmem>>[vector<16xi32>], vector<16xf32>,
          %gather3A_214 = tpu.vector_load_idx %arg12[%add3A_133] : memref<20000xf32, #tpu.memory_space<vmem>>[vector<16xi32>], vector<16xf32>,
          %gt3A = arith.cmpf ogt, %gather3A, %gather3A_214 : vector<16xf32>
          %and3A = arith.andi %lt3A_123, %gt3A : vector<16xi1>
          tpu.vector_store_idx %arg12[%add3A_133], %gather3A masked %and3A : memref<20000xf32, #tpu.memory_space<vmem>>[vector<16xi32>], vector<16xf32>, vector<16xi1>
          %gather3A_215 = tpu.vector_load_idx %arg12[%add3A_136] : memref<20000xf32, #tpu.memory_space<vmem>>[vector<16xi32>], vector<16xf32>,
          %gt3A_216 = arith.cmpf ogt, %gather3A_149, %gather3A_215 : vector<16xf32>
          %and3A_217 = arith.andi %lt3A_123, %gt3A_216 : vector<16xi1>
          tpu.vector_store_idx %arg12[%add3A_136], %gather3A_149 masked %and3A_217 : memref<20000xf32, #tpu.memory_space<vmem>>[vector<16xi32>], vector<16xf32>, vector<16xi1>
          %gather3A_218 = tpu.vector_load_idx %arg12[%add3A_139] : memref<20000xf32, #tpu.memory_space<vmem>>[vector<16xi32>], vector<16xf32>,
          %gt3A_219 = arith.cmpf ogt, %gather3A_153, %gather3A_218 : vector<16xf32>
          %and3A_220 = arith.andi %lt3A_123, %gt3A_219 : vector<16xi1>
          tpu.vector_store_idx %arg12[%add3A_139], %gather3A_153 masked %and3A_220 : memref<20000xf32, #tpu.memory_space<vmem>>[vector<16xi32>], vector<16xf32>, vector<16xi1>
          %gather3A_221 = tpu.vector_load_idx %arg12[%add3A_142] : memref<20000xf32, #tpu.memory_space<vmem>>[vector<16xi32>], vector<16xf32>,
          %gt3A_222 = arith.cmpf ogt, %gather3A_157, %gather3A_221 : vector<16xf32>
          %and3A_223 = arith.andi %lt3A_123, %gt3A_222 : vector<16xi1>
          tpu.vector_store_idx %arg12[%add3A_142], %gather3A_157 masked %and3A_223 : memref<20000xf32, #tpu.memory_space<vmem>>[vector<16xi32>], vector<16xf32>, vector<16xi1>
          %gather3A_224 = tpu.vector_load_idx %arg12[%add3A_188] : memref<20000xf32, #tpu.memory_space<vmem>>[vector<16xi32>], vector<16xf32>,
          %gt3A_225 = arith.cmpf ogt, %gather3A_201, %gather3A_224 : vector<16xf32>
          %and3A_226 = arith.andi %lt3A_176, %gt3A_225 : vector<16xi1>
          tpu.vector_store_idx %arg12[%add3A_188], %gather3A_201 masked %and3A_226 : memref<20000xf32, #tpu.memory_space<vmem>>[vector<16xi32>], vector<16xf32>, vector<16xi1>
          %gather3A_227 = tpu.vector_load_idx %arg12[%add3A_191] : memref<20000xf32, #tpu.memory_space<vmem>>[vector<16xi32>], vector<16xf32>,
          %gt3A_228 = arith.cmpf ogt, %gather3A_205, %gather3A_227 : vector<16xf32>
          %and3A_229 = arith.andi %lt3A_176, %gt3A_228 : vector<16xi1>
          tpu.vector_store_idx %arg12[%add3A_191], %gather3A_205 masked %and3A_229 : memref<20000xf32, #tpu.memory_space<vmem>>[vector<16xi32>], vector<16xf32>, vector<16xi1>
          %gather3A_230 = tpu.vector_load_idx %arg12[%add3A_194] : memref<20000xf32, #tpu.memory_space<vmem>>[vector<16xi32>], vector<16xf32>,
          %gt3A_231 = arith.cmpf ogt, %gather3A_209, %gather3A_230 : vector<16xf32>
          %and3A_232 = arith.andi %lt3A_176, %gt3A_231 : vector<16xi1>
          tpu.vector_store_idx %arg12[%add3A_194], %gather3A_209 masked %and3A_232 : memref<20000xf32, #tpu.memory_space<vmem>>[vector<16xi32>], vector<16xf32>, vector<16xi1>
          %gather3A_233 = tpu.vector_load_idx %arg12[%add3A_197] : memref<20000xf32, #tpu.memory_space<vmem>>[vector<16xi32>], vector<16xf32>,
          %gt3A_234 = arith.cmpf ogt, %gather3A_213, %gather3A_233 : vector<16xf32>
          %and3A_235 = arith.andi %lt3A_176, %gt3A_234 : vector<16xi1>
          tpu.vector_store_idx %arg12[%add3A_197], %gather3A_213 masked %and3A_235 : memref<20000xf32, #tpu.memory_space<vmem>>[vector<16xi32>], vector<16xf32>, vector<16xi1>
          %gather3A_236 = tpu.vector_load_idx %arg12[%add3A_133] : memref<20000xf32, #tpu.memory_space<vmem>>[vector<16xi32>], vector<16xf32>,
          %lt3A_237 = arith.cmpf olt, %gather3A_236, %gather3A : vector<16xf32>
          %and3A_238 = arith.andi %and3A, %lt3A_237 : vector<16xi1>
          %gather3A_239 = tpu.vector_load_idx %arg12[%add3A_136] : memref<20000xf32, #tpu.memory_space<vmem>>[vector<16xi32>], vector<16xf32>,
          %lt3A_240 = arith.cmpf olt, %gather3A_239, %gather3A_149 : vector<16xf32>
          %and3A_241 = arith.andi %and3A_217, %lt3A_240 : vector<16xi1>
          %gather3A_242 = tpu.vector_load_idx %arg12[%add3A_139] : memref<20000xf32, #tpu.memory_space<vmem>>[vector<16xi32>], vector<16xf32>,
          %lt3A_243 = arith.cmpf olt, %gather3A_242, %gather3A_153 : vector<16xf32>
          %and3A_244 = arith.andi %and3A_220, %lt3A_243 : vector<16xi1>
          %gather3A_245 = tpu.vector_load_idx %arg12[%add3A_142] : memref<20000xf32, #tpu.memory_space<vmem>>[vector<16xi32>], vector<16xf32>,
          %lt3A_246 = arith.cmpf olt, %gather3A_245, %gather3A_157 : vector<16xf32>
          %and3A_247 = arith.andi %and3A_223, %lt3A_246 : vector<16xi1>
          %gather3A_248 = tpu.vector_load_idx %arg12[%add3A_188] : memref<20000xf32, #tpu.memory_space<vmem>>[vector<16xi32>], vector<16xf32>,
          %lt3A_249 = arith.cmpf olt, %gather3A_248, %gather3A_201 : vector<16xf32>
          %and3A_250 = arith.andi %and3A_226, %lt3A_249 : vector<16xi1>
          %gather3A_251 = tpu.vector_load_idx %arg12[%add3A_191] : memref<20000xf32, #tpu.memory_space<vmem>>[vector<16xi32>], vector<16xf32>,
          %lt3A_252 = arith.cmpf olt, %gather3A_251, %gather3A_205 : vector<16xf32>
          %and3A_253 = arith.andi %and3A_229, %lt3A_252 : vector<16xi1>
          %gather3A_254 = tpu.vector_load_idx %arg12[%add3A_194] : memref<20000xf32, #tpu.memory_space<vmem>>[vector<16xi32>], vector<16xf32>,
          %lt3A_255 = arith.cmpf olt, %gather3A_254, %gather3A_209 : vector<16xf32>
          %and3A_256 = arith.andi %and3A_232, %lt3A_255 : vector<16xi1>
          %gather3A_257 = tpu.vector_load_idx %arg12[%add3A_197] : memref<20000xf32, #tpu.memory_space<vmem>>[vector<16xi32>], vector<16xf32>,
          %lt3A_258 = arith.cmpf olt, %gather3A_257, %gather3A_213 : vector<16xf32>
          %and3A_259 = arith.andi %and3A_235, %lt3A_258 : vector<16xi1>
          %while3A_260:8 = scf.while (%while3A_263 = %and3A_238, %while3A_264 = %and3A_241, %while3A_265 = %and3A_244, %while3A_266 = %and3A_247, %while3A_267 = %and3A_250, %while3A_268 = %and3A_253, %while3A_269 = %and3A_256, %while3A_270 = %and3A_259) : (vector<16xi1>, vector<16xi1>, vector<16xi1>, vector<16xi1>, vector<16xi1>, vector<16xi1>, vector<16xi1>, vector<16xi1>) -> (vector<16xi1>, vector<16xi1>, vector<16xi1>, vector<16xi1>, vector<16xi1>, vector<16xi1>, vector<16xi1>, vector<16xi1>) {
            %or3A = arith.ori %while3A_263, %while3A_264 : vector<16xi1>
            %or3A_271 = arith.ori %or3A, %while3A_265 : vector<16xi1>
            %or3A_272 = arith.ori %or3A_271, %while3A_266 : vector<16xi1>
            %or3A_273 = arith.ori %or3A_272, %while3A_267 : vector<16xi1>
            %or3A_274 = arith.ori %or3A_273, %while3A_268 : vector<16xi1>
            %or3A_275 = arith.ori %or3A_274, %while3A_269 : vector<16xi1>
            %or3A_276 = arith.ori %or3A_275, %while3A_270 : vector<16xi1>
            %reduce_or3A = arith.constant 1.000000e+00 : f32
            %reduce_or3A_277 = arith.constant 0.000000e+00 : f32
            %reduce_or3A_278 = vector.broadcast %reduce_or3A : f32 to vector<16xf32>
            %reduce_or3A_279 = vector.broadcast %reduce_or3A_277 : f32 to vector<16xf32>
            %reduce_or3A_280 = arith.select %or3A_276, %reduce_or3A_278, %reduce_or3A_279 : vector<16xi1>, vector<16xf32>
            %reduce_or3A_281 = arith.constant true
            %reduce_or3A_282 = vector.broadcast %reduce_or3A_281 : i1 to vector<16xi1>
            %reduce_or3A_283 = tpu.scan <max>, %reduce_or3A_280 masked %reduce_or3A_282 : vector<16xf32>, vector<16xi1> -> vector<16xf32>
            %reduce_or3A_284 = vector.extract %reduce_or3A_283[15] : f32 from vector<16xf32>
            %reduce_or3A_285 = arith.constant 0.000000e+00 : f32
            %reduce_or3A_286 = arith.cmpf ogt, %reduce_or3A_284, %reduce_or3A_285 : f32
            scf.condition(%reduce_or3A_286) %while3A_263, %while3A_264, %while3A_265, %while3A_266, %while3A_267, %while3A_268, %while3A_269, %while3A_270 : vector<16xi1>, vector<16xi1>, vector<16xi1>, vector<16xi1>, vector<16xi1>, vector<16xi1>, vector<16xi1>, vector<16xi1>
          } do {
          ^bb0(%while3A_263: vector<16xi1>, %while3A_264: vector<16xi1>, %while3A_265: vector<16xi1>, %while3A_266: vector<16xi1>, %while3A_267: vector<16xi1>, %while3A_268: vector<16xi1>, %while3A_269: vector<16xi1>, %while3A_270: vector<16xi1>):
            %gather3A_271 = tpu.vector_load_idx %arg12[%add3A_133] : memref<20000xf32, #tpu.memory_space<vmem>>[vector<16xi32>], vector<16xf32>,
            %gt3A_272 = arith.cmpf ogt, %gather3A, %gather3A_271 : vector<16xf32>
            %and3A_273 = arith.andi %while3A_263, %gt3A_272 : vector<16xi1>
            tpu.vector_store_idx %arg12[%add3A_133], %gather3A masked %and3A_273 : memref<20000xf32, #tpu.memory_space<vmem>>[vector<16xi32>], vector<16xf32>, vector<16xi1>
            %gather3A_274 = tpu.vector_load_idx %arg12[%add3A_136] : memref<20000xf32, #tpu.memory_space<vmem>>[vector<16xi32>], vector<16xf32>,
            %gt3A_275 = arith.cmpf ogt, %gather3A_149, %gather3A_274 : vector<16xf32>
            %and3A_276 = arith.andi %while3A_264, %gt3A_275 : vector<16xi1>
            tpu.vector_store_idx %arg12[%add3A_136], %gather3A_149 masked %and3A_276 : memref<20000xf32, #tpu.memory_space<vmem>>[vector<16xi32>], vector<16xf32>, vector<16xi1>
            %gather3A_277 = tpu.vector_load_idx %arg12[%add3A_139] : memref<20000xf32, #tpu.memory_space<vmem>>[vector<16xi32>], vector<16xf32>,
            %gt3A_278 = arith.cmpf ogt, %gather3A_153, %gather3A_277 : vector<16xf32>
            %and3A_279 = arith.andi %while3A_265, %gt3A_278 : vector<16xi1>
            tpu.vector_store_idx %arg12[%add3A_139], %gather3A_153 masked %and3A_279 : memref<20000xf32, #tpu.memory_space<vmem>>[vector<16xi32>], vector<16xf32>, vector<16xi1>
            %gather3A_280 = tpu.vector_load_idx %arg12[%add3A_142] : memref<20000xf32, #tpu.memory_space<vmem>>[vector<16xi32>], vector<16xf32>,
            %gt3A_281 = arith.cmpf ogt, %gather3A_157, %gather3A_280 : vector<16xf32>
            %and3A_282 = arith.andi %while3A_266, %gt3A_281 : vector<16xi1>
            tpu.vector_store_idx %arg12[%add3A_142], %gather3A_157 masked %and3A_282 : memref<20000xf32, #tpu.memory_space<vmem>>[vector<16xi32>], vector<16xf32>, vector<16xi1>
            %gather3A_283 = tpu.vector_load_idx %arg12[%add3A_188] : memref<20000xf32, #tpu.memory_space<vmem>>[vector<16xi32>], vector<16xf32>,
            %gt3A_284 = arith.cmpf ogt, %gather3A_201, %gather3A_283 : vector<16xf32>
            %and3A_285 = arith.andi %while3A_267, %gt3A_284 : vector<16xi1>
            tpu.vector_store_idx %arg12[%add3A_188], %gather3A_201 masked %and3A_285 : memref<20000xf32, #tpu.memory_space<vmem>>[vector<16xi32>], vector<16xf32>, vector<16xi1>
            %gather3A_286 = tpu.vector_load_idx %arg12[%add3A_191] : memref<20000xf32, #tpu.memory_space<vmem>>[vector<16xi32>], vector<16xf32>,
            %gt3A_287 = arith.cmpf ogt, %gather3A_205, %gather3A_286 : vector<16xf32>
            %and3A_288 = arith.andi %while3A_268, %gt3A_287 : vector<16xi1>
            tpu.vector_store_idx %arg12[%add3A_191], %gather3A_205 masked %and3A_288 : memref<20000xf32, #tpu.memory_space<vmem>>[vector<16xi32>], vector<16xf32>, vector<16xi1>
            %gather3A_289 = tpu.vector_load_idx %arg12[%add3A_194] : memref<20000xf32, #tpu.memory_space<vmem>>[vector<16xi32>], vector<16xf32>,
            %gt3A_290 = arith.cmpf ogt, %gather3A_209, %gather3A_289 : vector<16xf32>
            %and3A_291 = arith.andi %while3A_269, %gt3A_290 : vector<16xi1>
            tpu.vector_store_idx %arg12[%add3A_194], %gather3A_209 masked %and3A_291 : memref<20000xf32, #tpu.memory_space<vmem>>[vector<16xi32>], vector<16xf32>, vector<16xi1>
            %gather3A_292 = tpu.vector_load_idx %arg12[%add3A_197] : memref<20000xf32, #tpu.memory_space<vmem>>[vector<16xi32>], vector<16xf32>,
            %gt3A_293 = arith.cmpf ogt, %gather3A_213, %gather3A_292 : vector<16xf32>
            %and3A_294 = arith.andi %while3A_270, %gt3A_293 : vector<16xi1>
            tpu.vector_store_idx %arg12[%add3A_197], %gather3A_213 masked %and3A_294 : memref<20000xf32, #tpu.memory_space<vmem>>[vector<16xi32>], vector<16xf32>, vector<16xi1>
            %gather3A_295 = tpu.vector_load_idx %arg12[%add3A_133] : memref<20000xf32, #tpu.memory_space<vmem>>[vector<16xi32>], vector<16xf32>,
            %lt3A_296 = arith.cmpf olt, %gather3A_295, %gather3A : vector<16xf32>
            %and3A_297 = arith.andi %and3A_273, %lt3A_296 : vector<16xi1>
            %gather3A_298 = tpu.vector_load_idx %arg12[%add3A_136] : memref<20000xf32, #tpu.memory_space<vmem>>[vector<16xi32>], vector<16xf32>,
            %lt3A_299 = arith.cmpf olt, %gather3A_298, %gather3A_149 : vector<16xf32>
            %and3A_300 = arith.andi %and3A_276, %lt3A_299 : vector<16xi1>
            %gather3A_301 = tpu.vector_load_idx %arg12[%add3A_139] : memref<20000xf32, #tpu.memory_space<vmem>>[vector<16xi32>], vector<16xf32>,
            %lt3A_302 = arith.cmpf olt, %gather3A_301, %gather3A_153 : vector<16xf32>
            %and3A_303 = arith.andi %and3A_279, %lt3A_302 : vector<16xi1>
            %gather3A_304 = tpu.vector_load_idx %arg12[%add3A_142] : memref<20000xf32, #tpu.memory_space<vmem>>[vector<16xi32>], vector<16xf32>,
            %lt3A_305 = arith.cmpf olt, %gather3A_304, %gather3A_157 : vector<16xf32>
            %and3A_306 = arith.andi %and3A_282, %lt3A_305 : vector<16xi1>
            %gather3A_307 = tpu.vector_load_idx %arg12[%add3A_188] : memref<20000xf32, #tpu.memory_space<vmem>>[vector<16xi32>], vector<16xf32>,
            %lt3A_308 = arith.cmpf olt, %gather3A_307, %gather3A_201 : vector<16xf32>
            %and3A_309 = arith.andi %and3A_285, %lt3A_308 : vector<16xi1>
            %gather3A_310 = tpu.vector_load_idx %arg12[%add3A_191] : memref<20000xf32, #tpu.memory_space<vmem>>[vector<16xi32>], vector<16xf32>,
            %lt3A_311 = arith.cmpf olt, %gather3A_310, %gather3A_205 : vector<16xf32>
            %and3A_312 = arith.andi %and3A_288, %lt3A_311 : vector<16xi1>
            %gather3A_313 = tpu.vector_load_idx %arg12[%add3A_194] : memref<20000xf32, #tpu.memory_space<vmem>>[vector<16xi32>], vector<16xf32>,
            %lt3A_314 = arith.cmpf olt, %gather3A_313, %gather3A_209 : vector<16xf32>
            %and3A_315 = arith.andi %and3A_291, %lt3A_314 : vector<16xi1>
            %gather3A_316 = tpu.vector_load_idx %arg12[%add3A_197] : memref<20000xf32, #tpu.memory_space<vmem>>[vector<16xi32>], vector<16xf32>,
            %lt3A_317 = arith.cmpf olt, %gather3A_316, %gather3A_213 : vector<16xf32>
            %and3A_318 = arith.andi %and3A_294, %lt3A_317 : vector<16xi1>
            scf.yield %and3A_297, %and3A_300, %and3A_303, %and3A_306, %and3A_309, %and3A_312, %and3A_315, %and3A_318 : vector<16xi1>, vector<16xi1>, vector<16xi1>, vector<16xi1>, vector<16xi1>, vector<16xi1>, vector<16xi1>, vector<16xi1>
          }
          %add3A_261 = arith.constant 1 : i32
          %add3A_262 = arith.addi %while3A_105, %add3A_261 : i32
          scf.yield %add3A_262 : i32
        }
      } else {
      }
    }
    %scan3A_50 = arith.constant 63 : i32
    "tpu.region"() ({
      %run_scoped3A = tpu.sem_alloc : memref<!tpu.dma_semaphore, #tpu.memory_space<semaphore_mem>>
      %dma_start3A_51 = arith.constant 0 : i32
      %dma_start3A_52 = tpu.memref_slice %arg9[%add3A, %dma_start3A_51] : memref<32x20000xf32, #tpu.memory_space<hbm>> -> memref<1x20000xf32, #tpu.memory_space<hbm>>
      %dma_start3A_53 = tpu.memref_squeeze %dma_start3A_52 : memref<1x20000xf32, #tpu.memory_space<hbm>> -> memref<20000xf32, #tpu.memory_space<hbm>>
      %dma_start3A_54 = arith.constant 0 : i32
      %dma_start3A_55 = tpu.memref_slice %arg9[%add3A, %dma_start3A_54] : memref<32x20000xf32, #tpu.memory_space<hbm>> -> memref<1x20000xf32, #tpu.memory_space<hbm>>
      %dma_start3A_56 = tpu.memref_squeeze %dma_start3A_55 : memref<1x20000xf32, #tpu.memory_space<hbm>> -> memref<20000xf32, #tpu.memory_space<hbm>>
      tpu.enqueue_dma source(%arg12 : memref<20000xf32, #tpu.memory_space<vmem>>) target(%dma_start3A_56 : memref<20000xf32, #tpu.memory_space<hbm>>) target_semaphore(%run_scoped3A : memref<!tpu.dma_semaphore, #tpu.memory_space<semaphore_mem>>)
      %dma_wait3A = arith.constant 0 : i32
      %dma_wait3A_57 = tpu.memref_slice %arg9[%add3A, %dma_wait3A] : memref<32x20000xf32, #tpu.memory_space<hbm>> -> memref<1x20000xf32, #tpu.memory_space<hbm>>
      %dma_wait3A_58 = tpu.memref_squeeze %dma_wait3A_57 : memref<1x20000xf32, #tpu.memory_space<hbm>> -> memref<20000xf32, #tpu.memory_space<hbm>>
      %dma_wait3A_59 = arith.constant 0 : i32
      %dma_wait3A_60 = tpu.memref_slice %arg9[%add3A, %dma_wait3A_59] : memref<32x20000xf32, #tpu.memory_space<hbm>> -> memref<1x20000xf32, #tpu.memory_space<hbm>>
      %dma_wait3A_61 = tpu.memref_squeeze %dma_wait3A_60 : memref<1x20000xf32, #tpu.memory_space<hbm>> -> memref<20000xf32, #tpu.memory_space<hbm>>
      tpu.wait_dma2 semaphore(%run_scoped3A : memref<!tpu.dma_semaphore, #tpu.memory_space<semaphore_mem>>) src(%arg12 : memref<20000xf32, #tpu.memory_space<vmem>>) dst(%dma_wait3A_61 : memref<20000xf32, #tpu.memory_space<hbm>>)
      tpu.yield
    }) : () -> ()
    "tpu.trace_stop"() : () -> ()
    return
  }
}

module attributes {stable_mosaic.version = 14 : i64} {
  func.func @_tc_pre_body(%arg0: memref<10000x128xf32, #tpu.memory_space<vmem>>, %arg1: memref<10000x128xf32, #tpu.memory_space<vmem>>, %arg2: memref<128x128xf32, #tpu.memory_space<vmem>>, %arg3: memref<1x128xf32, #tpu.memory_space<vmem>>, %arg4: memref<128x128xf32, #tpu.memory_space<vmem>>, %arg5: memref<1x128xf32, #tpu.memory_space<vmem>>, %arg6: memref<10000x128xf32, #tpu.memory_space<vmem>>, %arg7: memref<10000x128xf32, #tpu.memory_space<vmem>>, %arg8: memref<10000x128xf32, #tpu.memory_space<vmem>>) attributes {dimension_semantics = [], scalar_prefetch = 0 : i64, scratch_operands = 0 : i64, tpu.core_type = #tpu.core_type<tc>} {
    %get3A = arith.constant 0 : index
    %get3A_0 = arith.constant 0 : index
    %get3A_1 = vector.load %arg0[%get3A, %get3A_0] : memref<10000x128xf32, #tpu.memory_space<vmem>>, vector<10000x128xf32>
    %get3A_2 = arith.constant 0 : index
    %get3A_3 = arith.constant 0 : index
    %get3A_4 = vector.load %arg2[%get3A_2, %get3A_3] : memref<128x128xf32, #tpu.memory_space<vmem>>, vector<128x128xf32>
    %dot_general3A = arith.constant dense<0.000000e+00> : vector<10000x128xf32>
    %dot_general3A_5 = tpu.matmul %get3A_1, %get3A_4, %dot_general3A {dimension_numbers = #tpu.dot_dimension_numbers<[1], [0], [0], [1], [0, 0, 1, 1], [], []>, transpose_lhs_hint = false} : vector<10000x128xf32>, vector<128x128xf32>, vector<10000x128xf32> -> vector<10000x128xf32>
    %get3A_6 = arith.constant 0 : index
    %get3A_7 = arith.constant 0 : index
    %get3A_8 = vector.load %arg3[%get3A_6, %get3A_7] : memref<1x128xf32, #tpu.memory_space<vmem>>, vector<1x128xf32>
    %add3A = vector.broadcast %get3A_8 : vector<1x128xf32> to vector<10000x128xf32>
    %add3A_9 = arith.addf %dot_general3A_5, %add3A : vector<10000x128xf32>
    %max3A = arith.constant 0.000000e+00 : f32
    %max3A_10 = vector.broadcast %max3A : f32 to vector<10000x128xf32>
    %max3A_11 = arith.maximumf %add3A_9, %max3A_10 : vector<10000x128xf32>
    %get3A_12 = arith.constant 0 : index
    %get3A_13 = arith.constant 0 : index
    %get3A_14 = vector.load %arg4[%get3A_12, %get3A_13] : memref<128x128xf32, #tpu.memory_space<vmem>>, vector<128x128xf32>
    %dot_general3A_15 = arith.constant dense<0.000000e+00> : vector<10000x128xf32>
    %dot_general3A_16 = tpu.matmul %max3A_11, %get3A_14, %dot_general3A_15 {dimension_numbers = #tpu.dot_dimension_numbers<[1], [0], [0], [1], [0, 0, 1, 1], [], []>, transpose_lhs_hint = false} : vector<10000x128xf32>, vector<128x128xf32>, vector<10000x128xf32> -> vector<10000x128xf32>
    %get3A_17 = arith.constant 0 : index
    %get3A_18 = arith.constant 0 : index
    %get3A_19 = vector.load %arg5[%get3A_17, %get3A_18] : memref<1x128xf32, #tpu.memory_space<vmem>>, vector<1x128xf32>
    %add3A_20 = vector.broadcast %get3A_19 : vector<1x128xf32> to vector<10000x128xf32>
    %add3A_21 = arith.addf %dot_general3A_16, %add3A_20 : vector<10000x128xf32>
    %reduce_max3A = arith.constant dense<0xFF800000> : vector<128xf32>
    %reduce_max3A_22 = vector.multi_reduction <maximumf>, %add3A_21, %reduce_max3A [0] : vector<10000x128xf32> to vector<128xf32>
    %broadcast_in_dim3A = vector.shape_cast %reduce_max3A_22 : vector<128xf32> to vector<1x128xf32>
    %sub3A = vector.broadcast %broadcast_in_dim3A : vector<1x128xf32> to vector<10000x128xf32>
    %sub3A_23 = arith.subf %add3A_21, %sub3A : vector<10000x128xf32>
    %exp3A = math.exp %sub3A_23 : vector<10000x128xf32>
    %swap3A = arith.constant 0 : index
    %swap3A_24 = arith.constant 0 : index
    %swap3A_25 = vector.load %arg6[%swap3A, %swap3A_24] : memref<10000x128xf32, #tpu.memory_space<vmem>>, vector<10000x128xf32>
    tpu.vector_store %arg6[%swap3A, %swap3A_24], %exp3A {strides = array<i32>} : memref<10000x128xf32, #tpu.memory_space<vmem>>, vector<10000x128xf32>,
    %mul3A = arith.mulf %exp3A, %get3A_1 : vector<10000x128xf32>
    %swap3A_26 = arith.constant 0 : index
    %swap3A_27 = arith.constant 0 : index
    %swap3A_28 = vector.load %arg7[%swap3A_26, %swap3A_27] : memref<10000x128xf32, #tpu.memory_space<vmem>>, vector<10000x128xf32>
    tpu.vector_store %arg7[%swap3A_26, %swap3A_27], %mul3A {strides = array<i32>} : memref<10000x128xf32, #tpu.memory_space<vmem>>, vector<10000x128xf32>,
    %get3A_29 = arith.constant 0 : index
    %get3A_30 = arith.constant 0 : index
    %get3A_31 = vector.load %arg1[%get3A_29, %get3A_30] : memref<10000x128xf32, #tpu.memory_space<vmem>>, vector<10000x128xf32>
    %max3A_32 = arith.constant 0.000000e+00 : f32
    %max3A_33 = vector.broadcast %max3A_32 : f32 to vector<10000x128xf32>
    %max3A_34 = arith.maximumf %get3A_31, %max3A_33 : vector<10000x128xf32>
    %swap3A_35 = arith.constant 0 : index
    %swap3A_36 = arith.constant 0 : index
    %swap3A_37 = vector.load %arg8[%swap3A_35, %swap3A_36] : memref<10000x128xf32, #tpu.memory_space<vmem>>, vector<10000x128xf32>
    tpu.vector_store %arg8[%swap3A_35, %swap3A_36], %max3A_34 {strides = array<i32>} : memref<10000x128xf32, #tpu.memory_space<vmem>>, vector<10000x128xf32>,
    return
  }
}

module attributes {stable_mosaic.version = 14 : i64} {
  func.func @_tc_post_body(%arg0: memref<5000x128xf32, #tpu.memory_space<vmem>>, %arg1: memref<5000x128xf32, #tpu.memory_space<vmem>>, %arg2: memref<5000x128xf32, #tpu.memory_space<vmem>>, %arg3: memref<5000x128xf32, #tpu.memory_space<vmem>>, %arg4: memref<5000x128xf32, #tpu.memory_space<vmem>>) attributes {dimension_semantics = [], scalar_prefetch = 0 : i64, scratch_operands = 0 : i64, tpu.core_type = #tpu.core_type<tc>} {
    %get3A = arith.constant 0 : index
    %get3A_0 = arith.constant 0 : index
    %get3A_1 = vector.load %arg0[%get3A, %get3A_0] : memref<5000x128xf32, #tpu.memory_space<vmem>>, vector<5000x128xf32>
    %get3A_2 = arith.constant 0 : index
    %get3A_3 = arith.constant 0 : index
    %get3A_4 = vector.load %arg1[%get3A_2, %get3A_3] : memref<5000x128xf32, #tpu.memory_space<vmem>>, vector<5000x128xf32>
    %add3A = arith.constant 1.000000e-16 : f32
    %add3A_5 = vector.broadcast %add3A : f32 to vector<5000x128xf32>
    %add3A_6 = arith.addf %get3A_4, %add3A_5 : vector<5000x128xf32>
    %div3A = arith.divf %get3A_1, %add3A_6 : vector<5000x128xf32>
    %mul3A = arith.mulf %div3A, %div3A : vector<5000x128xf32>
    %reduce_sum3A = arith.constant dense<0.000000e+00> : vector<5000xf32>
    %reduce_sum3A_7 = vector.multi_reduction <add>, %mul3A, %reduce_sum3A [1] : vector<5000x128xf32> to vector<5000xf32>
    %broadcast_in_dim3A = vector.shape_cast %reduce_sum3A_7 : vector<5000xf32> to vector<5000x1xf32>
    %sqrt3A = math.sqrt %broadcast_in_dim3A : vector<5000x1xf32>
    %max3A = arith.constant 9.99999996E-13 : f32
    %max3A_8 = vector.broadcast %max3A : f32 to vector<5000x1xf32>
    %max3A_9 = arith.maximumf %sqrt3A, %max3A_8 : vector<5000x1xf32>
    %div3A_10 = vector.broadcast %max3A_9 : vector<5000x1xf32> to vector<5000x128xf32>
    %div3A_11 = arith.divf %div3A, %div3A_10 : vector<5000x128xf32>
    %swap3A = arith.constant 0 : index
    %swap3A_12 = arith.constant 0 : index
    %swap3A_13 = vector.load %arg3[%swap3A, %swap3A_12] : memref<5000x128xf32, #tpu.memory_space<vmem>>, vector<5000x128xf32>
    tpu.vector_store %arg3[%swap3A, %swap3A_12], %div3A_11 {strides = array<i32>} : memref<5000x128xf32, #tpu.memory_space<vmem>>, vector<5000x128xf32>,
    %get3A_14 = arith.constant 0 : index
    %get3A_15 = arith.constant 0 : index
    %get3A_16 = vector.load %arg2[%get3A_14, %get3A_15] : memref<5000x128xf32, #tpu.memory_space<vmem>>, vector<5000x128xf32>
    %max3A_17 = arith.constant 0.000000e+00 : f32
    %max3A_18 = vector.broadcast %max3A_17 : f32 to vector<5000x128xf32>
    %max3A_19 = arith.maximumf %get3A_16, %max3A_18 : vector<5000x128xf32>
    %swap3A_20 = arith.constant 0 : index
    %swap3A_21 = arith.constant 0 : index
    %swap3A_22 = vector.load %arg4[%swap3A_20, %swap3A_21] : memref<5000x128xf32, #tpu.memory_space<vmem>>, vector<5000x128xf32>
    tpu.vector_store %arg4[%swap3A_20, %swap3A_21], %max3A_19 {strides = array<i32>} : memref<5000x128xf32, #tpu.memory_space<vmem>>, vector<5000x128xf32>,
    return
  }
}

</mosaic_0001>

<sc_bundles>
// kernel: kernel.5.cloned.1.call-start
scs
__scs_entry_jumppad:
0x0: {  	(pc) =	sbr.rel $0x88, $3  }
0x1: {  	(tag) =	ssettag $0x0;
	lr =	simm.s32 $0x1  }
0x2: {  	[smem:$0x3F95] =	sst lr;
	_ =	strace $0xD0000000  }
0x3: {  	_ = 	snop  }
0x4: {  	_ = 	snop  }
0x5: {  	_ = 	snop  }
0x6: {  	_ = 	snop  }
0x7: {  	_ = 	snop  }
__scs_overlays_trampoline_lowered:
0x8: {  	[smem:$0x3FA4] =	sst s0  }
0x9: {  	[smem:$0x3FA5] =	sst s1  }
0xa: {  	[smem:$0x3FA6] =	sst s2  }
0xb: {  	[smem:$0x3FA7] =	sst s3  }
0xc: {  	[smem:$0x3FA8] =	sst s4  }
0xd: {  	[smem:$0x3FA9] =	sst s5  }
0xe: {  	[smem:$0x3FAA] =	sst s6  }
0xf: {  	[smem:$0x3FAB] =	sst s7  }
0x10: {  	[smem:$0x3FAC] =	sst s8  }
0x11: {  	[smem:$0x3FAD] =	sst s9;
	s0 =	simm.s32 @!p0 $0x0  }
0x12: {  	s1 =	sld [smem:$0x3F93];
	s0 =	simm.s32 @p0 $0x1  }
0x13: {  	[smem:$0x3FAE] =	sst s0;
	s0 =	simm.s32 @!p1 $0x0  }
0x14: {  	s2 =	sld [smem:$0x3F92];
	s0 =	simm.s32 @p1 $0x1  }
0x15: {  	[smem:$0x3FAF] =	sst s0;
	s0 =	simm.s32 @!p2 $0x0  }
0x16: {  	s3 =	sld [smem:$0x3FDB];
	s0 =	simm.s32 @p2 $0x1  }
0x17: {  	s4 =	simm.s32 $0x1BF5;
	[smem:$0x3FB1] =	sst s0  }
0x18: {  	s0 =	sld [smem:$0x3F94];
	_ =	swait.ge [sflag:s4], $0x0  }
0x19: {  	s7 =	sld [smem:$0x3F95]  }
0x1a: {  	s8 =	sadd.s32 $0xFFFFE003, lr  }
0x1b: {  	s9 =	sadd.s32 $0xFFFFFEF7, lr;
	s5 =	simm.s32 $0xFFFFFFFF;
	p2 =	slt.u32 s8, $0xFFFFF086  }
0x1c: {  	p1 =	slt.u32 s9, $0xF7A;
	s5 =	simm.s32 @!p2 $0x0  }
0x1d: {  	s5 =	simm.s32 @p1 $0x1;
	p0 =	seq.s32 s7, s2  }
0x1e: {  	s7 =	smul.u32 @!p0 $0xF7A, s2;
	p2 =	seq.s32 @!p0 s5, $0x0  }
0x1f: {  	s9 =	smul.u32 $0xF7A, s1;
	s8 =	simm.s32 @!p0 $0x1BF5;
	p2 =	por !p2, p0  }
0x20: {  	[sflag:s8] =	ssyncset.s32 @!p0 $0xFFFFF086;
	s6 =	sadd.s32 @!p0 s3, s7;
	s7 =	simm.s32 @!p0 $0x108  }
0x21: {  	s3 =	sadd.s32 s3, s9;
	s6 =	sadd.s32 @!p0 $0x88, s6;
	s7 =	simm.s32 @p2 $0x1082  }
0x22: {  	[simem:s7], [sflag:s8] =	dma.local @!p0 [hbm:s6], $0xF7A  }
0x23: {  	s9 =	sor.u32 $0xD0000000, s2;
	s6 =	simm.s32 $0x108;
	_ =	swait.ge @!p0 [sflag:s8], $0x0  }
0x24: {  	s3 =	sadd.s32 $0x88, s3;
	s6 =	simm.s32 @!p1 $0x1082;
	[sflag:s4] =	ssyncset.s32 $0xFFFFF086  }
0x25: {  	[simem:s6], [sflag:s4] =	dma.local [hbm:s3], $0xF7A  }
0x26: {  	[smem:$0x3F95] =	sst s1;
	(tag) =	ssettag s2;
	_ =	strace s9  }
0x27: {  	s1 =	sld [smem:$0x3FA5]  }
0x28: {  	s2 =	sld [smem:$0x3FA6]  }
0x29: {  	s4 =	sld [smem:$0x3FA8]  }
0x2a: {  	p0 =	seq.s32 s5, $0x0;
	s5 =	sld [smem:$0x3FA9]  }
0x2b: {  	s6 =	sld [smem:$0x3FAA]  }
0x2c: {  	s7 =	sld [smem:$0x3FAB]  }
0x2d: {  	s3 =	simm.s32 $0x108;
	s8 =	sld [smem:$0x3FAC]  }
0x2e: {  	s3 =	simm.s32 @!p0 $0x1082;
	s9 =	sld [smem:$0x3FAD]  }
0x2f: {  	lr =	sadd.s32 s0, s3;
	s0 =	sld [smem:$0x3FA4]  }
0x30: {  	s3 =	sld [smem:$0x3FA7]  }
0x31: {  	[smem:$0x3FB0] =	sst s10  }
0x32: {  	s10 =	sld [smem:$0x3FAE];
	_ =	sdelay $0x3  }
0x33: {  	p0 =	seq.s32 s10, $0x1;
	s10 =	sld [smem:$0x3FB0];
	_ =	sdelay $0x3  }
0x34: {  	[smem:$0x3FB0] =	sst s10  }
0x35: {  	s10 =	sld [smem:$0x3FAF];
	_ =	sdelay $0x3  }
0x36: {  	p1 =	seq.s32 s10, $0x1;
	s10 =	sld [smem:$0x3FB0];
	_ =	sdelay $0x3  }
0x37: {  	[smem:$0x3FB0] =	sst s10  }
0x38: {  	s10 =	sld [smem:$0x3FB1]  }
0x39: {  	_ = 	snop;
	(pc) =	sbr.ind lr, $3  }
0x3a: {  	_ = 	snop  }
0x3b: {  	_ = 	snop  }
0x3c: {  	p2 =	seq.s32 s10, $0x1;
	s10 =	sld [smem:$0x3FB0]  }
0x3d: {  	_ =	shalt  }
0x3e: {  	_ =	shalt  }
0x3f: {  	_ =	shalt  }
0x40: {  	_ =	shalt  }
0x41: {  	_ =	shalt  }
0x42: {  	_ =	shalt  }
0x43: {  	_ =	shalt  }
0x44: {  	_ =	shalt  }
0x45: {  	_ =	shalt  }
0x46: {  	_ =	shalt  }
0x47: {  	_ =	shalt  }
0x48: {  	_ =	shalt  }
0x49: {  	_ =	shalt  }
0x4a: {  	_ =	shalt  }
0x4b: {  	_ =	shalt  }
0x4c: {  	_ =	shalt  }
0x4d: {  	_ =	shalt  }
0x4e: {  	_ =	shalt  }
0x4f: {  	_ =	shalt  }
0x50: {  	_ =	shalt  }
0x51: {  	_ =	shalt  }
0x52: {  	_ =	shalt  }
0x53: {  	_ =	shalt  }
0x54: {  	_ =	shalt  }
0x55: {  	_ =	shalt  }
0x56: {  	_ =	shalt  }
0x57: {  	_ =	shalt  }
0x58: {  	_ =	shalt  }
0x59: {  	_ =	shalt  }
0x5a: {  	_ =	shalt  }
0x5b: {  	_ =	shalt  }
0x5c: {  	_ =	shalt  }
0x5d: {  	_ =	shalt  }
0x5e: {  	_ =	shalt  }
0x5f: {  	_ =	shalt  }
0x60: {  	_ =	shalt  }
0x61: {  	_ =	shalt  }
0x62: {  	_ =	shalt  }
0x63: {  	_ =	shalt  }
0x64: {  	_ =	shalt  }
0x65: {  	_ =	shalt  }
0x66: {  	_ =	shalt  }
0x67: {  	_ =	shalt  }
0x68: {  	_ =	shalt  }
0x69: {  	_ =	shalt  }
0x6a: {  	_ =	shalt  }
0x6b: {  	_ =	shalt  }
0x6c: {  	_ =	shalt  }
0x6d: {  	_ =	shalt  }
0x6e: {  	_ =	shalt  }
0x6f: {  	_ =	shalt  }
0x70: {  	_ =	shalt  }
0x71: {  	_ =	shalt  }
0x72: {  	_ =	shalt  }
0x73: {  	_ =	shalt  }
0x74: {  	_ =	shalt  }
0x75: {  	_ =	shalt  }
0x76: {  	_ =	shalt  }
0x77: {  	_ =	shalt  }
0x78: {  	_ =	shalt  }
0x79: {  	_ =	shalt  }
0x7a: {  	_ =	shalt  }
0x7b: {  	_ =	shalt  }
0x7c: {  	_ =	shalt  }
0x7d: {  	_ =	shalt  }
0x7e: {  	_ =	shalt  }
0x7f: {  	_ =	shalt  }
0x80: {  	_ =	shalt  }
0x81: {  	_ =	shalt  }
0x82: {  	_ =	shalt  }
0x83: {  	_ =	shalt  }
0x84: {  	_ =	shalt  }
0x85: {  	_ =	shalt  }
0x86: {  	_ =	shalt  }
0x87: {  	_ =	shalt  }
.Lfunc_end0:
.L_simem_size_0:
called_computation_lowered:
.L_overlay_start_0:
0x88: {  	s2 =	sld [smem:$0x3FD9]  }
0x89: {  	s3 =	sld [smem:$0x3FFE];
	_ =	sdelay $0x1  }
0x8a: {  	s1 =	srdreg.scid  }
0x8b: {  	s0 =	sand.u32 $0x1, s1  }
0x8c: {  	s16 =	sshll.u32 s0, $0xA;
	s2 =	sadd.s32 s3, s2  }
0x8d: {  	s2 =	sadd.s32 s2, s16  }
0x8e: {  	[smem:$0x3FBC] =	sst s2  }
0x8f: {  	_ = 	snop  }
0x90: {  	(tm) =	ssettm $0x1  }
0x91: {  	s17 =	sld [smem:$0x3FFB];
	_ =	sdelay $0x3  }
0x92: {  	_ =	strace s17  }
0x93: {  	s2 =	sld [smem:$0x3FFC];
	_ =	sdelay $0x3  }
0x94: {  	_ =	strace s2  }
0x95: {  	s2 =	sld [smem:$0x3FFD];
	_ =	sdelay $0x3  }
0x96: {  	_ =	strace s2  }
0x97: {  	_ =	strace $0x8FFFFFFF  }
0x98: {  	s18 =	sld [smem:$0x3FDB];
	_ =	sdelay $0x1  }
0x99: {  	s19 =	simm.s32 $_scs_section_size  }
0x9a: {  	s4 =	simm.s32 $_size__tile_overlayer_lowered;
	s5 =	simm.s32 $_tile_overlayer_lowered  }
0x9b: {  	s22 =	simm.s32 $0x1BFF;
	s21 =	sshll.u32 s5, $0x1;
	s2 =	sadd.s32 s19, s18  }
0x9c: {  	s6 =	simm.s32 $0x0;
	s20 =	sshll.u32 s4, $0x1;
	s4 =	sadd.s32 s21, s2  }
0x9d: {  	[timem:s6], [sflag:s22] =	dma.local [hbm:s4], s20  }
0x9e: {  	_ =	swait.ge [sflag:s22], s20  }
0x9f: {  	s3 =	ssub.s32 $0x0, s20;
	[sflag:s22] =	ssyncset.done $0x0  }
0xa0: {  	[sflag:s22] =	ssyncadd.s32 s3;
	_ =	sdelay $0x1  }
0xa1: {  	s23 =	simm.s32 $0x1B8B  }
0xa2: {  	_ =	swait.ge [sflag:s23], $0x1  }
0xa3: {  	[sflag:s23] =	ssyncset.done $0x0  }
0xa4: {  	s25 =	simm.s32 $0x1B8E;
	s24 =	sld [smem:$0x3FFE];
	[sflag:s23] =	ssyncadd.s32 $0xFFFFFFFF  }
0xa5: {  	s26 =	simm.s32 $execute0_lowered;
	[smem:$0x3FD2] =	sst s25  }
0xa6: {  	s4 =	sshll.u32 s26, $0x1;
	_ =	strace $0x80000046;
	[dreg:$0x1] =	wrdreg $0xFFFFFFFF  }
0xa7: {  	s28 =	simm.s32 $_size_execute0_lowered;
	s2 =	sadd.s32 s2, s4;
	[dreg:$0x0] =	wrdreg $0x0  }
0xa8: {  	s4 =	sshll.u32 s28, $0x1;
	[dreg:$0x2] =	wrdreg s2  }
0xa9: {  	[dreg:$0x3] =	wrdreg s4  }
0xaa: {  	[dreg:$0x4] =	wrdreg $0xC0  }
0xab: {  	_ =	task [dreg:s6], $0x5FFFF  }
0xac: {  	[dreg:$0x1] =	wrdreg $0xFFFFFFFF  }
0xad: {  	[dreg:$0x0] =	wrdreg $0x60  }
0xae: {  	[dreg:$0x2] =	wrdreg s24  }
0xaf: {  	[dreg:$0x3] =	wrdreg $0x9  }
0xb0: {  	_ =	task.clear_ibuf [dreg:s6], $0x4FFFF;
	_ =	strace $0x90000046  }
0xb1: {  	s29 =	simm.s32 $0x9;
	_ =	strace $0x8000004A  }
0xb2: {  	_ =	swait.ge [sflag:s29], $0x1  }
0xb3: {  	[sflag:s29] =	ssyncadd.s32 $0xFFFFFFFF  }
0xb4: {  	_ =	strace $0x9000004A  }
0xb5: {  	_ =	sfence  }
0xb6: {  	s30 =	sld [smem:$0x0];
	_ =	sdelay $0x2  }
0xb7: {  	s31 =	sshll.u32 s1, $0xD;
	s1 =	sshrl.u32 s1, $0x2  }
0xb8: {  	s3 =	sand.u32 $0x4000, s31;
	s1 =	sadd.s32 s1, s30  }
0xb9: {  	s0 =	sor.u32 s3, s0;
	s1 =	sshll.u32 s1, $0x11  }
0xba: {  	s0 =	sor.u32 s1, s0  }
0xbb: {  	s0 =	sadd.s32 $0x8F2B, s0  }
0xbc: {  	[sflag:s0] =	ssyncadd.remote.s32 $0x1  }
0xbd: {  	_ =	sfence.sel $0xFFFF  }
0xbe: {  	[dreg:$0x0] =	wrdreg $0xFFFFFFFF;
	(pc) =	sbr.abs _section_cstart, $3  }
0xbf: {  	[dreg:$0x1] =	wrdreg $0xFFFFFFFF  }
0xc0: {  	_ =	task.clear_ibuf [dreg:s6], $0x2FFFF;
	_ =	strace $0x9FFFFFFF  }
0xc1: {  	(tm) =	ssettm $0x7FFFFFFF  }
tec
execute0_lowered:
.L_overlay_start_1:
0x0: {  	(tag) =	ssettag $0x1  }
0x1: {  	s5 =	rddreg [dreg:$0x0]  }
0x2: {  	s1 =	srdreg.scid;
	s0 =	stileid.u32  }
0x3: {  	s2 =	simm.s32 $0x0;
	s12 =	simm.s32 $0x80;
	s13 =	simm.s32 $0x400  }
0x4: {  	s14 =	simm.s32 $0x3;
	s15 =	simm.s32 $0x9C80;
	s16 =	simm.s32 $0x1D600  }
0x5: {  	s17 =	simm.s32 $0x1;
	s18 =	simm.s32 $0x13900;
	s19 =	simm.s32 $0x18780  }
0x6: {  	s20 =	simm.s32 $0x2;
	s21 =	simm.s32 $0x1EA00;
	s22 =	simm.s32 $0x0  }
0x7: {  	s3 =	sand.u32 $0x1, s1;
	s4 =	sshrl.u32 s0, $0x2;
	s1 =	rddreg [dreg:$0x1]  }
0x8: {  	s28 =	sshll.u32 s0, $0x8;
	[smem:$0x7FF] =	sst s2;
	s8 =	smul.u32 $0x4E400, s4  }
0x9: {  	s6 =	sshll.u32 s3, $0x7;
	s7 =	sand.u32 $0x300, s28;
	s4 =	smul.u32 $0x27400, s4  }
0xa: {  	_ =	strace $0x80000047;
	s29 =	ssub.s32 $0x2, s3;
	s6 =	sor.u32 s6, s7  }
0xb: {  	s3 =	sadd.s32 $0x76E00, s5;
	s31 =	sshrl.u32 s29, $0x1;
	s7 =	sor.u32 s8, s6  }
.Ltmp0:
0xc: {  	s4 =	sor.u32 s4, s6;
	s11 =	ssub.s32 s29, s31;
	(pc) =	sbr.rel .LBB2_1-.Ltmp0, $4  }
0xd: {  	s7 =	sshrl.u32 s7, $0x3;
	s30 =	sshrl.u32 s4, $0x3;
	s4 =	sadd.s32 $0x8AE00, s5  }
0xe: {  	s11 =	smax.u32 s11, $0x1;
	s9 =	sadd.s32 s7, s5;
	s10 =	sadd.s32 s30, s5  }
0xf: {  	s5 =	sadd.s32 $0x1800, s9;
	s6 =	sadd.s32 $0x28A00, s9;
	s7 =	sadd.s32 $0xB2800, s10  }
0x10: {  	v0 =	vimm.f32 $0.0e+00;
	v1 =	vimm.s32 $0x0;
	v2 =	vlaneseq.u32;
	s8 =	sadd.s32 $0x9EE00, s10;
	s9 =	sadd.s32 $0x4FC00, s9;
	s10 =	sadd.s32 $0xC6200, s10  }
.LBB2_49:
0x11: {  	[hbm4b:s10+s12] =	stream.strided.scatter [tilespmem:s18], [sflag:$0x3], $0x4E80, s13, s12, $0x200038;
	[tilespmem:$0x1FE00] =	vst v63  }
0x12: {  	s22 =	sadd.s32 $0x1, s22  }
0x13: {  	p0 =	sne.s32 s22, s11  }
.Ltmp1:
0x14: {  	_ = 	snop;
	(pc) =	sbr.rel @!p0 .LBB2_50-.Ltmp1, $4  }
0x15: {  	_ =	swait.ge [sflag:s14], $0x4E80  }
0x16: {  	[sflag:s14] =	ssyncset.done $0x0  }
0x17: {  	[sflag:s14] =	ssyncadd.s32 $0xFFFFB180  }
0x18: {  	_ =	strace $0x90000049  }
.LBB2_1:
0x19: {  	_ =	strace $0x80000048  }
0x1a: {  	[tilespmem:s2], [sflag:$0x3] =	stream.strided.gather [hbm4b:s5+s12], $0x9C80, s13, s12, $0x200038;
	[tilespmem:$0x1FE00] =	vst v63  }
0x1b: {  	_ =	swait.ge [sflag:s14], $0x9C80  }
0x1c: {  	[sflag:s14] =	ssyncset.done $0x0  }
0x1d: {  	[sflag:s14] =	ssyncadd.s32 $0xFFFF6380  }
0x1e: {  	[tilespmem:s15], [sflag:$0x3] =	stream.strided.gather [hbm4b:s6+s12], $0x9C80, s13, s12, $0x200038;
	[tilespmem:$0x1FE00] =	vst v63  }
0x1f: {  	_ =	swait.ge [sflag:s14], $0x9C80  }
0x20: {  	[sflag:s14] =	ssyncset.done $0x0  }
0x21: {  	s24 =	simm.s32 $0x13910;
	[sflag:s14] =	ssyncadd.s32 $0xFFFF6380  }
0x22: {  	s25 =	simm.s32 $0x0;
	[tilespmem:s24+$0xFFFFFFF0] =	vst v0  }
.LBB2_2:
0x23: {  	s25 =	sadd.s32 $0x2, s25  }
0x24: {  	p0 =	slt.u32 s25, $0x4E0  }
.Ltmp2:
0x25: {  	_ = 	snop;
	(pc) =	sbr.rel @p0 .LBB2_2-.Ltmp2, $3  }
0x26: {  	_ =	sdelay $0x1  }
0x27: {  	[tilespmem:s24+$0x0] =	vst v0;
	s24 =	sadd.s32 $0x20, s24;
	s23 =	simm.s32 $0x18790  }
0x28: {  	[tilespmem:s24+$0xFFFFFFF0] =	vst v0  }
0x29: {  	[tilespmem:s24+$0x0] =	vst v0  }
0x2a: {  	s24 =	simm.s32 $0x0;
	[tilespmem:s23+$0xFFFFFFF0] =	vst v0  }
.LBB2_4:
0x2b: {  	s24 =	sadd.s32 $0x2, s24  }
0x2c: {  	p0 =	slt.u32 s24, $0x4E0  }
.Ltmp3:
0x2d: {  	_ = 	snop;
	(pc) =	sbr.rel @p0 .LBB2_4-.Ltmp3, $3  }
0x2e: {  	_ =	sdelay $0x1  }
0x2f: {  	[tilespmem:s23+$0x0] =	vst v0;
	s23 =	sadd.s32 $0x20, s23  }
0x30: {  	[tilespmem:s23+$0xFFFFFFF0] =	vst v0  }
.Ltmp4:
0x31: {  	(pc) =	sbr.rel .LBB2_6-.Ltmp4, $3  }
0x32: {  	_ =	sdelay $0x1  }
0x33: {  	[tilespmem:s23+$0x0] =	vst v0;
	s23 =	simm.s32 $0x0;
	s24 =	simm.s32 $0x0  }
0x34: {  	[tilespmem:s16], [sflag:$0x1] =	stream.strided.gather [hbm4b:s3+s12], $0x1400, s13, s12, $0x200038;
	[tilespmem:$0x1FE00] =	vst v63  }
.LBB2_12:
0x35: {  	s24 =	sadd.s32 $0x1, s24  }
0x36: {  	p0 =	sne.s32 s24, $0x3F  }
.Ltmp5:
0x37: {  	_ = 	snop;
	(pc) =	sbr.rel @!p0 .LBB2_13-.Ltmp5, $1  }
0x38: {  	_ =	sdelay $0x3  }
.LBB2_6:
0x39: {  	s25 =	sshllo.u32 s24, $0x1  }
0x3a: {  	p0 =	sgt.u32 s25, $0x7C  }
0x3b: {  	s26 =	sshrl.u32 @!p0 s24, $0x2  }
0x3c: {  	s25 =	sshll.u32 @!p0 s25, $0x7;
	s26 =	smul.u32 @!p0 $0xA000, s26  }
0x3d: {  	s25 =	sand.u32 @!p0 $0x380, s25  }
0x3e: {  	s25 =	sor.u32 @!p0 s26, s25  }
0x3f: {  	s28 =	simm.s32 @!p0 $0x400;
	s25 =	sshrl.u32 @!p0 s25, $0x3  }
0x40: {  	s29 =	simm.s32 @!p0 $0x1EA00;
	s26 =	simm.s32 @!p0 $0x80;
	s25 =	sadd.s32 @!p0 s3, s25  }
0x41: {  	[tilespmem:s29], [sflag:$0x2] =	stream.strided.gather @!p0 [hbm4b:s25+s26], $0x1400, s28, s26, $0x200038;
	[tilespmem:$0x1FE00] =	vst v63  }
0x42: {  	_ =	swait.ge [sflag:s17], $0x1400  }
0x43: {  	[sflag:s17] =	ssyncset.done $0x0  }
0x44: {  	s31 =	sand.u32 $0xFC0, s23;
	[sflag:s17] =	ssyncadd.s32 $0xFFFFEC00  }
0x45: {  	v3 =	vld [tilespmem:s31+$0x1E000];
	_ =	sdelay $0x2  }
0x46: {  	s25 =	simm.s32 $0x1D600  }
0x47: {  	v4 =	vld [tilespmem:s25+$0x0]  }
0x48: {  	v3 =	vshll.u32 v3, $0x2;
	_ =	sdelay $0x1  }
0x49: {  	v5 =	vld [tilespmem:s25+$0xA10]  }
0x4a: {  	v6 =	vld [tilespmem:s25+$0xA20]  }
0x4b: {  	v7 =	vld [tilespmem:s25+$0xA30];
	vm3 =	vlt.s32 v4, $0x1388;
	v4 =	vshll.u32 v4, $0x2  }
0x4c: {  	v4 =	vnsel vm3, $0x0, v4;
	v8 =	vld.idx.msk [tilespmem:v3+s2+$0x0], $0xffff  }
0x4d: {  	v9 =	vld [tilespmem:s25+$0x10]  }
0x4e: {  	v10 =	vld [tilespmem:s25+$0x20];
	v5 =	vshll.u32 v5, $0x2;
	_ =	sdelay $0x1  }
0x4f: {  	v11 =	vld [tilespmem:s25+$0x30];
	v6 =	vshll.u32 v6, $0x2  }
0x50: {  	v12 =	vshll.u32 v7, $0x2;
	[tilespmem:v4+s18+$0x0] =	vst.idx.add.f32.msk vm3, v8  }
0x51: {  	vm0 =	vlt.s32 v9, $0x1388;
	v8 =	vshll.u32 v9, $0x2;
	v7 =	vld.idx.msk [tilespmem:v3+s15+$0x0], $0xffff  }
0x52: {  	vm1 =	vlt.s32 v10, $0x1388;
	v13 =	vnsel vm0, $0x0, v8;
	v8 =	vshll.u32 v10, $0x2;
	v10 =	vld.idx.msk [tilespmem:v5+s2+$0x0], $0xffff  }
0x53: {  	v9 =	vor.u32 $0x1, v3  }
0x54: {  	vm2 =	vlt.s32 v11, $0x1388;
	v14 =	vnsel vm1, $0x0, v8;
	v8 =	vshll.u32 v11, $0x2;
	v11 =	vld.idx.msk [tilespmem:v6+s2+$0x0], $0xffff  }
0x55: {  	v15 =	vnsel vm2, $0x0, v8;
	v8 =	vld.idx.msk [tilespmem:v12+s2+$0x0], $0xffff  }
0x56: {  	[tilespmem:v4+s19+$0x0] =	vst.idx.add.f32.msk vm3, v7  }
0x57: {  	[tilespmem:v13+s18+$0x0] =	vst.idx.add.f32.msk vm0, v10  }
0x58: {  	v16 =	vor.u32 $0x1, v4;
	v7 =	vld.idx.msk [tilespmem:v9+s2+$0x0], $0xffff  }
0x59: {  	[tilespmem:v14+s18+$0x0] =	vst.idx.add.f32.msk vm1, v11  }
0x5a: {  	vm0 =	vmmov vm0;
	[tilespmem:v15+s18+$0x0] =	vst.idx.add.f32.msk vm2, v8  }
0x5b: {  	v8 =	vld.idx.msk [tilespmem:v5+s15+$0x0], $0xffff  }
0x5c: {  	v10 =	vld.idx.msk [tilespmem:v6+s15+$0x0], $0xffff  }
0x5d: {  	v11 =	vor.u32 $0x1, v5;
	[tilespmem:v16+s18+$0x0] =	vst.idx.add.f32.msk vm3, v7  }
0x5e: {  	v7 =	vld.idx.msk [tilespmem:v9+s15+$0x0], $0xffff  }
0x5f: {  	v9 =	vld.idx.msk [tilespmem:v12+s15+$0x0], $0xffff  }
0x60: {  	[tilespmem:v13+s19+$0x0] =	vst.idx.add.f32.msk vm0, v8;
	v8 =	vor.u32 $0x1, v6  }
0x61: {  	v17 =	vor.u32 $0x2, v3;
	[tilespmem:v14+s19+$0x0] =	vst.idx.add.f32.msk vm1, v10  }
0x62: {  	v10 =	vor.u32 $0x1, v12;
	v18 =	vld.idx.msk [tilespmem:v11+s2+$0x0], $0xffff  }
0x63: {  	v19 =	vor.u32 $0x1, v13;
	[tilespmem:v16+s19+$0x0] =	vst.idx.add.f32.msk vm3, v7  }
0x64: {  	vm1 =	vmmov vm1;
	[tilespmem:v15+s19+$0x0] =	vst.idx.add.f32.msk vm2, v9  }
0x65: {  	v20 =	vor.u32 $0x1, v14;
	v9 =	vld.idx.msk [tilespmem:v8+s2+$0x0], $0xffff  }
0x66: {  	v57 =	vor.u32 $0x2, v4;
	v7 =	vld.idx.msk [tilespmem:v17+s2+$0x0], $0xffff  }
0x67: {  	v22 =	vor.u32 $0x1, v15;
	v21 =	vld.idx.msk [tilespmem:v10+s2+$0x0], $0xffff  }
0x68: {  	[tilespmem:v19+s18+$0x0] =	vst.idx.add.f32.msk vm0, v18  }
0x69: {  	v11 =	vld.idx.msk [tilespmem:v11+s15+$0x0], $0xffff  }
0x6a: {  	[tilespmem:v20+s18+$0x0] =	vst.idx.add.f32.msk vm1, v9  }
0x6b: {  	[tilespmem:v57+s18+$0x0] =	vst.idx.add.f32.msk vm3, v7  }
0x6c: {  	v58 =	vor.u32 $0x2, v5;
	[tilespmem:v22+s18+$0x0] =	vst.idx.add.f32.msk vm2, v21  }
0x6d: {  	v8 =	vld.idx.msk [tilespmem:v8+s15+$0x0], $0xffff  }
0x6e: {  	v7 =	vld.idx.msk [tilespmem:v17+s15+$0x0], $0xffff  }
0x6f: {  	v9 =	vld.idx.msk [tilespmem:v10+s15+$0x0], $0xffff;
	v10 =	vor.u32 $0x2, v6  }
0x70: {  	v3 =	vor.u32 $0x3, v3;
	[tilespmem:v19+s19+$0x0] =	vst.idx.add.f32.msk vm0, v11  }
0x71: {  	v59 =	vld.idx.msk [tilespmem:v58+s2+$0x0], $0xffff  }
0x72: {  	v60 =	vor.u32 $0x2, v13;
	[tilespmem:v20+s19+$0x0] =	vst.idx.add.f32.msk vm1, v8  }
0x73: {  	[tilespmem:v57+s19+$0x0] =	vst.idx.add.f32.msk vm3, v7;
	v7 =	vor.u32 $0x2, v12  }
0x74: {  	v61 =	vor.u32 $0x2, v14;
	v8 =	vld.idx.msk [tilespmem:v10+s2+$0x0], $0xffff  }
0x75: {  	v4 =	vor.u32 $0x3, v4;
	v11 =	vld.idx.msk [tilespmem:v3+s2+$0x0], $0xffff  }
0x76: {  	[tilespmem:v22+s19+$0x0] =	vst.idx.add.f32.msk vm2, v9  }
0x77: {  	[tilespmem:v60+s18+$0x0] =	vst.idx.add.f32.msk vm0, v59  }
0x78: {  	v62 =	vld.idx.msk [tilespmem:v7+s2+$0x0], $0xffff  }
0x79: {  	v9 =	vor.u32 $0x2, v15;
	[tilespmem:v61+s18+$0x0] =	vst.idx.add.f32.msk vm1, v8  }
0x7a: {  	[tilespmem:v4+s18+$0x0] =	vst.idx.add.f32.msk vm3, v11  }
0x7b: {  	v11 =	vld.idx.msk [tilespmem:v58+s15+$0x0], $0xffff  }
0x7c: {  	v63 =	vld.idx.msk [tilespmem:v10+s15+$0x0], $0xffff  }
0x7d: {  	v3 =	vld.idx.msk [tilespmem:v3+s15+$0x0], $0xffff  }
0x7e: {  	v8 =	vor.u32 $0x3, v5;
	[tilespmem:v9+s18+$0x0] =	vst.idx.add.f32.msk vm2, v62  }
0x7f: {  	v10 =	vld.idx.msk [tilespmem:v7+s15+$0x0], $0xffff;
	v7 =	vor.u32 $0x3, v6  }
0x80: {  	[tilespmem:v60+s19+$0x0] =	vst.idx.add.f32.msk vm0, v11  }
0x81: {  	[tilespmem:v61+s19+$0x0] =	vst.idx.add.f32.msk vm1, v63  }
0x82: {  	v5 =	vor.u32 $0x3, v14;
	v6 =	vor.u32 $0x3, v12;
	[tilespmem:v4+s19+$0x0] =	vst.idx.add.f32.msk vm3, v3  }
0x83: {  	s26 =	sshll.u32 s24, $0x1;
	s28 =	simm.s32 $0x0;
	s29 =	simm.s32 $0x40;
	v3 =	vor.u32 $0x3, v13;
	v11 =	vld.idx.msk [tilespmem:v8+s2+$0x0], $0xffff;
	v4 =	vor.u32 $0x3, v15;
	vm3 =	vmmov vm2  }
.LBB2_7:
0x84: {  	s30 =	sand.u32 $0xFC0, s29;
	s28 =	sadd.s32 $0x4, s28;
	v12 =	vld.idx.msk [tilespmem:v7+s2+$0x0], $0xffff  }
0x85: {  	v13 =	vld [tilespmem:s30+$0x1E000];
	p1 =	slt.u32 s28, $0x9C  }
0x86: {  	[tilespmem:v9+s19+$0x0] =	vst.idx.add.f32.msk vm2, v10  }
0x87: {  	v9 =	vld.idx.msk [tilespmem:v6+s2+$0x0], $0xffff  }
0x88: {  	[tilespmem:v3+s18+$0x0] =	vst.idx.add.f32.msk vm0, v11  }
0x89: {  	s25 =	sadd.s32 $0x40, s25;
	v14 =	vld.idx.msk [tilespmem:v8+s15+$0x0], $0xffff  }
0x8a: {  	v8 =	vld [tilespmem:s25+$0x0];
	v13 =	vshll.u32 v13, $0x2  }
0x8b: {  	v10 =	vld [tilespmem:s25+$0xA10]  }
0x8c: {  	v15 =	vld [tilespmem:s25+$0xA20]  }
0x8d: {  	v16 =	vld [tilespmem:s25+$0xA30]  }
0x8e: {  	v17 =	vld [tilespmem:s25+$0x10]  }
0x8f: {  	vm4 =	vlt.s32 v8, $0x1388;
	v8 =	vshll.u32 v8, $0x2;
	v18 =	vld.idx.msk [tilespmem:v13+s2+$0x0], $0xffff  }
0x90: {  	v19 =	vnsel vm4, $0x0, v8;
	v20 =	vshll.u32 v10, $0x2;
	v21 =	vld [tilespmem:s25+$0x20]  }
0x91: {  	v22 =	vor.u32 $0x1, v20;
	v11 =	vor.u32 $0x2, v20;
	v15 =	vshll.u32 v15, $0x2;
	v23 =	vld [tilespmem:s25+$0x30]  }
0x92: {  	v24 =	vor.u32 $0x1, v15;
	v10 =	vor.u32 $0x2, v15;
	v16 =	vshll.u32 v16, $0x2;
	[tilespmem:v5+s18+$0x0] =	vst.idx.add.f32.msk vm1, v12  }
0x93: {  	vm6 =	vlt.s32 v17, $0x1388;
	v8 =	vshll.u32 v17, $0x2;
	v17 =	vor.u32 $0x1, v16;
	[tilespmem:v4+s18+$0x0] =	vst.idx.add.f32.msk vm3, v9  }
0x94: {  	v12 =	vor.u32 $0x2, v16;
	v25 =	vnsel vm6, $0x0, v8;
	v8 =	vor.u32 $0x3, v20;
	v26 =	vld.idx.msk [tilespmem:v7+s15+$0x0], $0xffff  }
0x95: {  	[tilespmem:v19+s18+$0x0] =	vst.idx.add.f32.msk vm4, v18;
	v18 =	vor.u32 $0x1, v25;
	vm5 =	vlt.s32 v21, $0x1388;
	v7 =	vshll.u32 v21, $0x2  }
0x96: {  	v21 =	vld.idx.msk [tilespmem:v13+s15+$0x0], $0xffff;
	v27 =	vnsel vm5, $0x0, v7;
	vm2 =	vlt.s32 v23, $0x1388;
	v7 =	vshll.u32 v23, $0x2  }
0x97: {  	v28 =	vor.u32 $0x2, v25;
	v23 =	vld.idx.msk [tilespmem:v20+s2+$0x0], $0xffff;
	v29 =	vor.u32 $0x1, v27;
	v30 =	vnsel vm2, $0x0, v7  }
0x98: {  	v31 =	vor.u32 $0x1, v13;
	v33 =	vor.u32 $0x2, v27;
	v32 =	vld.idx.msk [tilespmem:v15+s2+$0x0], $0xffff;
	v34 =	vor.u32 $0x1, v30  }
0x99: {  	v36 =	vor.u32 $0x3, v16;
	v7 =	vor.u32 $0x3, v15;
	v9 =	vor.u32 $0x2, v30;
	v35 =	vld.idx.msk [tilespmem:v16+s2+$0x0], $0xffff  }
0x9a: {  	v37 =	vor.u32 $0x3, v25;
	v38 =	vor.u32 $0x3, v27;
	v39 =	vor.u32 $0x3, v30;
	v40 =	vld.idx.msk [tilespmem:v6+s15+$0x0], $0xffff;
	v6 =	vmovc v36  }
0x9b: {  	[tilespmem:v3+s19+$0x0] =	vst.idx.add.f32.msk vm0, v14;
	v3 =	vmov v37;
	vm0 =	vmmov vm6  }
0x9c: {  	[tilespmem:v19+s19+$0x0] =	vst.idx.add.f32.msk vm4, v21  }
0x9d: {  	v14 =	vld.idx.msk [tilespmem:v31+s2+$0x0], $0xffff  }
0x9e: {  	v21 =	vor.u32 $0x1, v19;
	[tilespmem:v25+s18+$0x0] =	vst.idx.add.f32.msk vm6, v23  }
0x9f: {  	[tilespmem:v27+s18+$0x0] =	vst.idx.add.f32.msk vm5, v32  }
0xa0: {  	[tilespmem:v30+s18+$0x0] =	vst.idx.add.f32.msk vm2, v35  }
0xa1: {  	v20 =	vld.idx.msk [tilespmem:v20+s15+$0x0], $0xffff  }
0xa2: {  	v15 =	vld.idx.msk [tilespmem:v15+s15+$0x0], $0xffff  }
0xa3: {  	[tilespmem:v21+s18+$0x0] =	vst.idx.add.f32.msk vm4, v14  }
0xa4: {  	v14 =	vld.idx.msk [tilespmem:v31+s15+$0x0], $0xffff  }
0xa5: {  	v16 =	vld.idx.msk [tilespmem:v16+s15+$0x0], $0xffff  }
0xa6: {  	v23 =	vor.u32 $0x2, v13;
	[tilespmem:v5+s19+$0x0] =	vst.idx.add.f32.msk vm1, v26;
	v5 =	vmov v38;
	vm1 =	vmmov vm5  }
0xa7: {  	[tilespmem:v25+s19+$0x0] =	vst.idx.add.f32.msk vm6, v20  }
0xa8: {  	[tilespmem:v27+s19+$0x0] =	vst.idx.add.f32.msk vm5, v15  }
0xa9: {  	v15 =	vld.idx.msk [tilespmem:v22+s2+$0x0], $0xffff  }
0xaa: {  	[tilespmem:v21+s19+$0x0] =	vst.idx.add.f32.msk vm4, v14  }
0xab: {  	v14 =	vld.idx.msk [tilespmem:v23+s2+$0x0], $0xffff  }
0xac: {  	v20 =	vor.u32 $0x2, v19;
	[tilespmem:v30+s19+$0x0] =	vst.idx.add.f32.msk vm2, v16  }
0xad: {  	v16 =	vld.idx.msk [tilespmem:v24+s2+$0x0], $0xffff  }
0xae: {  	v21 =	vld.idx.msk [tilespmem:v17+s2+$0x0], $0xffff  }
0xaf: {  	[tilespmem:v18+s18+$0x0] =	vst.idx.add.f32.msk vm6, v15  }
0xb0: {  	v15 =	vld.idx.msk [tilespmem:v22+s15+$0x0], $0xffff  }
0xb1: {  	[tilespmem:v20+s18+$0x0] =	vst.idx.add.f32.msk vm4, v14  }
0xb2: {  	v14 =	vld.idx.msk [tilespmem:v23+s15+$0x0], $0xffff  }
0xb3: {  	[tilespmem:v29+s18+$0x0] =	vst.idx.add.f32.msk vm5, v16  }
0xb4: {  	v13 =	vor.u32 $0x3, v13;
	[tilespmem:v34+s18+$0x0] =	vst.idx.add.f32.msk vm2, v21  }
0xb5: {  	v16 =	vld.idx.msk [tilespmem:v24+s15+$0x0], $0xffff  }
0xb6: {  	v17 =	vld.idx.msk [tilespmem:v17+s15+$0x0], $0xffff  }
0xb7: {  	[tilespmem:v18+s19+$0x0] =	vst.idx.add.f32.msk vm0, v15  }
0xb8: {  	[tilespmem:v20+s19+$0x0] =	vst.idx.add.f32.msk vm4, v14  }
0xb9: {  	v14 =	vld.idx.msk [tilespmem:v13+s2+$0x0], $0xffff  }
0xba: {  	v15 =	vor.u32 $0x3, v19;
	v18 =	vld.idx.msk [tilespmem:v11+s2+$0x0], $0xffff  }
0xbb: {  	[tilespmem:v29+s19+$0x0] =	vst.idx.add.f32.msk vm5, v16  }
0xbc: {  	[tilespmem:v34+s19+$0x0] =	vst.idx.add.f32.msk vm2, v17  }
0xbd: {  	v16 =	vld.idx.msk [tilespmem:v10+s2+$0x0], $0xffff  }
0xbe: {  	v17 =	vld.idx.msk [tilespmem:v12+s2+$0x0], $0xffff  }
0xbf: {  	[tilespmem:v15+s18+$0x0] =	vst.idx.add.f32.msk vm4, v14  }
0xc0: {  	v13 =	vld.idx.msk [tilespmem:v13+s15+$0x0], $0xffff  }
0xc1: {  	[tilespmem:v28+s18+$0x0] =	vst.idx.add.f32.msk vm0, v18  }
0xc2: {  	v11 =	vld.idx.msk [tilespmem:v11+s15+$0x0], $0xffff  }
0xc3: {  	[tilespmem:v33+s18+$0x0] =	vst.idx.add.f32.msk vm1, v16  }
0xc4: {  	[tilespmem:v9+s18+$0x0] =	vst.idx.add.f32.msk vm2, v17  }
0xc5: {  	v14 =	vld.idx.msk [tilespmem:v10+s15+$0x0], $0xffff  }
0xc6: {  	[tilespmem:v15+s19+$0x0] =	vst.idx.add.f32.msk vm4, v13  }
.Ltmp6:
0xc7: {  	v10 =	vld.idx.msk [tilespmem:v12+s15+$0x0], $0xffff;
	(pc) =	sbr.rel @p1 .LBB2_7-.Ltmp6, $4  }
0xc8: {  	[tilespmem:v28+s19+$0x0] =	vst.idx.add.f32.msk vm0, v11  }
0xc9: {  	v11 =	vld.idx.msk [tilespmem:v8+s2+$0x0], $0xffff  }
0xca: {  	[tilespmem:v4+s19+$0x0] =	vst.idx.add.f32.msk vm3, v40;
	v4 =	vmov v39;
	vm3 =	vmmov vm2  }
0xcb: {  	s29 =	sadd.s32 $0x40, s29;
	[tilespmem:v33+s19+$0x0] =	vst.idx.add.f32.msk vm1, v14  }
0xcc: {  	_ =	sdelay $0x3  }
0xcd: {  	v12 =	vld.idx.msk [tilespmem:v7+s2+$0x0], $0xffff  }
0xce: {  	[tilespmem:v9+s19+$0x0] =	vst.idx.add.f32.msk vm2, v10  }
0xcf: {  	v9 =	vld.idx.msk [tilespmem:v6+s2+$0x0], $0xffff;
	_ =	sdelay $0x1  }
0xd0: {  	[tilespmem:v3+s18+$0x0] =	vst.idx.add.f32.msk vm0, v11  }
0xd1: {  	v8 =	vld.idx.msk [tilespmem:v8+s15+$0x0], $0xffff  }
0xd2: {  	[tilespmem:v5+s18+$0x0] =	vst.idx.add.f32.msk vm1, v12  }
0xd3: {  	p1 =	seq.s32 s24, $0x3E;
	[tilespmem:v4+s18+$0x0] =	vst.idx.add.f32.msk vm3, v9  }
0xd4: {  	s25 =	sadd.s32 @!p1 $0x2, s26;
	v62 =	vld.idx.msk [tilespmem:v7+s15+$0x0], $0xffff  }
0xd5: {  	s26 =	sshrl.u32 @!p1 s25, $0x3;
	v63 =	vld.idx.msk [tilespmem:v6+s15+$0x0], $0xffff  }
0xd6: {  	s25 =	sshll.u32 @!p1 s25, $0x7;
	s26 =	smul.u32 @!p1 $0xA000, s26  }
.Ltmp7:
0xd7: {  	s25 =	sand.u32 @!p1 $0x300, s25;
	(pc) =	sbr.rel @p0 .LBB2_12-.Ltmp7, $4  }
0xd8: {  	s25 =	sor.u32 @!p1 s25, s26;
	[tilespmem:v3+s19+$0x0] =	vst.idx.add.f32.msk vm0, v8  }
0xd9: {  	s28 =	simm.s32 @!p1 $0x400;
	s25 =	sshrl.u32 @!p1 s25, $0x3;
	[tilespmem:v5+s19+$0x0] =	vst.idx.add.f32.msk vm1, v62  }
0xda: {  	s29 =	simm.s32 @!p1 $0x1D600;
	s26 =	simm.s32 @!p1 $0x80;
	s25 =	sadd.s32 @!p1 s3, s25;
	[tilespmem:v4+s19+$0x0] =	vst.idx.add.f32.msk vm3, v63  }
0xdb: {  	[tilespmem:s29], [sflag:$0x1] =	stream.strided.gather @!p1 [hbm4b:s25+s26], $0x1400, s28, s26, $0x200038;
	[tilespmem:$0x1FE00] =	vst v63  }
0xdc: {  	_ =	swait.ge [sflag:s20], $0x1400  }
0xdd: {  	s25 =	simm.s32 $0x0;
	[sflag:s20] =	ssyncset.done $0x0  }
0xde: {  	s25 =	sand.u32 $0xFC0, s25;
	[sflag:s20] =	ssyncadd.s32 $0xFFFFEC00  }
0xdf: {  	v3 =	vld [tilespmem:s25+$0x1F400];
	_ =	sdelay $0x2  }
0xe0: {  	s25 =	simm.s32 $0x1EA00  }
0xe1: {  	v4 =	vld [tilespmem:s25+$0x0]  }
0xe2: {  	v3 =	vshll.u32 v3, $0x2;
	_ =	sdelay $0x1  }
0xe3: {  	v5 =	vld [tilespmem:s25+$0xA10]  }
0xe4: {  	v6 =	vld [tilespmem:s25+$0xA20]  }
0xe5: {  	v7 =	vld [tilespmem:s25+$0xA30];
	vm3 =	vlt.s32 v4, $0x1388;
	v4 =	vshll.u32 v4, $0x2  }
0xe6: {  	v4 =	vnsel vm3, $0x0, v4;
	v8 =	vld.idx.msk [tilespmem:v3+s2+$0x0], $0xffff  }
0xe7: {  	v9 =	vld [tilespmem:s25+$0x10]  }
0xe8: {  	v10 =	vld [tilespmem:s25+$0x20];
	v5 =	vshll.u32 v5, $0x2;
	_ =	sdelay $0x1  }
0xe9: {  	v11 =	vld [tilespmem:s25+$0x30];
	v6 =	vshll.u32 v6, $0x2  }
0xea: {  	v12 =	vshll.u32 v7, $0x2;
	[tilespmem:v4+s18+$0x0] =	vst.idx.add.f32.msk vm3, v8  }
0xeb: {  	vm0 =	vlt.s32 v9, $0x1388;
	v8 =	vshll.u32 v9, $0x2;
	v7 =	vld.idx.msk [tilespmem:v3+s15+$0x0], $0xffff  }
0xec: {  	vm1 =	vlt.s32 v10, $0x1388;
	v13 =	vnsel vm0, $0x0, v8;
	v8 =	vshll.u32 v10, $0x2;
	v10 =	vld.idx.msk [tilespmem:v5+s2+$0x0], $0xffff  }
0xed: {  	v9 =	vor.u32 $0x1, v3  }
0xee: {  	vm2 =	vlt.s32 v11, $0x1388;
	v14 =	vnsel vm1, $0x0, v8;
	v8 =	vshll.u32 v11, $0x2;
	v11 =	vld.idx.msk [tilespmem:v6+s2+$0x0], $0xffff  }
0xef: {  	v15 =	vnsel vm2, $0x0, v8;
	v8 =	vld.idx.msk [tilespmem:v12+s2+$0x0], $0xffff  }
0xf0: {  	[tilespmem:v4+s19+$0x0] =	vst.idx.add.f32.msk vm3, v7  }
0xf1: {  	[tilespmem:v13+s18+$0x0] =	vst.idx.add.f32.msk vm0, v10  }
0xf2: {  	v16 =	vor.u32 $0x1, v4;
	v7 =	vld.idx.msk [tilespmem:v9+s2+$0x0], $0xffff  }
0xf3: {  	[tilespmem:v14+s18+$0x0] =	vst.idx.add.f32.msk vm1, v11  }
0xf4: {  	vm0 =	vmmov vm0;
	[tilespmem:v15+s18+$0x0] =	vst.idx.add.f32.msk vm2, v8  }
0xf5: {  	v8 =	vld.idx.msk [tilespmem:v5+s15+$0x0], $0xffff  }
0xf6: {  	v10 =	vld.idx.msk [tilespmem:v6+s15+$0x0], $0xffff  }
0xf7: {  	v11 =	vor.u32 $0x1, v5;
	[tilespmem:v16+s18+$0x0] =	vst.idx.add.f32.msk vm3, v7  }
0xf8: {  	v7 =	vld.idx.msk [tilespmem:v9+s15+$0x0], $0xffff  }
0xf9: {  	v9 =	vld.idx.msk [tilespmem:v12+s15+$0x0], $0xffff  }
0xfa: {  	[tilespmem:v13+s19+$0x0] =	vst.idx.add.f32.msk vm0, v8;
	v8 =	vor.u32 $0x1, v6  }
0xfb: {  	v17 =	vor.u32 $0x2, v3;
	[tilespmem:v14+s19+$0x0] =	vst.idx.add.f32.msk vm1, v10  }
0xfc: {  	v10 =	vor.u32 $0x1, v12;
	v18 =	vld.idx.msk [tilespmem:v11+s2+$0x0], $0xffff  }
0xfd: {  	v19 =	vor.u32 $0x1, v13;
	[tilespmem:v16+s19+$0x0] =	vst.idx.add.f32.msk vm3, v7  }
0xfe: {  	vm1 =	vmmov vm1;
	[tilespmem:v15+s19+$0x0] =	vst.idx.add.f32.msk vm2, v9  }
0xff: {  	v20 =	vor.u32 $0x1, v14;
	v9 =	vld.idx.msk [tilespmem:v8+s2+$0x0], $0xffff  }
0x100: {  	v57 =	vor.u32 $0x2, v4;
	v7 =	vld.idx.msk [tilespmem:v17+s2+$0x0], $0xffff  }
0x101: {  	v22 =	vor.u32 $0x1, v15;
	v21 =	vld.idx.msk [tilespmem:v10+s2+$0x0], $0xffff  }
0x102: {  	[tilespmem:v19+s18+$0x0] =	vst.idx.add.f32.msk vm0, v18  }
0x103: {  	v11 =	vld.idx.msk [tilespmem:v11+s15+$0x0], $0xffff  }
0x104: {  	[tilespmem:v20+s18+$0x0] =	vst.idx.add.f32.msk vm1, v9  }
0x105: {  	[tilespmem:v57+s18+$0x0] =	vst.idx.add.f32.msk vm3, v7  }
0x106: {  	v58 =	vor.u32 $0x2, v5;
	[tilespmem:v22+s18+$0x0] =	vst.idx.add.f32.msk vm2, v21  }
0x107: {  	v8 =	vld.idx.msk [tilespmem:v8+s15+$0x0], $0xffff  }
0x108: {  	v7 =	vld.idx.msk [tilespmem:v17+s15+$0x0], $0xffff  }
0x109: {  	v9 =	vld.idx.msk [tilespmem:v10+s15+$0x0], $0xffff;
	v10 =	vor.u32 $0x2, v6  }
0x10a: {  	v3 =	vor.u32 $0x3, v3;
	[tilespmem:v19+s19+$0x0] =	vst.idx.add.f32.msk vm0, v11  }
0x10b: {  	v59 =	vld.idx.msk [tilespmem:v58+s2+$0x0], $0xffff  }
0x10c: {  	v60 =	vor.u32 $0x2, v13;
	[tilespmem:v20+s19+$0x0] =	vst.idx.add.f32.msk vm1, v8  }
0x10d: {  	[tilespmem:v57+s19+$0x0] =	vst.idx.add.f32.msk vm3, v7;
	v7 =	vor.u32 $0x2, v12  }
0x10e: {  	v61 =	vor.u32 $0x2, v14;
	v8 =	vld.idx.msk [tilespmem:v10+s2+$0x0], $0xffff  }
0x10f: {  	v4 =	vor.u32 $0x3, v4;
	v11 =	vld.idx.msk [tilespmem:v3+s2+$0x0], $0xffff  }
0x110: {  	[tilespmem:v22+s19+$0x0] =	vst.idx.add.f32.msk vm2, v9  }
0x111: {  	[tilespmem:v60+s18+$0x0] =	vst.idx.add.f32.msk vm0, v59  }
0x112: {  	v62 =	vld.idx.msk [tilespmem:v7+s2+$0x0], $0xffff  }
0x113: {  	v9 =	vor.u32 $0x2, v15;
	[tilespmem:v61+s18+$0x0] =	vst.idx.add.f32.msk vm1, v8  }
0x114: {  	[tilespmem:v4+s18+$0x0] =	vst.idx.add.f32.msk vm3, v11  }
0x115: {  	v11 =	vld.idx.msk [tilespmem:v58+s15+$0x0], $0xffff  }
0x116: {  	v63 =	vld.idx.msk [tilespmem:v10+s15+$0x0], $0xffff  }
0x117: {  	v3 =	vld.idx.msk [tilespmem:v3+s15+$0x0], $0xffff  }
0x118: {  	v8 =	vor.u32 $0x3, v5;
	[tilespmem:v9+s18+$0x0] =	vst.idx.add.f32.msk vm2, v62  }
0x119: {  	v10 =	vld.idx.msk [tilespmem:v7+s15+$0x0], $0xffff;
	v7 =	vor.u32 $0x3, v6  }
0x11a: {  	[tilespmem:v60+s19+$0x0] =	vst.idx.add.f32.msk vm0, v11  }
0x11b: {  	[tilespmem:v61+s19+$0x0] =	vst.idx.add.f32.msk vm1, v63  }
0x11c: {  	v5 =	vor.u32 $0x3, v14;
	[tilespmem:v4+s19+$0x0] =	vst.idx.add.f32.msk vm3, v3;
	v3 =	vor.u32 $0x3, v12  }
0x11d: {  	s26 =	simm.s32 $0x0;
	s28 =	simm.s32 $0x40;
	v6 =	vor.u32 $0x3, v15;
	v4 =	vor.u32 $0x3, v13;
	v11 =	vld.idx.msk [tilespmem:v8+s2+$0x0], $0xffff;
	vm3 =	vmmov vm2  }
.LBB2_10:
0x11e: {  	s29 =	sand.u32 $0xFC0, s28;
	s26 =	sadd.s32 $0x4, s26;
	v12 =	vld.idx.msk [tilespmem:v7+s2+$0x0], $0xffff  }
0x11f: {  	v13 =	vld [tilespmem:s29+$0x1F400];
	p0 =	slt.u32 s26, $0x9C  }
0x120: {  	[tilespmem:v9+s19+$0x0] =	vst.idx.add.f32.msk vm2, v10  }
0x121: {  	v9 =	vld.idx.msk [tilespmem:v3+s2+$0x0], $0xffff  }
0x122: {  	[tilespmem:v4+s18+$0x0] =	vst.idx.add.f32.msk vm0, v11  }
0x123: {  	s25 =	sadd.s32 $0x40, s25;
	v14 =	vld.idx.msk [tilespmem:v8+s15+$0x0], $0xffff  }
0x124: {  	v8 =	vld [tilespmem:s25+$0x0];
	v13 =	vshll.u32 v13, $0x2  }
0x125: {  	v10 =	vld [tilespmem:s25+$0xA10]  }
0x126: {  	v15 =	vld [tilespmem:s25+$0xA20]  }
0x127: {  	v16 =	vld [tilespmem:s25+$0xA30]  }
0x128: {  	v17 =	vld [tilespmem:s25+$0x10]  }
0x129: {  	vm4 =	vlt.s32 v8, $0x1388;
	v8 =	vshll.u32 v8, $0x2;
	v18 =	vld.idx.msk [tilespmem:v13+s2+$0x0], $0xffff  }
0x12a: {  	v19 =	vnsel vm4, $0x0, v8;
	v20 =	vshll.u32 v10, $0x2;
	v21 =	vld [tilespmem:s25+$0x20]  }
0x12b: {  	v22 =	vor.u32 $0x1, v20;
	v11 =	vor.u32 $0x2, v20;
	v15 =	vshll.u32 v15, $0x2;
	v23 =	vld [tilespmem:s25+$0x30]  }
0x12c: {  	v24 =	vor.u32 $0x1, v15;
	v10 =	vor.u32 $0x2, v15;
	v16 =	vshll.u32 v16, $0x2;
	[tilespmem:v5+s18+$0x0] =	vst.idx.add.f32.msk vm1, v12  }
0x12d: {  	vm6 =	vlt.s32 v17, $0x1388;
	v8 =	vshll.u32 v17, $0x2;
	v17 =	vor.u32 $0x1, v16;
	[tilespmem:v6+s18+$0x0] =	vst.idx.add.f32.msk vm3, v9  }
0x12e: {  	v12 =	vor.u32 $0x2, v16;
	v25 =	vnsel vm6, $0x0, v8;
	v8 =	vor.u32 $0x3, v20;
	v26 =	vld.idx.msk [tilespmem:v7+s15+$0x0], $0xffff  }
0x12f: {  	[tilespmem:v19+s18+$0x0] =	vst.idx.add.f32.msk vm4, v18;
	v18 =	vor.u32 $0x1, v25;
	vm5 =	vlt.s32 v21, $0x1388;
	v7 =	vshll.u32 v21, $0x2  }
0x130: {  	v21 =	vld.idx.msk [tilespmem:v13+s15+$0x0], $0xffff;
	v27 =	vnsel vm5, $0x0, v7;
	vm2 =	vlt.s32 v23, $0x1388;
	v7 =	vshll.u32 v23, $0x2  }
0x131: {  	v28 =	vor.u32 $0x2, v25;
	v23 =	vld.idx.msk [tilespmem:v20+s2+$0x0], $0xffff;
	v29 =	vor.u32 $0x1, v27;
	v30 =	vnsel vm2, $0x0, v7  }
0x132: {  	v31 =	vor.u32 $0x1, v13;
	v33 =	vor.u32 $0x2, v27;
	v32 =	vld.idx.msk [tilespmem:v15+s2+$0x0], $0xffff;
	v34 =	vor.u32 $0x1, v30  }
0x133: {  	v36 =	vor.u32 $0x3, v16;
	v7 =	vor.u32 $0x3, v15;
	v9 =	vor.u32 $0x2, v30;
	v35 =	vld.idx.msk [tilespmem:v16+s2+$0x0], $0xffff  }
0x134: {  	v37 =	vor.u32 $0x3, v25;
	v38 =	vor.u32 $0x3, v27;
	v39 =	vor.u32 $0x3, v30;
	v40 =	vld.idx.msk [tilespmem:v3+s15+$0x0], $0xffff;
	v3 =	vmovc v36  }
0x135: {  	[tilespmem:v4+s19+$0x0] =	vst.idx.add.f32.msk vm0, v14;
	v4 =	vmov v37;
	vm0 =	vmmov vm6  }
0x136: {  	[tilespmem:v19+s19+$0x0] =	vst.idx.add.f32.msk vm4, v21  }
0x137: {  	v14 =	vld.idx.msk [tilespmem:v31+s2+$0x0], $0xffff  }
0x138: {  	v21 =	vor.u32 $0x1, v19;
	[tilespmem:v25+s18+$0x0] =	vst.idx.add.f32.msk vm6, v23  }
0x139: {  	[tilespmem:v27+s18+$0x0] =	vst.idx.add.f32.msk vm5, v32  }
0x13a: {  	[tilespmem:v30+s18+$0x0] =	vst.idx.add.f32.msk vm2, v35  }
0x13b: {  	v20 =	vld.idx.msk [tilespmem:v20+s15+$0x0], $0xffff  }
0x13c: {  	v15 =	vld.idx.msk [tilespmem:v15+s15+$0x0], $0xffff  }
0x13d: {  	[tilespmem:v21+s18+$0x0] =	vst.idx.add.f32.msk vm4, v14  }
0x13e: {  	v14 =	vld.idx.msk [tilespmem:v31+s15+$0x0], $0xffff  }
0x13f: {  	v16 =	vld.idx.msk [tilespmem:v16+s15+$0x0], $0xffff  }
0x140: {  	v23 =	vor.u32 $0x2, v13;
	[tilespmem:v5+s19+$0x0] =	vst.idx.add.f32.msk vm1, v26;
	v5 =	vmov v38;
	vm1 =	vmmov vm5  }
0x141: {  	[tilespmem:v25+s19+$0x0] =	vst.idx.add.f32.msk vm6, v20  }
0x142: {  	[tilespmem:v27+s19+$0x0] =	vst.idx.add.f32.msk vm5, v15  }
0x143: {  	v15 =	vld.idx.msk [tilespmem:v22+s2+$0x0], $0xffff  }
0x144: {  	[tilespmem:v21+s19+$0x0] =	vst.idx.add.f32.msk vm4, v14  }
0x145: {  	v14 =	vld.idx.msk [tilespmem:v23+s2+$0x0], $0xffff  }
0x146: {  	v20 =	vor.u32 $0x2, v19;
	[tilespmem:v30+s19+$0x0] =	vst.idx.add.f32.msk vm2, v16  }
0x147: {  	v16 =	vld.idx.msk [tilespmem:v24+s2+$0x0], $0xffff  }
0x148: {  	v21 =	vld.idx.msk [tilespmem:v17+s2+$0x0], $0xffff  }
0x149: {  	[tilespmem:v18+s18+$0x0] =	vst.idx.add.f32.msk vm6, v15  }
0x14a: {  	v15 =	vld.idx.msk [tilespmem:v22+s15+$0x0], $0xffff  }
0x14b: {  	[tilespmem:v20+s18+$0x0] =	vst.idx.add.f32.msk vm4, v14  }
0x14c: {  	v14 =	vld.idx.msk [tilespmem:v23+s15+$0x0], $0xffff  }
0x14d: {  	[tilespmem:v29+s18+$0x0] =	vst.idx.add.f32.msk vm5, v16  }
0x14e: {  	v13 =	vor.u32 $0x3, v13;
	[tilespmem:v34+s18+$0x0] =	vst.idx.add.f32.msk vm2, v21  }
0x14f: {  	v16 =	vld.idx.msk [tilespmem:v24+s15+$0x0], $0xffff  }
0x150: {  	v17 =	vld.idx.msk [tilespmem:v17+s15+$0x0], $0xffff  }
0x151: {  	[tilespmem:v18+s19+$0x0] =	vst.idx.add.f32.msk vm0, v15  }
0x152: {  	[tilespmem:v20+s19+$0x0] =	vst.idx.add.f32.msk vm4, v14  }
0x153: {  	v14 =	vld.idx.msk [tilespmem:v13+s2+$0x0], $0xffff  }
0x154: {  	v15 =	vor.u32 $0x3, v19;
	v18 =	vld.idx.msk [tilespmem:v11+s2+$0x0], $0xffff  }
0x155: {  	[tilespmem:v29+s19+$0x0] =	vst.idx.add.f32.msk vm5, v16  }
0x156: {  	[tilespmem:v34+s19+$0x0] =	vst.idx.add.f32.msk vm2, v17  }
0x157: {  	v16 =	vld.idx.msk [tilespmem:v10+s2+$0x0], $0xffff  }
0x158: {  	v17 =	vld.idx.msk [tilespmem:v12+s2+$0x0], $0xffff  }
0x159: {  	[tilespmem:v15+s18+$0x0] =	vst.idx.add.f32.msk vm4, v14  }
0x15a: {  	v13 =	vld.idx.msk [tilespmem:v13+s15+$0x0], $0xffff  }
0x15b: {  	[tilespmem:v28+s18+$0x0] =	vst.idx.add.f32.msk vm0, v18  }
0x15c: {  	v11 =	vld.idx.msk [tilespmem:v11+s15+$0x0], $0xffff  }
0x15d: {  	[tilespmem:v33+s18+$0x0] =	vst.idx.add.f32.msk vm1, v16  }
0x15e: {  	[tilespmem:v9+s18+$0x0] =	vst.idx.add.f32.msk vm2, v17  }
0x15f: {  	v14 =	vld.idx.msk [tilespmem:v10+s15+$0x0], $0xffff  }
0x160: {  	[tilespmem:v15+s19+$0x0] =	vst.idx.add.f32.msk vm4, v13  }
.Ltmp8:
0x161: {  	v10 =	vld.idx.msk [tilespmem:v12+s15+$0x0], $0xffff;
	(pc) =	sbr.rel @p0 .LBB2_10-.Ltmp8, $4  }
0x162: {  	[tilespmem:v28+s19+$0x0] =	vst.idx.add.f32.msk vm0, v11  }
0x163: {  	v11 =	vld.idx.msk [tilespmem:v8+s2+$0x0], $0xffff  }
0x164: {  	[tilespmem:v6+s19+$0x0] =	vst.idx.add.f32.msk vm3, v40;
	v6 =	vmov v39;
	vm3 =	vmmov vm2  }
0x165: {  	s28 =	sadd.s32 $0x40, s28;
	[tilespmem:v33+s19+$0x0] =	vst.idx.add.f32.msk vm1, v14  }
0x166: {  	_ =	sdelay $0x3  }
0x167: {  	v12 =	vld.idx.msk [tilespmem:v7+s2+$0x0], $0xffff  }
0x168: {  	[tilespmem:v9+s19+$0x0] =	vst.idx.add.f32.msk vm2, v10  }
0x169: {  	v9 =	vld.idx.msk [tilespmem:v3+s2+$0x0], $0xffff;
	_ =	sdelay $0x1  }
0x16a: {  	[tilespmem:v4+s18+$0x0] =	vst.idx.add.f32.msk vm0, v11  }
0x16b: {  	v8 =	vld.idx.msk [tilespmem:v8+s15+$0x0], $0xffff  }
0x16c: {  	[tilespmem:v5+s18+$0x0] =	vst.idx.add.f32.msk vm1, v12  }
0x16d: {  	[tilespmem:v6+s18+$0x0] =	vst.idx.add.f32.msk vm3, v9  }
0x16e: {  	v63 =	vld.idx.msk [tilespmem:v7+s15+$0x0], $0xffff  }
0x16f: {  	v3 =	vld.idx.msk [tilespmem:v3+s15+$0x0], $0xffff  }
.Ltmp9:
0x170: {  	_ = 	snop;
	(pc) =	sbr.rel .LBB2_12-.Ltmp9, $4  }
0x171: {  	_ = 	snop  }
0x172: {  	[tilespmem:v4+s19+$0x0] =	vst.idx.add.f32.msk vm0, v8  }
0x173: {  	[tilespmem:v5+s19+$0x0] =	vst.idx.add.f32.msk vm1, v63  }
0x174: {  	[tilespmem:v6+s19+$0x0] =	vst.idx.add.f32.msk vm3, v3  }
.LBB2_13:
0x175: {  	[hbm4b:s7+s12] =	stream.strided.scatter [tilespmem:s18], [sflag:$0x3], $0x4E80, s13, s12, $0x200038;
	[tilespmem:$0x1FE00] =	vst v63  }
0x176: {  	_ =	swait.ge [sflag:s14], $0x4E80  }
0x177: {  	[sflag:s14] =	ssyncset.done $0x0  }
0x178: {  	[sflag:s14] =	ssyncadd.s32 $0xFFFFB180  }
0x179: {  	[hbm4b:s8+s12] =	stream.strided.scatter [tilespmem:s19], [sflag:$0x3], $0x4E80, s13, s12, $0x200038;
	[tilespmem:$0x1FE00] =	vst v63  }
0x17a: {  	_ =	swait.ge [sflag:s14], $0x4E80  }
0x17b: {  	[sflag:s14] =	ssyncset.done $0x0  }
0x17c: {  	[sflag:s14] =	ssyncadd.s32 $0xFFFFB180  }
0x17d: {  	_ =	strace $0x90000048  }
0x17e: {  	_ =	strace $0x80000049  }
0x17f: {  	[tilespmem:s2], [sflag:$0x3] =	stream.strided.gather [hbm4b:s9+s12], $0x9C80, s13, s12, $0x200038;
	[tilespmem:$0x1FE00] =	vst v63  }
0x180: {  	_ =	swait.ge [sflag:s14], $0x9C80  }
0x181: {  	[sflag:s14] =	ssyncset.done $0x0  }
0x182: {  	s23 =	simm.s32 $0x13910;
	[sflag:s14] =	ssyncadd.s32 $0xFFFF6380  }
0x183: {  	s24 =	simm.s32 $0x0;
	[tilespmem:s23+$0xFFFFFFF0] =	vst v0  }
.LBB2_14:
0x184: {  	s24 =	sadd.s32 $0x2, s24  }
0x185: {  	p0 =	slt.u32 s24, $0x4E0  }
.Ltmp10:
0x186: {  	_ = 	snop;
	(pc) =	sbr.rel @p0 .LBB2_14-.Ltmp10, $3  }
0x187: {  	_ =	sdelay $0x1  }
0x188: {  	[tilespmem:s23+$0x0] =	vst v0;
	s23 =	sadd.s32 $0x20, s23  }
0x189: {  	[tilespmem:s23+$0xFFFFFFF0] =	vst v0  }
.Ltmp11:
0x18a: {  	(pc) =	sbr.rel .LBB2_16-.Ltmp11, $3  }
0x18b: {  	_ =	sdelay $0x1  }
0x18c: {  	[tilespmem:s23+$0x0] =	vst v0;
	s23 =	simm.s32 $0x0  }
0x18d: {  	[tilespmem:s16], [sflag:$0x1] =	stream.strided.gather [hbm4b:s3+s12], $0x1400, s13, s12, $0x200038;
	[tilespmem:$0x1FE00] =	vst v63  }
.LBB2_31:
0x18e: {  	s23 =	sadd.s32 $0x1, s23  }
0x18f: {  	p0 =	sne.s32 s23, $0x3F  }
.Ltmp12:
0x190: {  	_ = 	snop;
	(pc) =	sbr.rel @!p0 .LBB2_32-.Ltmp12, $1  }
0x191: {  	_ =	sdelay $0x3  }
.LBB2_16:
0x192: {  	s24 =	sshllo.u32 s23, $0x1  }
0x193: {  	p0 =	sgt.u32 s24, $0x7C  }
0x194: {  	s25 =	sshrl.u32 @!p0 s23, $0x2  }
0x195: {  	s24 =	sshll.u32 @!p0 s24, $0x7;
	s25 =	smul.u32 @!p0 $0xA000, s25  }
0x196: {  	s24 =	sand.u32 @!p0 $0x380, s24  }
0x197: {  	s24 =	sor.u32 @!p0 s25, s24  }
0x198: {  	s26 =	simm.s32 @!p0 $0x400;
	s24 =	sshrl.u32 @!p0 s24, $0x3  }
0x199: {  	s28 =	simm.s32 @!p0 $0x1EA00;
	s25 =	simm.s32 @!p0 $0x80;
	s24 =	sadd.s32 @!p0 s3, s24  }
0x19a: {  	[tilespmem:s28], [sflag:$0x2] =	stream.strided.gather @!p0 [hbm4b:s24+s25], $0x1400, s26, s25, $0x200038;
	[tilespmem:$0x1FE00] =	vst v63  }
0x19b: {  	_ =	swait.ge [sflag:s17], $0x1400  }
0x19c: {  	s24 =	sshll.u32 s23, $0x1;
	[sflag:s17] =	ssyncset.done $0x0  }
0x19d: {  	v3 =	vimm.s32 $0x0;
	s25 =	simm.s32 $0x1D600;
	s26 =	simm.s32 $0x0;
	[sflag:s17] =	ssyncadd.s32 $0xFFFFEC00  }
.LBB2_17:
0x19e: {  	v4 =	vld [tilespmem:s25+$0x0];
	s28 =	sand.u32 $0xFF0, s26  }
0x19f: {  	v5 =	vld [tilespmem:s28+$0x1E000];
	_ =	sdelay $0x4  }
0x1a0: {  	vm0 =	vlt.s32 v4, $0x1388;
	vm1 =	vgt.s32 v5, $0x1387  }
0x1a1: {  	vm0 =	vmand vm0, vm1  }
0x1a2: {  	v6 =	vsel vm0, $0x1, v1  }
0x1a3: {  	(xrf0) =	vadd.scan.msk.s32 $0xffff, v6;
	_ =	sdelay $0x5  }
0x1a4: {  	v6, _, _ =	vpop (xrf0)  }
0x1a5: {  	v6 =	vadd.s32 v6, v3  }
0x1a6: {  	v6 =	vadd.s32 $0xFFFFFFFF, v6  }
0x1a7: {  	v6 =	vnsel vm0, $0x0, v6  }
0x1a8: {  	p1 =	sne.s32 s26, $0x9F0;
	v7 =	vadd.s32 $0xA00, v6  }
.Ltmp13:
0x1a9: {  	_ = 	snop;
	(pc) =	sbr.rel @p1 .LBB2_17-.Ltmp13, $4  }
0x1aa: {  	_ = 	snop  }
0x1ab: {  	v8 =	vmpcnt.ones.xlane vm0  }
0x1ac: {  	[tilespmem:v6+s16+$0x0] =	vst.idx.msk vm0, v4  }
0x1ad: {  	s25 =	sadd.s32 $0x10, s25;
	s26 =	sadd.s32 $0x10, s26;
	v3 =	vadd.s32 v3, v8;
	[tilespmem:v7+s16+$0x0] =	vst.idx.msk vm0, v5  }
.Ltmp14:
0x1ae: {  	(pc) =	sbr.rel .LBB2_19-.Ltmp14, $2  }
0x1af: {  	_ =	sdelay $0x2  }
0x1b0: {  	s25 =	simm.s32 $0x0  }
.LBB2_22:
0x1b1: {  	s25 =	sadd.s32 $0x1, s25  }
.LBB2_19:
0x1b2: {  	s26 =	sshll.u32 s25, $0x5  }
0x1b3: {  	v4 =	vmov s26  }
0x1b4: {  	vm0 =	vlt.s32 v4, v3  }
0x1b5: {  	v5 =	vsel vm0, $0x3F800000, v0  }
0x1b6: {  	(xrf0) =	vmax.scan.msk.f32 $0xffff, v5;
	_ =	sdelay $0x5  }
0x1b7: {  	v5, _, _ =	vpop (xrf0)  }
0x1b8: {  	(v2sf) =	vpush v5, $0xF;
	_ =	sdelay $0xe  }
0x1b9: {  	s28 =	spop (v2sf)  }
0x1ba: {  	p1 =	sgt.f32 s28, $0.0e+00  }
.Ltmp15:
0x1bb: {  	_ = 	snop;
	(pc) =	sbr.rel @!p1 .LBB2_23-.Ltmp15, $1  }
0x1bc: {  	_ =	sdelay $0x3  }
0x1bd: {  	v5 =	vld [tilespmem:s26+$0x1D600];
	s28 =	sand.u32 $0xFFFFFFE0, s26  }
0x1be: {  	v6 =	vld [tilespmem:s28+$0x1E000];
	_ =	sdelay $0x3  }
0x1bf: {  	v4 =	vor.u32 v2, v4  }
0x1c0: {  	vm1 =	vlt.s32 v4, v3;
	v4 =	vshll.u32 v5, $0x2;
	v6 =	vshll.u32 v6, $0x2  }
0x1c1: {  	v4 =	vnsel vm1, $0x0, v4;
	_ =	sdelay $0x2  }
0x1c2: {  	v7 =	vld [tilespmem:s26+$0x1E010]  }
0x1c3: {  	v5 =	vld.idx.msk [tilespmem:v6+s2+$0x0], $0xffff  }
0x1c4: {  	v10 =	vld.idx.msk [tilespmem:v4+s18+$0x0], $0xffff  }
0x1c5: {  	v8 =	vor.u32 $0x1, v6  }
0x1c6: {  	v9 =	vor.u32 $0x2, v6  }
0x1c7: {  	v11 =	vor.u32 $0x3, v6  }
0x1c8: {  	v12 =	vshll.u32 v7, $0x2  }
0x1c9: {  	v16 =	vld [tilespmem:s26+$0x1D610];
	v13 =	vor.u32 $0x1, v12;
	vm0 =	vgt.f32 v5, v10  }
0x1ca: {  	v14 =	vor.u32 $0x2, v12;
	v6 =	vld.idx.msk [tilespmem:v8+s2+$0x0], $0xffff;
	vm0 =	vmand vm1, vm0  }
0x1cb: {  	v15 =	vor.u32 $0x3, v12;
	v7 =	vld.idx.msk [tilespmem:v9+s2+$0x0], $0xffff  }
0x1cc: {  	v8 =	vld.idx.msk [tilespmem:v11+s2+$0x0], $0xffff;
	v10 =	vor.u32 $0x1, v4  }
0x1cd: {  	v9 =	vld.idx.msk [tilespmem:v12+s2+$0x0], $0xffff  }
0x1ce: {  	v11 =	vld.idx.msk [tilespmem:v13+s2+$0x0], $0xffff  }
0x1cf: {  	v12 =	vld.idx.msk [tilespmem:v14+s2+$0x0], $0xffff  }
0x1d0: {  	v13 =	vld.idx.msk [tilespmem:v15+s2+$0x0], $0xffff;
	[tilespmem:v4+s18+$0x0] =	vst.idx.msk vm0, v5  }
0x1d1: {  	v14 =	vld.idx.msk [tilespmem:v10+s18+$0x0], $0xffff;
	_ =	sdelay $0x4  }
0x1d2: {  	vm2 =	vgt.f32 v6, v14  }
0x1d3: {  	vm2 =	vmand vm1, vm2;
	_ =	sdelay $0x1  }
0x1d4: {  	v14 =	vor.u32 $0x2, v4;
	_ =	sdelay $0x3  }
0x1d5: {  	[tilespmem:v10+s18+$0x0] =	vst.idx.msk vm2, v6  }
0x1d6: {  	v15 =	vld.idx.msk [tilespmem:v14+s18+$0x0], $0xffff;
	_ =	sdelay $0x4  }
0x1d7: {  	vm3 =	vgt.f32 v7, v15  }
0x1d8: {  	vm3 =	vmand vm1, vm3;
	_ =	sdelay $0x1  }
0x1d9: {  	v15 =	vor.u32 $0x3, v4;
	_ =	sdelay $0x3  }
0x1da: {  	[tilespmem:v14+s18+$0x0] =	vst.idx.msk vm3, v7  }
0x1db: {  	v17 =	vld.idx.msk [tilespmem:v15+s18+$0x0], $0xffff;
	_ =	sdelay $0x4  }
0x1dc: {  	s30 =	sor.u32 $0x10, s26;
	vm4 =	vgt.f32 v8, v17  }
0x1dd: {  	v17 =	vor.u32 s30, v2;
	vm4 =	vmand vm1, vm4  }
0x1de: {  	v16 =	vshll.u32 v16, $0x2;
	vm1 =	vlt.s32 v17, v3  }
0x1df: {  	v16 =	vnsel vm1, $0x0, v16;
	_ =	sdelay $0x3  }
0x1e0: {  	[tilespmem:v15+s18+$0x0] =	vst.idx.msk vm4, v8  }
0x1e1: {  	v17 =	vld.idx.msk [tilespmem:v16+s18+$0x0], $0xffff;
	_ =	sdelay $0x4  }
0x1e2: {  	vm5 =	vgt.f32 v9, v17  }
0x1e3: {  	vm5 =	vmand vm1, vm5;
	_ =	sdelay $0x1  }
0x1e4: {  	v17 =	vor.u32 $0x1, v16;
	_ =	sdelay $0x3  }
0x1e5: {  	[tilespmem:v16+s18+$0x0] =	vst.idx.msk vm5, v9  }
0x1e6: {  	v18 =	vld.idx.msk [tilespmem:v17+s18+$0x0], $0xffff;
	_ =	sdelay $0x4  }
0x1e7: {  	vm6 =	vgt.f32 v11, v18  }
0x1e8: {  	vm6 =	vmand vm1, vm6;
	_ =	sdelay $0x1  }
0x1e9: {  	v18 =	vor.u32 $0x2, v16;
	_ =	sdelay $0x3  }
0x1ea: {  	[tilespmem:v17+s18+$0x0] =	vst.idx.msk vm6, v11  }
0x1eb: {  	v19 =	vld.idx.msk [tilespmem:v18+s18+$0x0], $0xffff;
	_ =	sdelay $0x4  }
0x1ec: {  	vm7 =	vgt.f32 v12, v19  }
0x1ed: {  	vm7 =	vmand vm1, vm7;
	_ =	sdelay $0x1  }
0x1ee: {  	v19 =	vor.u32 $0x3, v16;
	_ =	sdelay $0x3  }
0x1ef: {  	[tilespmem:v18+s18+$0x0] =	vst.idx.msk vm7, v12  }
0x1f0: {  	v20 =	vld.idx.msk [tilespmem:v19+s18+$0x0], $0xffff;
	_ =	sdelay $0x4  }
0x1f1: {  	vm8 =	vgt.f32 v13, v20  }
0x1f2: {  	vm8 =	vmand vm1, vm8;
	_ =	sdelay $0x5  }
0x1f3: {  	[tilespmem:v19+s18+$0x0] =	vst.idx.msk vm8, v13  }
0x1f4: {  	v20 =	vld.idx.msk [tilespmem:v4+s18+$0x0], $0xffff  }
0x1f5: {  	v21 =	vld.idx.msk [tilespmem:v10+s18+$0x0], $0xffff  }
0x1f6: {  	v22 =	vld.idx.msk [tilespmem:v14+s18+$0x0], $0xffff  }
0x1f7: {  	v23 =	vld.idx.msk [tilespmem:v15+s18+$0x0], $0xffff  }
0x1f8: {  	v24 =	vld.idx.msk [tilespmem:v16+s18+$0x0], $0xffff  }
0x1f9: {  	v25 =	vld.idx.msk [tilespmem:v17+s18+$0x0], $0xffff  }
0x1fa: {  	vm1 =	vlt.f32 v20, v5;
	vm9 =	vlt.f32 v21, v6;
	v20 =	vld.idx.msk [tilespmem:v18+s18+$0x0], $0xffff  }
0x1fb: {  	v63 =	vld.idx.msk [tilespmem:v19+s18+$0x0], $0xffff;
	vm1 =	vmand vm0, vm1;
	vm0 =	vmand vm2, vm9;
	vm2 =	vlt.f32 v22, v7  }
0x1fc: {  	vm14 =	vlt.f32 v23, v8;
	vm3 =	vmand vm3, vm2;
	vm10 =	vmor vm1, vm0  }
0x1fd: {  	vm2 =	vmand vm4, vm14;
	vm4 =	vlt.f32 v24, v9;
	vm15 =	vmor vm10, vm3  }
0x1fe: {  	vm4 =	vmand vm5, vm4;
	vm5 =	vlt.f32 v25, v11;
	vm9 =	vmor vm15, vm2  }
0x1ff: {  	vm5 =	vmand vm6, vm5;
	vm6 =	vlt.f32 v20, v12;
	vm9 =	vmor vm9, vm4  }
0x200: {  	vm6 =	vmand vm7, vm6;
	vm7 =	vlt.f32 v63, v13;
	vm9 =	vmor vm9, vm5  }
0x201: {  	vm7 =	vmand vm8, vm7;
	vm8 =	vmor vm9, vm6  }
0x202: {  	vm8 =	vmor vm8, vm7  }
0x203: {  	v20 =	vsel vm8, $0x3F800000, v0  }
0x204: {  	(xrf0) =	vmax.scan.msk.f32 $0xffff, v20;
	_ =	sdelay $0x5  }
0x205: {  	v20, _, _ =	vpop (xrf0)  }
0x206: {  	(v2sf) =	vpush v20, $0xF;
	_ =	sdelay $0xe  }
0x207: {  	s31 =	spop (v2sf)  }
0x208: {  	p1 =	sgt.f32 s31, $0.0e+00  }
.Ltmp16:
0x209: {  	_ = 	snop;
	(pc) =	sbr.rel @!p1 .LBB2_22-.Ltmp16, $1  }
0x20a: {  	_ =	sdelay $0x3  }
.LBB2_21:
0x20b: {  	v20 =	vld.idx.msk [tilespmem:v4+s18+$0x0], $0xffff;
	_ =	sdelay $0x4  }
0x20c: {  	vm8 =	vgt.f32 v5, v20  }
0x20d: {  	vm1 =	vmand vm1, vm8;
	_ =	sdelay $0x5  }
0x20e: {  	[tilespmem:v4+s18+$0x0] =	vst.idx.msk vm1, v5  }
0x20f: {  	v20 =	vld.idx.msk [tilespmem:v10+s18+$0x0], $0xffff;
	_ =	sdelay $0x4  }
0x210: {  	vm8 =	vgt.f32 v6, v20  }
0x211: {  	vm0 =	vmand vm0, vm8;
	_ =	sdelay $0x5  }
0x212: {  	[tilespmem:v10+s18+$0x0] =	vst.idx.msk vm0, v6  }
0x213: {  	v20 =	vld.idx.msk [tilespmem:v14+s18+$0x0], $0xffff;
	_ =	sdelay $0x4  }
0x214: {  	vm8 =	vgt.f32 v7, v20  }
0x215: {  	vm3 =	vmand vm3, vm8;
	_ =	sdelay $0x5  }
0x216: {  	[tilespmem:v14+s18+$0x0] =	vst.idx.msk vm3, v7  }
0x217: {  	v20 =	vld.idx.msk [tilespmem:v15+s18+$0x0], $0xffff;
	_ =	sdelay $0x4  }
0x218: {  	vm8 =	vgt.f32 v8, v20  }
0x219: {  	vm2 =	vmand vm2, vm8;
	_ =	sdelay $0x5  }
0x21a: {  	[tilespmem:v15+s18+$0x0] =	vst.idx.msk vm2, v8  }
0x21b: {  	v20 =	vld.idx.msk [tilespmem:v16+s18+$0x0], $0xffff;
	_ =	sdelay $0x4  }
0x21c: {  	vm8 =	vgt.f32 v9, v20  }
0x21d: {  	vm4 =	vmand vm4, vm8;
	_ =	sdelay $0x5  }
0x21e: {  	[tilespmem:v16+s18+$0x0] =	vst.idx.msk vm4, v9  }
0x21f: {  	v20 =	vld.idx.msk [tilespmem:v17+s18+$0x0], $0xffff;
	_ =	sdelay $0x4  }
0x220: {  	vm8 =	vgt.f32 v11, v20  }
0x221: {  	vm5 =	vmand vm5, vm8;
	_ =	sdelay $0x5  }
0x222: {  	[tilespmem:v17+s18+$0x0] =	vst.idx.msk vm5, v11  }
0x223: {  	v20 =	vld.idx.msk [tilespmem:v18+s18+$0x0], $0xffff;
	_ =	sdelay $0x4  }
0x224: {  	vm8 =	vgt.f32 v12, v20  }
0x225: {  	vm6 =	vmand vm6, vm8;
	_ =	sdelay $0x5  }
0x226: {  	[tilespmem:v18+s18+$0x0] =	vst.idx.msk vm6, v12  }
0x227: {  	v20 =	vld.idx.msk [tilespmem:v19+s18+$0x0], $0xffff;
	_ =	sdelay $0x4  }
0x228: {  	vm8 =	vgt.f32 v13, v20  }
0x229: {  	vm7 =	vmand vm7, vm8;
	_ =	sdelay $0x5  }
0x22a: {  	[tilespmem:v19+s18+$0x0] =	vst.idx.msk vm7, v13  }
0x22b: {  	v20 =	vld.idx.msk [tilespmem:v4+s18+$0x0], $0xffff  }
0x22c: {  	v21 =	vld.idx.msk [tilespmem:v10+s18+$0x0], $0xffff  }
0x22d: {  	v22 =	vld.idx.msk [tilespmem:v14+s18+$0x0], $0xffff  }
0x22e: {  	v23 =	vld.idx.msk [tilespmem:v15+s18+$0x0], $0xffff  }
0x22f: {  	v24 =	vld.idx.msk [tilespmem:v16+s18+$0x0], $0xffff  }
0x230: {  	v25 =	vld.idx.msk [tilespmem:v17+s18+$0x0], $0xffff  }
0x231: {  	vm8 =	vlt.f32 v20, v5;
	vm9 =	vlt.f32 v21, v6;
	v20 =	vld.idx.msk [tilespmem:v18+s18+$0x0], $0xffff  }
0x232: {  	v63 =	vld.idx.msk [tilespmem:v19+s18+$0x0], $0xffff;
	vm1 =	vmand vm1, vm8;
	vm0 =	vmand vm0, vm9;
	vm8 =	vlt.f32 v22, v7  }
0x233: {  	vm15 =	vlt.f32 v23, v8;
	vm3 =	vmand vm3, vm8;
	vm8 =	vmor vm1, vm0  }
0x234: {  	vm12 =	vlt.f32 v24, v9;
	vm2 =	vmand vm2, vm15;
	vm8 =	vmor vm8, vm3  }
0x235: {  	vm13 =	vlt.f32 v25, v11;
	vm4 =	vmand vm4, vm12;
	vm8 =	vmor vm8, vm2  }
0x236: {  	vm5 =	vmand vm5, vm13;
	vm14 =	vlt.f32 v20, v12;
	vm8 =	vmor vm8, vm4  }
0x237: {  	vm15 =	vlt.f32 v63, v13;
	vm6 =	vmand vm6, vm14;
	vm8 =	vmor vm8, vm5  }
0x238: {  	vm7 =	vmand vm7, vm15;
	vm8 =	vmor vm8, vm6  }
0x239: {  	vm8 =	vmor vm8, vm7  }
0x23a: {  	v20 =	vsel vm8, $0x3F800000, v0  }
0x23b: {  	(xrf0) =	vmax.scan.msk.f32 $0xffff, v20;
	_ =	sdelay $0x5  }
0x23c: {  	v20, _, _ =	vpop (xrf0)  }
0x23d: {  	(v2sf) =	vpush v20, $0xF;
	_ =	sdelay $0xe  }
0x23e: {  	s26 =	spop (v2sf)  }
0x23f: {  	p1 =	sgt.f32 s26, $0.0e+00  }
.Ltmp17:
0x240: {  	_ = 	snop;
	(pc) =	sbr.rel @p1 .LBB2_21-.Ltmp17, $1  }
0x241: {  	_ =	sdelay $0x3  }
.Ltmp18:
0x242: {  	_ = 	snop;
	(pc) =	sbr.rel .LBB2_22-.Ltmp18, $1  }
0x243: {  	_ =	sdelay $0x3  }
.LBB2_23:
0x244: {  	p1 =	seq.s32 s23, $0x3E  }
0x245: {  	s24 =	sadd.s32 @!p1 $0x2, s24  }
0x246: {  	s25 =	sshrl.u32 @!p1 s24, $0x3  }
0x247: {  	s24 =	sshll.u32 @!p1 s24, $0x7;
	s25 =	smul.u32 @!p1 $0xA000, s25  }
.Ltmp19:
0x248: {  	s24 =	sand.u32 @!p1 $0x300, s24;
	(pc) =	sbr.rel @p0 .LBB2_31-.Ltmp19, $4  }
0x249: {  	s24 =	sor.u32 @!p1 s24, s25  }
0x24a: {  	s26 =	simm.s32 @!p1 $0x400;
	s24 =	sshrl.u32 @!p1 s24, $0x3  }
0x24b: {  	s28 =	simm.s32 @!p1 $0x1D600;
	s25 =	simm.s32 @!p1 $0x80;
	s24 =	sadd.s32 @!p1 s3, s24  }
0x24c: {  	[tilespmem:s28], [sflag:$0x1] =	stream.strided.gather @!p1 [hbm4b:s24+s25], $0x1400, s26, s25, $0x200038;
	[tilespmem:$0x1FE00] =	vst v63  }
0x24d: {  	_ =	swait.ge [sflag:s20], $0x1400  }
0x24e: {  	[sflag:s20] =	ssyncset.done $0x0  }
0x24f: {  	s24 =	simm.s32 $0x0;
	s25 =	simm.s32 $0x1EA00;
	[sflag:s20] =	ssyncadd.s32 $0xFFFFEC00  }
0x250: {  	s26 =	sand.u32 $0xFF0, s24;
	v6 =	vld [tilespmem:s25+$0x0]  }
0x251: {  	v4 =	vld [tilespmem:s26+$0x1F400];
	_ =	sdelay $0x4  }
0x252: {  	vm0 =	vlt.s32 v6, $0x1388;
	vm1 =	vgt.s32 v4, $0x1387  }
0x253: {  	vm0 =	vmand vm0, vm1  }
0x254: {  	v3 =	vsel vm0, $0x1, v1  }
0x255: {  	(xrf0) =	vadd.scan.msk.s32 $0xffff, v3;
	_ =	sdelay $0x5  }
0x256: {  	v3 =	vimm.s32 $0x0;
	v5, _, _ =	vpop (xrf0)  }
0x257: {  	v5 =	vadd.s32 v5, v3  }
0x258: {  	v5 =	vadd.s32 $0xFFFFFFFF, v5  }
0x259: {  	v7 =	vnsel vm0, $0x0, v5;
	v5 =	vmpcnt.ones.xlane vm0;
	_ =	sdelay $0x1  }
0x25a: {  	v3 =	vadd.s32 v3, v5;
	v5 =	vadd.s32 $0xA00, v7;
	_ =	sdelay $0x2  }
0x25b: {  	s26 =	simm.s32 $0x10;
	[tilespmem:v7+s21+$0x0] =	vst.idx.msk vm0, v6  }
.LBB2_25:
0x25c: {  	p0 =	sne.s32 s26, $0x9F0  }
0x25d: {  	[tilespmem:v5+s21+$0x0] =	vst.idx.msk vm0, v4;
	s25 =	sadd.s32 $0x10, s25;
	v5 =	vmov v3;
	s28 =	smov.u32 s26;
	s26 =	sadd.s32 $0x10, s26  }
0x25e: {  	v6 =	vld [tilespmem:s25+$0x0];
	s28 =	sand.u32 $0xFF0, s28  }
0x25f: {  	v4 =	vld [tilespmem:s28+$0x1F400];
	_ =	sdelay $0x4  }
0x260: {  	vm0 =	vlt.s32 v6, $0x1388;
	vm1 =	vgt.s32 v4, $0x1387  }
0x261: {  	vm0 =	vmand vm0, vm1  }
0x262: {  	v7 =	vsel vm0, $0x1, v1;
	v8 =	vmpcnt.ones.xlane vm0  }
0x263: {  	(xrf0) =	vadd.scan.msk.s32 $0xffff, v7  }
0x264: {  	v3 =	vadd.s32 v3, v8;
	_ =	sdelay $0x4  }
0x265: {  	v7, _, _ =	vpop (xrf0)  }
0x266: {  	v5 =	vadd.s32 v7, v5  }
0x267: {  	v5 =	vadd.s32 $0xFFFFFFFF, v5  }
0x268: {  	v7 =	vnsel vm0, $0x0, v5  }
.Ltmp20:
0x269: {  	v5 =	vadd.s32 $0xA00, v7;
	(pc) =	sbr.rel @p0 .LBB2_25-.Ltmp20, $2  }
0x26a: {  	_ =	sdelay $0x2  }
0x26b: {  	[tilespmem:v7+s21+$0x0] =	vst.idx.msk vm0, v6  }
0x26c: {  	_ = 	snop  }
.Ltmp21:
0x26d: {  	_ = 	snop;
	(pc) =	sbr.rel .LBB2_27-.Ltmp21, $2  }
0x26e: {  	_ =	sdelay $0x2  }
0x26f: {  	[tilespmem:v5+s21+$0x0] =	vst.idx.msk vm0, v4  }
.LBB2_30:
0x270: {  	s24 =	sadd.s32 $0x1, s24  }
.LBB2_27:
0x271: {  	s25 =	sshll.u32 s24, $0x5  }
0x272: {  	v4 =	vmov s25  }
0x273: {  	vm0 =	vlt.s32 v4, v3  }
0x274: {  	v5 =	vsel vm0, $0x3F800000, v0  }
0x275: {  	(xrf0) =	vmax.scan.msk.f32 $0xffff, v5;
	_ =	sdelay $0x5  }
0x276: {  	v5, _, _ =	vpop (xrf0)  }
0x277: {  	(v2sf) =	vpush v5, $0xF;
	_ =	sdelay $0xe  }
0x278: {  	s26 =	spop (v2sf)  }
0x279: {  	p0 =	sgt.f32 s26, $0.0e+00  }
.Ltmp22:
0x27a: {  	_ = 	snop;
	(pc) =	sbr.rel @!p0 .LBB2_31-.Ltmp22, $1  }
0x27b: {  	_ =	sdelay $0x3  }
0x27c: {  	v5 =	vld [tilespmem:s25+$0x1EA00];
	s26 =	sand.u32 $0xFFFFFFE0, s25  }
0x27d: {  	v6 =	vld [tilespmem:s26+$0x1F400];
	_ =	sdelay $0x3  }
0x27e: {  	v4 =	vor.u32 v2, v4  }
0x27f: {  	vm1 =	vlt.s32 v4, v3;
	v4 =	vshll.u32 v5, $0x2;
	v6 =	vshll.u32 v6, $0x2  }
0x280: {  	v4 =	vnsel vm1, $0x0, v4;
	_ =	sdelay $0x2  }
0x281: {  	v7 =	vld [tilespmem:s25+$0x1F410]  }
0x282: {  	v5 =	vld.idx.msk [tilespmem:v6+s2+$0x0], $0xffff  }
0x283: {  	v10 =	vld.idx.msk [tilespmem:v4+s18+$0x0], $0xffff  }
0x284: {  	v8 =	vor.u32 $0x1, v6  }
0x285: {  	v9 =	vor.u32 $0x2, v6  }
0x286: {  	v11 =	vor.u32 $0x3, v6  }
0x287: {  	v12 =	vshll.u32 v7, $0x2  }
0x288: {  	v16 =	vld [tilespmem:s25+$0x1EA10];
	v13 =	vor.u32 $0x1, v12;
	vm0 =	vgt.f32 v5, v10  }
0x289: {  	v14 =	vor.u32 $0x2, v12;
	v6 =	vld.idx.msk [tilespmem:v8+s2+$0x0], $0xffff;
	vm0 =	vmand vm1, vm0  }
0x28a: {  	v15 =	vor.u32 $0x3, v12;
	v7 =	vld.idx.msk [tilespmem:v9+s2+$0x0], $0xffff  }
0x28b: {  	v8 =	vld.idx.msk [tilespmem:v11+s2+$0x0], $0xffff;
	v10 =	vor.u32 $0x1, v4  }
0x28c: {  	v9 =	vld.idx.msk [tilespmem:v12+s2+$0x0], $0xffff  }
0x28d: {  	v11 =	vld.idx.msk [tilespmem:v13+s2+$0x0], $0xffff  }
0x28e: {  	v12 =	vld.idx.msk [tilespmem:v14+s2+$0x0], $0xffff  }
0x28f: {  	v13 =	vld.idx.msk [tilespmem:v15+s2+$0x0], $0xffff;
	[tilespmem:v4+s18+$0x0] =	vst.idx.msk vm0, v5  }
0x290: {  	v14 =	vld.idx.msk [tilespmem:v10+s18+$0x0], $0xffff;
	_ =	sdelay $0x4  }
0x291: {  	vm2 =	vgt.f32 v6, v14  }
0x292: {  	vm2 =	vmand vm1, vm2;
	_ =	sdelay $0x1  }
0x293: {  	v14 =	vor.u32 $0x2, v4;
	_ =	sdelay $0x3  }
0x294: {  	[tilespmem:v10+s18+$0x0] =	vst.idx.msk vm2, v6  }
0x295: {  	v15 =	vld.idx.msk [tilespmem:v14+s18+$0x0], $0xffff;
	_ =	sdelay $0x4  }
0x296: {  	vm3 =	vgt.f32 v7, v15  }
0x297: {  	vm3 =	vmand vm1, vm3;
	_ =	sdelay $0x1  }
0x298: {  	v15 =	vor.u32 $0x3, v4;
	_ =	sdelay $0x3  }
0x299: {  	[tilespmem:v14+s18+$0x0] =	vst.idx.msk vm3, v7  }
0x29a: {  	v17 =	vld.idx.msk [tilespmem:v15+s18+$0x0], $0xffff;
	_ =	sdelay $0x4  }
0x29b: {  	s30 =	sor.u32 $0x10, s25;
	vm4 =	vgt.f32 v8, v17  }
0x29c: {  	v17 =	vor.u32 s30, v2;
	vm4 =	vmand vm1, vm4  }
0x29d: {  	v16 =	vshll.u32 v16, $0x2;
	vm1 =	vlt.s32 v17, v3  }
0x29e: {  	v16 =	vnsel vm1, $0x0, v16;
	_ =	sdelay $0x3  }
0x29f: {  	[tilespmem:v15+s18+$0x0] =	vst.idx.msk vm4, v8  }
0x2a0: {  	v17 =	vld.idx.msk [tilespmem:v16+s18+$0x0], $0xffff;
	_ =	sdelay $0x4  }
0x2a1: {  	vm5 =	vgt.f32 v9, v17  }
0x2a2: {  	vm5 =	vmand vm1, vm5;
	_ =	sdelay $0x1  }
0x2a3: {  	v17 =	vor.u32 $0x1, v16;
	_ =	sdelay $0x3  }
0x2a4: {  	[tilespmem:v16+s18+$0x0] =	vst.idx.msk vm5, v9  }
0x2a5: {  	v18 =	vld.idx.msk [tilespmem:v17+s18+$0x0], $0xffff;
	_ =	sdelay $0x4  }
0x2a6: {  	vm6 =	vgt.f32 v11, v18  }
0x2a7: {  	vm6 =	vmand vm1, vm6;
	_ =	sdelay $0x1  }
0x2a8: {  	v18 =	vor.u32 $0x2, v16;
	_ =	sdelay $0x3  }
0x2a9: {  	[tilespmem:v17+s18+$0x0] =	vst.idx.msk vm6, v11  }
0x2aa: {  	v19 =	vld.idx.msk [tilespmem:v18+s18+$0x0], $0xffff;
	_ =	sdelay $0x4  }
0x2ab: {  	vm7 =	vgt.f32 v12, v19  }
0x2ac: {  	vm7 =	vmand vm1, vm7;
	_ =	sdelay $0x1  }
0x2ad: {  	v19 =	vor.u32 $0x3, v16;
	_ =	sdelay $0x3  }
0x2ae: {  	[tilespmem:v18+s18+$0x0] =	vst.idx.msk vm7, v12  }
0x2af: {  	v20 =	vld.idx.msk [tilespmem:v19+s18+$0x0], $0xffff;
	_ =	sdelay $0x4  }
0x2b0: {  	vm8 =	vgt.f32 v13, v20  }
0x2b1: {  	vm8 =	vmand vm1, vm8;
	_ =	sdelay $0x5  }
0x2b2: {  	[tilespmem:v19+s18+$0x0] =	vst.idx.msk vm8, v13  }
0x2b3: {  	v20 =	vld.idx.msk [tilespmem:v4+s18+$0x0], $0xffff  }
0x2b4: {  	v21 =	vld.idx.msk [tilespmem:v10+s18+$0x0], $0xffff  }
0x2b5: {  	v22 =	vld.idx.msk [tilespmem:v14+s18+$0x0], $0xffff  }
0x2b6: {  	v23 =	vld.idx.msk [tilespmem:v15+s18+$0x0], $0xffff  }
0x2b7: {  	v24 =	vld.idx.msk [tilespmem:v16+s18+$0x0], $0xffff  }
0x2b8: {  	v25 =	vld.idx.msk [tilespmem:v17+s18+$0x0], $0xffff  }
0x2b9: {  	vm1 =	vlt.f32 v20, v5;
	vm9 =	vlt.f32 v21, v6;
	v20 =	vld.idx.msk [tilespmem:v18+s18+$0x0], $0xffff  }
0x2ba: {  	v63 =	vld.idx.msk [tilespmem:v19+s18+$0x0], $0xffff;
	vm1 =	vmand vm0, vm1;
	vm0 =	vmand vm2, vm9;
	vm2 =	vlt.f32 v22, v7  }
0x2bb: {  	vm14 =	vlt.f32 v23, v8;
	vm3 =	vmand vm3, vm2;
	vm10 =	vmor vm1, vm0  }
0x2bc: {  	vm2 =	vmand vm4, vm14;
	vm4 =	vlt.f32 v24, v9;
	vm15 =	vmor vm10, vm3  }
0x2bd: {  	vm4 =	vmand vm5, vm4;
	vm5 =	vlt.f32 v25, v11;
	vm9 =	vmor vm15, vm2  }
0x2be: {  	vm5 =	vmand vm6, vm5;
	vm6 =	vlt.f32 v20, v12;
	vm9 =	vmor vm9, vm4  }
0x2bf: {  	vm6 =	vmand vm7, vm6;
	vm7 =	vlt.f32 v63, v13;
	vm9 =	vmor vm9, vm5  }
0x2c0: {  	vm7 =	vmand vm8, vm7;
	vm8 =	vmor vm9, vm6  }
0x2c1: {  	vm8 =	vmor vm8, vm7  }
0x2c2: {  	v20 =	vsel vm8, $0x3F800000, v0  }
0x2c3: {  	(xrf0) =	vmax.scan.msk.f32 $0xffff, v20;
	_ =	sdelay $0x5  }
0x2c4: {  	v20, _, _ =	vpop (xrf0)  }
0x2c5: {  	(v2sf) =	vpush v20, $0xF;
	_ =	sdelay $0xe  }
0x2c6: {  	s31 =	spop (v2sf)  }
0x2c7: {  	p0 =	sgt.f32 s31, $0.0e+00  }
.Ltmp23:
0x2c8: {  	_ = 	snop;
	(pc) =	sbr.rel @!p0 .LBB2_30-.Ltmp23, $1  }
0x2c9: {  	_ =	sdelay $0x3  }
.LBB2_29:
0x2ca: {  	v20 =	vld.idx.msk [tilespmem:v4+s18+$0x0], $0xffff;
	_ =	sdelay $0x4  }
0x2cb: {  	vm8 =	vgt.f32 v5, v20  }
0x2cc: {  	vm1 =	vmand vm1, vm8;
	_ =	sdelay $0x5  }
0x2cd: {  	[tilespmem:v4+s18+$0x0] =	vst.idx.msk vm1, v5  }
0x2ce: {  	v20 =	vld.idx.msk [tilespmem:v10+s18+$0x0], $0xffff;
	_ =	sdelay $0x4  }
0x2cf: {  	vm8 =	vgt.f32 v6, v20  }
0x2d0: {  	vm0 =	vmand vm0, vm8;
	_ =	sdelay $0x5  }
0x2d1: {  	[tilespmem:v10+s18+$0x0] =	vst.idx.msk vm0, v6  }
0x2d2: {  	v20 =	vld.idx.msk [tilespmem:v14+s18+$0x0], $0xffff;
	_ =	sdelay $0x4  }
0x2d3: {  	vm8 =	vgt.f32 v7, v20  }
0x2d4: {  	vm3 =	vmand vm3, vm8;
	_ =	sdelay $0x5  }
0x2d5: {  	[tilespmem:v14+s18+$0x0] =	vst.idx.msk vm3, v7  }
0x2d6: {  	v20 =	vld.idx.msk [tilespmem:v15+s18+$0x0], $0xffff;
	_ =	sdelay $0x4  }
0x2d7: {  	vm8 =	vgt.f32 v8, v20  }
0x2d8: {  	vm2 =	vmand vm2, vm8;
	_ =	sdelay $0x5  }
0x2d9: {  	[tilespmem:v15+s18+$0x0] =	vst.idx.msk vm2, v8  }
0x2da: {  	v20 =	vld.idx.msk [tilespmem:v16+s18+$0x0], $0xffff;
	_ =	sdelay $0x4  }
0x2db: {  	vm8 =	vgt.f32 v9, v20  }
0x2dc: {  	vm4 =	vmand vm4, vm8;
	_ =	sdelay $0x5  }
0x2dd: {  	[tilespmem:v16+s18+$0x0] =	vst.idx.msk vm4, v9  }
0x2de: {  	v20 =	vld.idx.msk [tilespmem:v17+s18+$0x0], $0xffff;
	_ =	sdelay $0x4  }
0x2df: {  	vm8 =	vgt.f32 v11, v20  }
0x2e0: {  	vm5 =	vmand vm5, vm8;
	_ =	sdelay $0x5  }
0x2e1: {  	[tilespmem:v17+s18+$0x0] =	vst.idx.msk vm5, v11  }
0x2e2: {  	v20 =	vld.idx.msk [tilespmem:v18+s18+$0x0], $0xffff;
	_ =	sdelay $0x4  }
0x2e3: {  	vm8 =	vgt.f32 v12, v20  }
0x2e4: {  	vm6 =	vmand vm6, vm8;
	_ =	sdelay $0x5  }
0x2e5: {  	[tilespmem:v18+s18+$0x0] =	vst.idx.msk vm6, v12  }
0x2e6: {  	v20 =	vld.idx.msk [tilespmem:v19+s18+$0x0], $0xffff;
	_ =	sdelay $0x4  }
0x2e7: {  	vm8 =	vgt.f32 v13, v20  }
0x2e8: {  	vm7 =	vmand vm7, vm8;
	_ =	sdelay $0x5  }
0x2e9: {  	[tilespmem:v19+s18+$0x0] =	vst.idx.msk vm7, v13  }
0x2ea: {  	v20 =	vld.idx.msk [tilespmem:v4+s18+$0x0], $0xffff  }
0x2eb: {  	v21 =	vld.idx.msk [tilespmem:v10+s18+$0x0], $0xffff  }
0x2ec: {  	v22 =	vld.idx.msk [tilespmem:v14+s18+$0x0], $0xffff  }
0x2ed: {  	v23 =	vld.idx.msk [tilespmem:v15+s18+$0x0], $0xffff  }
0x2ee: {  	v24 =	vld.idx.msk [tilespmem:v16+s18+$0x0], $0xffff  }
0x2ef: {  	v25 =	vld.idx.msk [tilespmem:v17+s18+$0x0], $0xffff  }
0x2f0: {  	vm8 =	vlt.f32 v20, v5;
	vm9 =	vlt.f32 v21, v6;
	v20 =	vld.idx.msk [tilespmem:v18+s18+$0x0], $0xffff  }
0x2f1: {  	v63 =	vld.idx.msk [tilespmem:v19+s18+$0x0], $0xffff;
	vm1 =	vmand vm1, vm8;
	vm0 =	vmand vm0, vm9;
	vm8 =	vlt.f32 v22, v7  }
0x2f2: {  	vm15 =	vlt.f32 v23, v8;
	vm3 =	vmand vm3, vm8;
	vm8 =	vmor vm1, vm0  }
0x2f3: {  	vm12 =	vlt.f32 v24, v9;
	vm2 =	vmand vm2, vm15;
	vm8 =	vmor vm8, vm3  }
0x2f4: {  	vm13 =	vlt.f32 v25, v11;
	vm4 =	vmand vm4, vm12;
	vm8 =	vmor vm8, vm2  }
0x2f5: {  	vm5 =	vmand vm5, vm13;
	vm14 =	vlt.f32 v20, v12;
	vm8 =	vmor vm8, vm4  }
0x2f6: {  	vm15 =	vlt.f32 v63, v13;
	vm6 =	vmand vm6, vm14;
	vm8 =	vmor vm8, vm5  }
0x2f7: {  	vm7 =	vmand vm7, vm15;
	vm8 =	vmor vm8, vm6  }
0x2f8: {  	vm8 =	vmor vm8, vm7  }
0x2f9: {  	v20 =	vsel vm8, $0x3F800000, v0  }
0x2fa: {  	(xrf0) =	vmax.scan.msk.f32 $0xffff, v20;
	_ =	sdelay $0x5  }
0x2fb: {  	v20, _, _ =	vpop (xrf0)  }
0x2fc: {  	(v2sf) =	vpush v20, $0xF;
	_ =	sdelay $0xe  }
0x2fd: {  	s25 =	spop (v2sf)  }
0x2fe: {  	p0 =	sgt.f32 s25, $0.0e+00  }
.Ltmp24:
0x2ff: {  	_ = 	snop;
	(pc) =	sbr.rel @p0 .LBB2_29-.Ltmp24, $1  }
0x300: {  	_ =	sdelay $0x3  }
.Ltmp25:
0x301: {  	_ = 	snop;
	(pc) =	sbr.rel .LBB2_30-.Ltmp25, $1  }
0x302: {  	_ =	sdelay $0x3  }
.LBB2_32:
.Ltmp26:
0x303: {  	(pc) =	sbr.rel .LBB2_33-.Ltmp26, $3  }
0x304: {  	_ =	sdelay $0x1  }
0x305: {  	[tilespmem:s16], [sflag:$0x1] =	stream.strided.gather [hbm4b:s4+s12], $0x1400, s13, s12, $0x200038;
	[tilespmem:$0x1FE00] =	vst v63  }
0x306: {  	s23 =	simm.s32 $0x0  }
.LBB2_48:
0x307: {  	s23 =	sadd.s32 $0x1, s23  }
0x308: {  	p0 =	sne.s32 s23, $0x3F  }
.Ltmp27:
0x309: {  	_ = 	snop;
	(pc) =	sbr.rel @!p0 .LBB2_49-.Ltmp27, $1  }
0x30a: {  	_ =	sdelay $0x3  }
.LBB2_33:
0x30b: {  	s24 =	sshllo.u32 s23, $0x1  }
0x30c: {  	p0 =	sgt.u32 s24, $0x7C  }
0x30d: {  	s25 =	sshrl.u32 @!p0 s23, $0x2  }
0x30e: {  	s24 =	sshll.u32 @!p0 s24, $0x7;
	s25 =	smul.u32 @!p0 $0xA000, s25  }
0x30f: {  	s24 =	sand.u32 @!p0 $0x380, s24  }
0x310: {  	s24 =	sor.u32 @!p0 s25, s24  }
0x311: {  	s26 =	simm.s32 @!p0 $0x400;
	s24 =	sshrl.u32 @!p0 s24, $0x3  }
0x312: {  	s28 =	simm.s32 @!p0 $0x1EA00;
	s25 =	simm.s32 @!p0 $0x80;
	s24 =	sadd.s32 @!p0 s4, s24  }
0x313: {  	[tilespmem:s28], [sflag:$0x2] =	stream.strided.gather @!p0 [hbm4b:s24+s25], $0x1400, s26, s25, $0x200038;
	[tilespmem:$0x1FE00] =	vst v63  }
0x314: {  	_ =	swait.ge [sflag:s17], $0x1400  }
0x315: {  	s24 =	sshll.u32 s23, $0x1;
	[sflag:s17] =	ssyncset.done $0x0  }
0x316: {  	v3 =	vimm.s32 $0x0;
	s25 =	simm.s32 $0x1D600;
	s26 =	simm.s32 $0x0;
	[sflag:s17] =	ssyncadd.s32 $0xFFFFEC00  }
.LBB2_34:
0x317: {  	v4 =	vld [tilespmem:s25+$0x0];
	_ =	sdelay $0x4  }
0x318: {  	vm0 =	vlt.s32 v4, $0x1388  }
0x319: {  	v5 =	vsel vm0, $0x1, v1  }
0x31a: {  	(xrf0) =	vadd.scan.msk.s32 $0xffff, v5;
	_ =	sdelay $0x5  }
0x31b: {  	v5, _, _ =	vpop (xrf0)  }
0x31c: {  	v5 =	vadd.s32 v5, v3  }
0x31d: {  	v5 =	vadd.s32 $0xFFFFFFFF, v5  }
0x31e: {  	s28 =	sand.u32 $0xFF0, s26;
	v5 =	vnsel vm0, $0x0, v5  }
0x31f: {  	p1 =	sne.s32 s26, $0x9F0;
	v6 =	vld [tilespmem:s28+$0x1E000];
	v7 =	vadd.s32 $0xA00, v5  }
.Ltmp28:
0x320: {  	_ = 	snop;
	(pc) =	sbr.rel @p1 .LBB2_34-.Ltmp28, $4  }
0x321: {  	_ = 	snop  }
0x322: {  	v8 =	vmpcnt.ones.xlane vm0  }
0x323: {  	[tilespmem:v5+s16+$0x0] =	vst.idx.msk vm0, v4  }
0x324: {  	s25 =	sadd.s32 $0x10, s25;
	s26 =	sadd.s32 $0x10, s26;
	v3 =	vadd.s32 v3, v8;
	[tilespmem:v7+s16+$0x0] =	vst.idx.msk vm0, v6  }
.Ltmp29:
0x325: {  	(pc) =	sbr.rel .LBB2_36-.Ltmp29, $2  }
0x326: {  	_ =	sdelay $0x2  }
0x327: {  	s25 =	simm.s32 $0x0  }
.LBB2_39:
0x328: {  	s25 =	sadd.s32 $0x1, s25  }
.LBB2_36:
0x329: {  	s26 =	sshll.u32 s25, $0x5  }
0x32a: {  	v4 =	vmov s26  }
0x32b: {  	vm0 =	vlt.s32 v4, v3  }
0x32c: {  	v5 =	vsel vm0, $0x3F800000, v0  }
0x32d: {  	(xrf0) =	vmax.scan.msk.f32 $0xffff, v5;
	_ =	sdelay $0x5  }
0x32e: {  	v5, _, _ =	vpop (xrf0)  }
0x32f: {  	(v2sf) =	vpush v5, $0xF;
	_ =	sdelay $0xe  }
0x330: {  	s28 =	spop (v2sf)  }
0x331: {  	p1 =	sgt.f32 s28, $0.0e+00  }
.Ltmp30:
0x332: {  	_ = 	snop;
	(pc) =	sbr.rel @!p1 .LBB2_40-.Ltmp30, $1  }
0x333: {  	_ =	sdelay $0x3  }
0x334: {  	v5 =	vld [tilespmem:s26+$0x1D600];
	s28 =	sand.u32 $0xFFFFFFE0, s26  }
0x335: {  	v6 =	vld [tilespmem:s28+$0x1E000];
	_ =	sdelay $0x3  }
0x336: {  	v4 =	vor.u32 v2, v4  }
0x337: {  	vm1 =	vlt.s32 v4, v3;
	v4 =	vshll.u32 v5, $0x2;
	v6 =	vshll.u32 v6, $0x2  }
0x338: {  	v4 =	vnsel vm1, $0x0, v4;
	_ =	sdelay $0x2  }
0x339: {  	v7 =	vld [tilespmem:s26+$0x1E010]  }
0x33a: {  	v5 =	vld.idx.msk [tilespmem:v6+s2+$0x0], $0xffff  }
0x33b: {  	v10 =	vld.idx.msk [tilespmem:v4+s18+$0x0], $0xffff  }
0x33c: {  	v8 =	vor.u32 $0x1, v6  }
0x33d: {  	v9 =	vor.u32 $0x2, v6  }
0x33e: {  	v11 =	vor.u32 $0x3, v6  }
0x33f: {  	v12 =	vshll.u32 v7, $0x2  }
0x340: {  	v16 =	vld [tilespmem:s26+$0x1D610];
	v13 =	vor.u32 $0x1, v12;
	vm0 =	vgt.f32 v5, v10  }
0x341: {  	v14 =	vor.u32 $0x2, v12;
	v6 =	vld.idx.msk [tilespmem:v8+s2+$0x0], $0xffff;
	vm0 =	vmand vm1, vm0  }
0x342: {  	v15 =	vor.u32 $0x3, v12;
	v7 =	vld.idx.msk [tilespmem:v9+s2+$0x0], $0xffff  }
0x343: {  	v8 =	vld.idx.msk [tilespmem:v11+s2+$0x0], $0xffff;
	v10 =	vor.u32 $0x1, v4  }
0x344: {  	v9 =	vld.idx.msk [tilespmem:v12+s2+$0x0], $0xffff  }
0x345: {  	v11 =	vld.idx.msk [tilespmem:v13+s2+$0x0], $0xffff  }
0x346: {  	v12 =	vld.idx.msk [tilespmem:v14+s2+$0x0], $0xffff  }
0x347: {  	v13 =	vld.idx.msk [tilespmem:v15+s2+$0x0], $0xffff;
	[tilespmem:v4+s18+$0x0] =	vst.idx.msk vm0, v5  }
0x348: {  	v14 =	vld.idx.msk [tilespmem:v10+s18+$0x0], $0xffff;
	_ =	sdelay $0x4  }
0x349: {  	vm2 =	vgt.f32 v6, v14  }
0x34a: {  	vm2 =	vmand vm1, vm2;
	_ =	sdelay $0x1  }
0x34b: {  	v14 =	vor.u32 $0x2, v4;
	_ =	sdelay $0x3  }
0x34c: {  	[tilespmem:v10+s18+$0x0] =	vst.idx.msk vm2, v6  }
0x34d: {  	v15 =	vld.idx.msk [tilespmem:v14+s18+$0x0], $0xffff;
	_ =	sdelay $0x4  }
0x34e: {  	vm3 =	vgt.f32 v7, v15  }
0x34f: {  	vm3 =	vmand vm1, vm3;
	_ =	sdelay $0x1  }
0x350: {  	v15 =	vor.u32 $0x3, v4;
	_ =	sdelay $0x3  }
0x351: {  	[tilespmem:v14+s18+$0x0] =	vst.idx.msk vm3, v7  }
0x352: {  	v17 =	vld.idx.msk [tilespmem:v15+s18+$0x0], $0xffff;
	_ =	sdelay $0x4  }
0x353: {  	s30 =	sor.u32 $0x10, s26;
	vm4 =	vgt.f32 v8, v17  }
0x354: {  	v17 =	vor.u32 s30, v2;
	vm4 =	vmand vm1, vm4  }
0x355: {  	v16 =	vshll.u32 v16, $0x2;
	vm1 =	vlt.s32 v17, v3  }
0x356: {  	v16 =	vnsel vm1, $0x0, v16;
	_ =	sdelay $0x3  }
0x357: {  	[tilespmem:v15+s18+$0x0] =	vst.idx.msk vm4, v8  }
0x358: {  	v17 =	vld.idx.msk [tilespmem:v16+s18+$0x0], $0xffff;
	_ =	sdelay $0x4  }
0x359: {  	vm5 =	vgt.f32 v9, v17  }
0x35a: {  	vm5 =	vmand vm1, vm5;
	_ =	sdelay $0x1  }
0x35b: {  	v17 =	vor.u32 $0x1, v16;
	_ =	sdelay $0x3  }
0x35c: {  	[tilespmem:v16+s18+$0x0] =	vst.idx.msk vm5, v9  }
0x35d: {  	v18 =	vld.idx.msk [tilespmem:v17+s18+$0x0], $0xffff;
	_ =	sdelay $0x4  }
0x35e: {  	vm6 =	vgt.f32 v11, v18  }
0x35f: {  	vm6 =	vmand vm1, vm6;
	_ =	sdelay $0x1  }
0x360: {  	v18 =	vor.u32 $0x2, v16;
	_ =	sdelay $0x3  }
0x361: {  	[tilespmem:v17+s18+$0x0] =	vst.idx.msk vm6, v11  }
0x362: {  	v19 =	vld.idx.msk [tilespmem:v18+s18+$0x0], $0xffff;
	_ =	sdelay $0x4  }
0x363: {  	vm7 =	vgt.f32 v12, v19  }
0x364: {  	vm7 =	vmand vm1, vm7;
	_ =	sdelay $0x1  }
0x365: {  	v19 =	vor.u32 $0x3, v16;
	_ =	sdelay $0x3  }
0x366: {  	[tilespmem:v18+s18+$0x0] =	vst.idx.msk vm7, v12  }
0x367: {  	v20 =	vld.idx.msk [tilespmem:v19+s18+$0x0], $0xffff;
	_ =	sdelay $0x4  }
0x368: {  	vm8 =	vgt.f32 v13, v20  }
0x369: {  	vm8 =	vmand vm1, vm8;
	_ =	sdelay $0x5  }
0x36a: {  	[tilespmem:v19+s18+$0x0] =	vst.idx.msk vm8, v13  }
0x36b: {  	v20 =	vld.idx.msk [tilespmem:v4+s18+$0x0], $0xffff  }
0x36c: {  	v21 =	vld.idx.msk [tilespmem:v10+s18+$0x0], $0xffff  }
0x36d: {  	v22 =	vld.idx.msk [tilespmem:v14+s18+$0x0], $0xffff  }
0x36e: {  	v23 =	vld.idx.msk [tilespmem:v15+s18+$0x0], $0xffff  }
0x36f: {  	v24 =	vld.idx.msk [tilespmem:v16+s18+$0x0], $0xffff  }
0x370: {  	v25 =	vld.idx.msk [tilespmem:v17+s18+$0x0], $0xffff  }
0x371: {  	vm1 =	vlt.f32 v20, v5;
	vm9 =	vlt.f32 v21, v6;
	v20 =	vld.idx.msk [tilespmem:v18+s18+$0x0], $0xffff  }
0x372: {  	v63 =	vld.idx.msk [tilespmem:v19+s18+$0x0], $0xffff;
	vm1 =	vmand vm0, vm1;
	vm0 =	vmand vm2, vm9;
	vm2 =	vlt.f32 v22, v7  }
0x373: {  	vm14 =	vlt.f32 v23, v8;
	vm3 =	vmand vm3, vm2;
	vm10 =	vmor vm1, vm0  }
0x374: {  	vm2 =	vmand vm4, vm14;
	vm4 =	vlt.f32 v24, v9;
	vm15 =	vmor vm10, vm3  }
0x375: {  	vm4 =	vmand vm5, vm4;
	vm5 =	vlt.f32 v25, v11;
	vm9 =	vmor vm15, vm2  }
0x376: {  	vm5 =	vmand vm6, vm5;
	vm6 =	vlt.f32 v20, v12;
	vm9 =	vmor vm9, vm4  }
0x377: {  	vm6 =	vmand vm7, vm6;
	vm7 =	vlt.f32 v63, v13;
	vm9 =	vmor vm9, vm5  }
0x378: {  	vm7 =	vmand vm8, vm7;
	vm8 =	vmor vm9, vm6  }
0x379: {  	vm8 =	vmor vm8, vm7  }
0x37a: {  	v20 =	vsel vm8, $0x3F800000, v0  }
0x37b: {  	(xrf0) =	vmax.scan.msk.f32 $0xffff, v20;
	_ =	sdelay $0x5  }
0x37c: {  	v20, _, _ =	vpop (xrf0)  }
0x37d: {  	(v2sf) =	vpush v20, $0xF;
	_ =	sdelay $0xe  }
0x37e: {  	s31 =	spop (v2sf)  }
0x37f: {  	p1 =	sgt.f32 s31, $0.0e+00  }
.Ltmp31:
0x380: {  	_ = 	snop;
	(pc) =	sbr.rel @!p1 .LBB2_39-.Ltmp31, $1  }
0x381: {  	_ =	sdelay $0x3  }
.LBB2_38:
0x382: {  	v20 =	vld.idx.msk [tilespmem:v4+s18+$0x0], $0xffff;
	_ =	sdelay $0x4  }
0x383: {  	vm8 =	vgt.f32 v5, v20  }
0x384: {  	vm1 =	vmand vm1, vm8;
	_ =	sdelay $0x5  }
0x385: {  	[tilespmem:v4+s18+$0x0] =	vst.idx.msk vm1, v5  }
0x386: {  	v20 =	vld.idx.msk [tilespmem:v10+s18+$0x0], $0xffff;
	_ =	sdelay $0x4  }
0x387: {  	vm8 =	vgt.f32 v6, v20  }
0x388: {  	vm0 =	vmand vm0, vm8;
	_ =	sdelay $0x5  }
0x389: {  	[tilespmem:v10+s18+$0x0] =	vst.idx.msk vm0, v6  }
0x38a: {  	v20 =	vld.idx.msk [tilespmem:v14+s18+$0x0], $0xffff;
	_ =	sdelay $0x4  }
0x38b: {  	vm8 =	vgt.f32 v7, v20  }
0x38c: {  	vm3 =	vmand vm3, vm8;
	_ =	sdelay $0x5  }
0x38d: {  	[tilespmem:v14+s18+$0x0] =	vst.idx.msk vm3, v7  }
0x38e: {  	v20 =	vld.idx.msk [tilespmem:v15+s18+$0x0], $0xffff;
	_ =	sdelay $0x4  }
0x38f: {  	vm8 =	vgt.f32 v8, v20  }
0x390: {  	vm2 =	vmand vm2, vm8;
	_ =	sdelay $0x5  }
0x391: {  	[tilespmem:v15+s18+$0x0] =	vst.idx.msk vm2, v8  }
0x392: {  	v20 =	vld.idx.msk [tilespmem:v16+s18+$0x0], $0xffff;
	_ =	sdelay $0x4  }
0x393: {  	vm8 =	vgt.f32 v9, v20  }
0x394: {  	vm4 =	vmand vm4, vm8;
	_ =	sdelay $0x5  }
0x395: {  	[tilespmem:v16+s18+$0x0] =	vst.idx.msk vm4, v9  }
0x396: {  	v20 =	vld.idx.msk [tilespmem:v17+s18+$0x0], $0xffff;
	_ =	sdelay $0x4  }
0x397: {  	vm8 =	vgt.f32 v11, v20  }
0x398: {  	vm5 =	vmand vm5, vm8;
	_ =	sdelay $0x5  }
0x399: {  	[tilespmem:v17+s18+$0x0] =	vst.idx.msk vm5, v11  }
0x39a: {  	v20 =	vld.idx.msk [tilespmem:v18+s18+$0x0], $0xffff;
	_ =	sdelay $0x4  }
0x39b: {  	vm8 =	vgt.f32 v12, v20  }
0x39c: {  	vm6 =	vmand vm6, vm8;
	_ =	sdelay $0x5  }
0x39d: {  	[tilespmem:v18+s18+$0x0] =	vst.idx.msk vm6, v12  }
0x39e: {  	v20 =	vld.idx.msk [tilespmem:v19+s18+$0x0], $0xffff;
	_ =	sdelay $0x4  }
0x39f: {  	vm8 =	vgt.f32 v13, v20  }
0x3a0: {  	vm7 =	vmand vm7, vm8;
	_ =	sdelay $0x5  }
0x3a1: {  	[tilespmem:v19+s18+$0x0] =	vst.idx.msk vm7, v13  }
0x3a2: {  	v20 =	vld.idx.msk [tilespmem:v4+s18+$0x0], $0xffff  }
0x3a3: {  	v21 =	vld.idx.msk [tilespmem:v10+s18+$0x0], $0xffff  }
0x3a4: {  	v22 =	vld.idx.msk [tilespmem:v14+s18+$0x0], $0xffff  }
0x3a5: {  	v23 =	vld.idx.msk [tilespmem:v15+s18+$0x0], $0xffff  }
0x3a6: {  	v24 =	vld.idx.msk [tilespmem:v16+s18+$0x0], $0xffff  }
0x3a7: {  	v25 =	vld.idx.msk [tilespmem:v17+s18+$0x0], $0xffff  }
0x3a8: {  	vm8 =	vlt.f32 v20, v5;
	vm9 =	vlt.f32 v21, v6;
	v20 =	vld.idx.msk [tilespmem:v18+s18+$0x0], $0xffff  }
0x3a9: {  	v63 =	vld.idx.msk [tilespmem:v19+s18+$0x0], $0xffff;
	vm1 =	vmand vm1, vm8;
	vm0 =	vmand vm0, vm9;
	vm8 =	vlt.f32 v22, v7  }
0x3aa: {  	vm15 =	vlt.f32 v23, v8;
	vm3 =	vmand vm3, vm8;
	vm8 =	vmor vm1, vm0  }
0x3ab: {  	vm12 =	vlt.f32 v24, v9;
	vm2 =	vmand vm2, vm15;
	vm8 =	vmor vm8, vm3  }
0x3ac: {  	vm13 =	vlt.f32 v25, v11;
	vm4 =	vmand vm4, vm12;
	vm8 =	vmor vm8, vm2  }
0x3ad: {  	vm5 =	vmand vm5, vm13;
	vm14 =	vlt.f32 v20, v12;
	vm8 =	vmor vm8, vm4  }
0x3ae: {  	vm15 =	vlt.f32 v63, v13;
	vm6 =	vmand vm6, vm14;
	vm8 =	vmor vm8, vm5  }
0x3af: {  	vm7 =	vmand vm7, vm15;
	vm8 =	vmor vm8, vm6  }
0x3b0: {  	vm8 =	vmor vm8, vm7  }
0x3b1: {  	v20 =	vsel vm8, $0x3F800000, v0  }
0x3b2: {  	(xrf0) =	vmax.scan.msk.f32 $0xffff, v20;
	_ =	sdelay $0x5  }
0x3b3: {  	v20, _, _ =	vpop (xrf0)  }
0x3b4: {  	(v2sf) =	vpush v20, $0xF;
	_ =	sdelay $0xe  }
0x3b5: {  	s26 =	spop (v2sf)  }
0x3b6: {  	p1 =	sgt.f32 s26, $0.0e+00  }
.Ltmp32:
0x3b7: {  	_ = 	snop;
	(pc) =	sbr.rel @p1 .LBB2_38-.Ltmp32, $1  }
0x3b8: {  	_ =	sdelay $0x3  }
.Ltmp33:
0x3b9: {  	_ = 	snop;
	(pc) =	sbr.rel .LBB2_39-.Ltmp33, $1  }
0x3ba: {  	_ =	sdelay $0x3  }
.LBB2_40:
0x3bb: {  	p1 =	seq.s32 s23, $0x3E  }
0x3bc: {  	s24 =	sadd.s32 @!p1 $0x2, s24  }
0x3bd: {  	s25 =	sshrl.u32 @!p1 s24, $0x3  }
0x3be: {  	s24 =	sshll.u32 @!p1 s24, $0x7;
	s25 =	smul.u32 @!p1 $0xA000, s25  }
.Ltmp34:
0x3bf: {  	s24 =	sand.u32 @!p1 $0x300, s24;
	(pc) =	sbr.rel @p0 .LBB2_48-.Ltmp34, $4  }
0x3c0: {  	s24 =	sor.u32 @!p1 s24, s25  }
0x3c1: {  	s26 =	simm.s32 @!p1 $0x400;
	s24 =	sshrl.u32 @!p1 s24, $0x3  }
0x3c2: {  	s28 =	simm.s32 @!p1 $0x1D600;
	s25 =	simm.s32 @!p1 $0x80;
	s24 =	sadd.s32 @!p1 s4, s24  }
0x3c3: {  	[tilespmem:s28], [sflag:$0x1] =	stream.strided.gather @!p1 [hbm4b:s24+s25], $0x1400, s26, s25, $0x200038;
	[tilespmem:$0x1FE00] =	vst v63  }
0x3c4: {  	_ =	swait.ge [sflag:s20], $0x1400  }
0x3c5: {  	[sflag:s20] =	ssyncset.done $0x0  }
0x3c6: {  	s25 =	simm.s32 $0x1EA00;
	[sflag:s20] =	ssyncadd.s32 $0xFFFFEC00  }
0x3c7: {  	v6 =	vld [tilespmem:s25+$0x0];
	_ =	sdelay $0x4  }
0x3c8: {  	vm0 =	vlt.s32 v6, $0x1388  }
0x3c9: {  	v3 =	vsel vm0, $0x1, v1  }
0x3ca: {  	(xrf0) =	vadd.scan.msk.s32 $0xffff, v3;
	_ =	sdelay $0x5  }
0x3cb: {  	v3 =	vimm.s32 $0x0;
	v4, _, _ =	vpop (xrf0)  }
0x3cc: {  	v4 =	vadd.s32 v4, v3  }
0x3cd: {  	v4 =	vadd.s32 $0xFFFFFFFF, v4  }
0x3ce: {  	s24 =	simm.s32 $0x0;
	v5 =	vmpcnt.ones.xlane vm0;
	v7 =	vnsel vm0, $0x0, v4  }
0x3cf: {  	s26 =	sand.u32 $0xFF0, s24  }
0x3d0: {  	v3 =	vadd.s32 v3, v5;
	v4 =	vld [tilespmem:s26+$0x1F400];
	v5 =	vadd.s32 $0xA00, v7;
	_ =	sdelay $0x2  }
0x3d1: {  	s26 =	simm.s32 $0x10;
	[tilespmem:v7+s21+$0x0] =	vst.idx.msk vm0, v6  }
.LBB2_42:
0x3d2: {  	p0 =	sne.s32 s26, $0x9F0  }
0x3d3: {  	[tilespmem:v5+s21+$0x0] =	vst.idx.msk vm0, v4;
	s25 =	sadd.s32 $0x10, s25;
	v4 =	vmov v3;
	s28 =	smov.u32 s26;
	s26 =	sadd.s32 $0x10, s26  }
0x3d4: {  	v6 =	vld [tilespmem:s25+$0x0];
	_ =	sdelay $0x4  }
0x3d5: {  	vm0 =	vlt.s32 v6, $0x1388  }
0x3d6: {  	v5 =	vsel vm0, $0x1, v1;
	v7 =	vmpcnt.ones.xlane vm0  }
0x3d7: {  	(xrf0) =	vadd.scan.msk.s32 $0xffff, v5  }
0x3d8: {  	v3 =	vadd.s32 v3, v7;
	_ =	sdelay $0x4  }
0x3d9: {  	v5, _, _ =	vpop (xrf0)  }
0x3da: {  	v4 =	vadd.s32 v5, v4  }
0x3db: {  	v4 =	vadd.s32 $0xFFFFFFFF, v4  }
0x3dc: {  	s28 =	sand.u32 $0xFF0, s28;
	v7 =	vnsel vm0, $0x0, v4  }
.Ltmp35:
0x3dd: {  	v4 =	vld [tilespmem:s28+$0x1F400];
	v5 =	vadd.s32 $0xA00, v7;
	(pc) =	sbr.rel @p0 .LBB2_42-.Ltmp35, $2  }
0x3de: {  	_ =	sdelay $0x2  }
0x3df: {  	[tilespmem:v7+s21+$0x0] =	vst.idx.msk vm0, v6  }
0x3e0: {  	_ = 	snop  }
.Ltmp36:
0x3e1: {  	_ = 	snop;
	(pc) =	sbr.rel .LBB2_44-.Ltmp36, $2  }
0x3e2: {  	_ =	sdelay $0x2  }
0x3e3: {  	[tilespmem:v5+s21+$0x0] =	vst.idx.msk vm0, v4  }
.LBB2_47:
0x3e4: {  	s24 =	sadd.s32 $0x1, s24  }
.LBB2_44:
0x3e5: {  	s25 =	sshll.u32 s24, $0x5  }
0x3e6: {  	v4 =	vmov s25  }
0x3e7: {  	vm0 =	vlt.s32 v4, v3  }
0x3e8: {  	v5 =	vsel vm0, $0x3F800000, v0  }
0x3e9: {  	(xrf0) =	vmax.scan.msk.f32 $0xffff, v5;
	_ =	sdelay $0x5  }
0x3ea: {  	v5, _, _ =	vpop (xrf0)  }
0x3eb: {  	(v2sf) =	vpush v5, $0xF;
	_ =	sdelay $0xe  }
0x3ec: {  	s26 =	spop (v2sf)  }
0x3ed: {  	p0 =	sgt.f32 s26, $0.0e+00  }
.Ltmp37:
0x3ee: {  	_ = 	snop;
	(pc) =	sbr.rel @!p0 .LBB2_48-.Ltmp37, $1  }
0x3ef: {  	_ =	sdelay $0x3  }
0x3f0: {  	v5 =	vld [tilespmem:s25+$0x1EA00];
	s26 =	sand.u32 $0xFFFFFFE0, s25  }
0x3f1: {  	v6 =	vld [tilespmem:s26+$0x1F400];
	_ =	sdelay $0x3  }
0x3f2: {  	v4 =	vor.u32 v2, v4  }
0x3f3: {  	vm1 =	vlt.s32 v4, v3;
	v4 =	vshll.u32 v5, $0x2;
	v6 =	vshll.u32 v6, $0x2  }
0x3f4: {  	v4 =	vnsel vm1, $0x0, v4;
	_ =	sdelay $0x2  }
0x3f5: {  	v7 =	vld [tilespmem:s25+$0x1F410]  }
0x3f6: {  	v5 =	vld.idx.msk [tilespmem:v6+s2+$0x0], $0xffff  }
0x3f7: {  	v10 =	vld.idx.msk [tilespmem:v4+s18+$0x0], $0xffff  }
0x3f8: {  	v8 =	vor.u32 $0x1, v6  }
0x3f9: {  	v9 =	vor.u32 $0x2, v6  }
0x3fa: {  	v11 =	vor.u32 $0x3, v6  }
0x3fb: {  	v12 =	vshll.u32 v7, $0x2  }
0x3fc: {  	v16 =	vld [tilespmem:s25+$0x1EA10];
	v13 =	vor.u32 $0x1, v12;
	vm0 =	vgt.f32 v5, v10  }
0x3fd: {  	v14 =	vor.u32 $0x2, v12;
	v6 =	vld.idx.msk [tilespmem:v8+s2+$0x0], $0xffff;
	vm0 =	vmand vm1, vm0  }
0x3fe: {  	v15 =	vor.u32 $0x3, v12;
	v7 =	vld.idx.msk [tilespmem:v9+s2+$0x0], $0xffff  }
0x3ff: {  	v8 =	vld.idx.msk [tilespmem:v11+s2+$0x0], $0xffff;
	v10 =	vor.u32 $0x1, v4  }
0x400: {  	v9 =	vld.idx.msk [tilespmem:v12+s2+$0x0], $0xffff  }
0x401: {  	v11 =	vld.idx.msk [tilespmem:v13+s2+$0x0], $0xffff  }
0x402: {  	v12 =	vld.idx.msk [tilespmem:v14+s2+$0x0], $0xffff  }
0x403: {  	v13 =	vld.idx.msk [tilespmem:v15+s2+$0x0], $0xffff;
	[tilespmem:v4+s18+$0x0] =	vst.idx.msk vm0, v5  }
0x404: {  	v14 =	vld.idx.msk [tilespmem:v10+s18+$0x0], $0xffff;
	_ =	sdelay $0x4  }
0x405: {  	vm2 =	vgt.f32 v6, v14  }
0x406: {  	vm2 =	vmand vm1, vm2;
	_ =	sdelay $0x1  }
0x407: {  	v14 =	vor.u32 $0x2, v4;
	_ =	sdelay $0x3  }
0x408: {  	[tilespmem:v10+s18+$0x0] =	vst.idx.msk vm2, v6  }
0x409: {  	v15 =	vld.idx.msk [tilespmem:v14+s18+$0x0], $0xffff;
	_ =	sdelay $0x4  }
0x40a: {  	vm3 =	vgt.f32 v7, v15  }
0x40b: {  	vm3 =	vmand vm1, vm3;
	_ =	sdelay $0x1  }
0x40c: {  	v15 =	vor.u32 $0x3, v4;
	_ =	sdelay $0x3  }
0x40d: {  	[tilespmem:v14+s18+$0x0] =	vst.idx.msk vm3, v7  }
0x40e: {  	v17 =	vld.idx.msk [tilespmem:v15+s18+$0x0], $0xffff;
	_ =	sdelay $0x4  }
0x40f: {  	s30 =	sor.u32 $0x10, s25;
	vm4 =	vgt.f32 v8, v17  }
0x410: {  	v17 =	vor.u32 s30, v2;
	vm4 =	vmand vm1, vm4  }
0x411: {  	v16 =	vshll.u32 v16, $0x2;
	vm1 =	vlt.s32 v17, v3  }
0x412: {  	v16 =	vnsel vm1, $0x0, v16;
	_ =	sdelay $0x3  }
0x413: {  	[tilespmem:v15+s18+$0x0] =	vst.idx.msk vm4, v8  }
0x414: {  	v17 =	vld.idx.msk [tilespmem:v16+s18+$0x0], $0xffff;
	_ =	sdelay $0x4  }
0x415: {  	vm5 =	vgt.f32 v9, v17  }
0x416: {  	vm5 =	vmand vm1, vm5;
	_ =	sdelay $0x1  }
0x417: {  	v17 =	vor.u32 $0x1, v16;
	_ =	sdelay $0x3  }
0x418: {  	[tilespmem:v16+s18+$0x0] =	vst.idx.msk vm5, v9  }
0x419: {  	v18 =	vld.idx.msk [tilespmem:v17+s18+$0x0], $0xffff;
	_ =	sdelay $0x4  }
0x41a: {  	vm6 =	vgt.f32 v11, v18  }
0x41b: {  	vm6 =	vmand vm1, vm6;
	_ =	sdelay $0x1  }
0x41c: {  	v18 =	vor.u32 $0x2, v16;
	_ =	sdelay $0x3  }
0x41d: {  	[tilespmem:v17+s18+$0x0] =	vst.idx.msk vm6, v11  }
0x41e: {  	v19 =	vld.idx.msk [tilespmem:v18+s18+$0x0], $0xffff;
	_ =	sdelay $0x4  }
0x41f: {  	vm7 =	vgt.f32 v12, v19  }
0x420: {  	vm7 =	vmand vm1, vm7;
	_ =	sdelay $0x1  }
0x421: {  	v19 =	vor.u32 $0x3, v16;
	_ =	sdelay $0x3  }
0x422: {  	[tilespmem:v18+s18+$0x0] =	vst.idx.msk vm7, v12  }
0x423: {  	v20 =	vld.idx.msk [tilespmem:v19+s18+$0x0], $0xffff;
	_ =	sdelay $0x4  }
0x424: {  	vm8 =	vgt.f32 v13, v20  }
0x425: {  	vm8 =	vmand vm1, vm8;
	_ =	sdelay $0x5  }
0x426: {  	[tilespmem:v19+s18+$0x0] =	vst.idx.msk vm8, v13  }
0x427: {  	v20 =	vld.idx.msk [tilespmem:v4+s18+$0x0], $0xffff  }
0x428: {  	v21 =	vld.idx.msk [tilespmem:v10+s18+$0x0], $0xffff  }
0x429: {  	v22 =	vld.idx.msk [tilespmem:v14+s18+$0x0], $0xffff  }
0x42a: {  	v23 =	vld.idx.msk [tilespmem:v15+s18+$0x0], $0xffff  }
0x42b: {  	v24 =	vld.idx.msk [tilespmem:v16+s18+$0x0], $0xffff  }
0x42c: {  	v25 =	vld.idx.msk [tilespmem:v17+s18+$0x0], $0xffff  }
0x42d: {  	vm1 =	vlt.f32 v20, v5;
	vm9 =	vlt.f32 v21, v6;
	v20 =	vld.idx.msk [tilespmem:v18+s18+$0x0], $0xffff  }
0x42e: {  	v63 =	vld.idx.msk [tilespmem:v19+s18+$0x0], $0xffff;
	vm1 =	vmand vm0, vm1;
	vm0 =	vmand vm2, vm9;
	vm2 =	vlt.f32 v22, v7  }
0x42f: {  	vm14 =	vlt.f32 v23, v8;
	vm3 =	vmand vm3, vm2;
	vm10 =	vmor vm1, vm0  }
0x430: {  	vm2 =	vmand vm4, vm14;
	vm4 =	vlt.f32 v24, v9;
	vm15 =	vmor vm10, vm3  }
0x431: {  	vm4 =	vmand vm5, vm4;
	vm5 =	vlt.f32 v25, v11;
	vm9 =	vmor vm15, vm2  }
0x432: {  	vm5 =	vmand vm6, vm5;
	vm6 =	vlt.f32 v20, v12;
	vm9 =	vmor vm9, vm4  }
0x433: {  	vm6 =	vmand vm7, vm6;
	vm7 =	vlt.f32 v63, v13;
	vm9 =	vmor vm9, vm5  }
0x434: {  	vm7 =	vmand vm8, vm7;
	vm8 =	vmor vm9, vm6  }
0x435: {  	vm8 =	vmor vm8, vm7  }
0x436: {  	v20 =	vsel vm8, $0x3F800000, v0  }
0x437: {  	(xrf0) =	vmax.scan.msk.f32 $0xffff, v20;
	_ =	sdelay $0x5  }
0x438: {  	v20, _, _ =	vpop (xrf0)  }
0x439: {  	(v2sf) =	vpush v20, $0xF;
	_ =	sdelay $0xe  }
0x43a: {  	s31 =	spop (v2sf)  }
0x43b: {  	p0 =	sgt.f32 s31, $0.0e+00  }
.Ltmp38:
0x43c: {  	_ = 	snop;
	(pc) =	sbr.rel @!p0 .LBB2_47-.Ltmp38, $1  }
0x43d: {  	_ =	sdelay $0x3  }
.LBB2_46:
0x43e: {  	v20 =	vld.idx.msk [tilespmem:v4+s18+$0x0], $0xffff;
	_ =	sdelay $0x4  }
0x43f: {  	vm8 =	vgt.f32 v5, v20  }
0x440: {  	vm1 =	vmand vm1, vm8;
	_ =	sdelay $0x5  }
0x441: {  	[tilespmem:v4+s18+$0x0] =	vst.idx.msk vm1, v5  }
0x442: {  	v20 =	vld.idx.msk [tilespmem:v10+s18+$0x0], $0xffff;
	_ =	sdelay $0x4  }
0x443: {  	vm8 =	vgt.f32 v6, v20  }
0x444: {  	vm0 =	vmand vm0, vm8;
	_ =	sdelay $0x5  }
0x445: {  	[tilespmem:v10+s18+$0x0] =	vst.idx.msk vm0, v6  }
0x446: {  	v20 =	vld.idx.msk [tilespmem:v14+s18+$0x0], $0xffff;
	_ =	sdelay $0x4  }
0x447: {  	vm8 =	vgt.f32 v7, v20  }
0x448: {  	vm3 =	vmand vm3, vm8;
	_ =	sdelay $0x5  }
0x449: {  	[tilespmem:v14+s18+$0x0] =	vst.idx.msk vm3, v7  }
0x44a: {  	v20 =	vld.idx.msk [tilespmem:v15+s18+$0x0], $0xffff;
	_ =	sdelay $0x4  }
0x44b: {  	vm8 =	vgt.f32 v8, v20  }
0x44c: {  	vm2 =	vmand vm2, vm8;
	_ =	sdelay $0x5  }
0x44d: {  	[tilespmem:v15+s18+$0x0] =	vst.idx.msk vm2, v8  }
0x44e: {  	v20 =	vld.idx.msk [tilespmem:v16+s18+$0x0], $0xffff;
	_ =	sdelay $0x4  }
0x44f: {  	vm8 =	vgt.f32 v9, v20  }
0x450: {  	vm4 =	vmand vm4, vm8;
	_ =	sdelay $0x5  }
0x451: {  	[tilespmem:v16+s18+$0x0] =	vst.idx.msk vm4, v9  }
0x452: {  	v20 =	vld.idx.msk [tilespmem:v17+s18+$0x0], $0xffff;
	_ =	sdelay $0x4  }
0x453: {  	vm8 =	vgt.f32 v11, v20  }
0x454: {  	vm5 =	vmand vm5, vm8;
	_ =	sdelay $0x5  }
0x455: {  	[tilespmem:v17+s18+$0x0] =	vst.idx.msk vm5, v11  }
0x456: {  	v20 =	vld.idx.msk [tilespmem:v18+s18+$0x0], $0xffff;
	_ =	sdelay $0x4  }
0x457: {  	vm8 =	vgt.f32 v12, v20  }
0x458: {  	vm6 =	vmand vm6, vm8;
	_ =	sdelay $0x5  }
0x459: {  	[tilespmem:v18+s18+$0x0] =	vst.idx.msk vm6, v12  }
0x45a: {  	v20 =	vld.idx.msk [tilespmem:v19+s18+$0x0], $0xffff;
	_ =	sdelay $0x4  }
0x45b: {  	vm8 =	vgt.f32 v13, v20  }
0x45c: {  	vm7 =	vmand vm7, vm8;
	_ =	sdelay $0x5  }
0x45d: {  	[tilespmem:v19+s18+$0x0] =	vst.idx.msk vm7, v13  }
0x45e: {  	v20 =	vld.idx.msk [tilespmem:v4+s18+$0x0], $0xffff  }
0x45f: {  	v21 =	vld.idx.msk [tilespmem:v10+s18+$0x0], $0xffff  }
0x460: {  	v22 =	vld.idx.msk [tilespmem:v14+s18+$0x0], $0xffff  }
0x461: {  	v23 =	vld.idx.msk [tilespmem:v15+s18+$0x0], $0xffff  }
0x462: {  	v24 =	vld.idx.msk [tilespmem:v16+s18+$0x0], $0xffff  }
0x463: {  	v25 =	vld.idx.msk [tilespmem:v17+s18+$0x0], $0xffff  }
0x464: {  	vm8 =	vlt.f32 v20, v5;
	vm9 =	vlt.f32 v21, v6;
	v20 =	vld.idx.msk [tilespmem:v18+s18+$0x0], $0xffff  }
0x465: {  	v63 =	vld.idx.msk [tilespmem:v19+s18+$0x0], $0xffff;
	vm1 =	vmand vm1, vm8;
	vm0 =	vmand vm0, vm9;
	vm8 =	vlt.f32 v22, v7  }
0x466: {  	vm15 =	vlt.f32 v23, v8;
	vm3 =	vmand vm3, vm8;
	vm8 =	vmor vm1, vm0  }
0x467: {  	vm12 =	vlt.f32 v24, v9;
	vm2 =	vmand vm2, vm15;
	vm8 =	vmor vm8, vm3  }
0x468: {  	vm13 =	vlt.f32 v25, v11;
	vm4 =	vmand vm4, vm12;
	vm8 =	vmor vm8, vm2  }
0x469: {  	vm5 =	vmand vm5, vm13;
	vm14 =	vlt.f32 v20, v12;
	vm8 =	vmor vm8, vm4  }
0x46a: {  	vm15 =	vlt.f32 v63, v13;
	vm6 =	vmand vm6, vm14;
	vm8 =	vmor vm8, vm5  }
0x46b: {  	vm7 =	vmand vm7, vm15;
	vm8 =	vmor vm8, vm6  }
0x46c: {  	vm8 =	vmor vm8, vm7  }
0x46d: {  	v20 =	vsel vm8, $0x3F800000, v0  }
0x46e: {  	(xrf0) =	vmax.scan.msk.f32 $0xffff, v20;
	_ =	sdelay $0x5  }
0x46f: {  	v20, _, _ =	vpop (xrf0)  }
0x470: {  	(v2sf) =	vpush v20, $0xF;
	_ =	sdelay $0xe  }
0x471: {  	s25 =	spop (v2sf)  }
0x472: {  	p0 =	sgt.f32 s25, $0.0e+00  }
.Ltmp39:
0x473: {  	_ = 	snop;
	(pc) =	sbr.rel @p0 .LBB2_46-.Ltmp39, $1  }
0x474: {  	_ =	sdelay $0x3  }
.Ltmp40:
0x475: {  	_ = 	snop;
	(pc) =	sbr.rel .LBB2_47-.Ltmp40, $1  }
0x476: {  	_ =	sdelay $0x3  }
.LBB2_50:
0x477: {  	_ =	sfence.sel $0x180000  }
0x478: {  	[bflag:$0x0] =	sbarrier.arrive $0xFFFF  }
0x479: {  	p0 =	sne.s32 s0, $0x0;
	_ =	strace $0x90000047  }
0x47a: {  	s0 =	sadd.s32 @!p0 $0x100000, s1;
	[bflag:$0x2] =	sbarrier.arrive $0xFFFF  }
0x47b: {  	[sflag:s0] =	ssyncadd.tile.s32 @!p0 $0x1;
	_ =	shalt  }
.Lfunc_end2:
_tile_overlayer_lowered:
.L_overlay_start_2:
0x47c: {  	(tag) =	ssettag $0x2  }
0x47d: {  	s0 =	rddreg [dreg:$0x0];
	s2 =	stileid.u32  }
0x47e: {  	s1 =	rddreg [dreg:$0x1];
	p0 =	sne.s32 s2, $0x0  }
0x47f: {  	s3 =	rddreg [dreg:$0x2];
	[bflag:$0x3] =	sbarrier.arrive $0xFFFF;
	s2 =	simm.s32 @!p0 $0x1C03  }
0x480: {  	[timem:s3], [sflag:s2] =	dma.local @!p0 [hbm:s0], s1  }
0x481: {  	s0 =	simm.s32 @!p0 $0x3  }
0x482: {  	_ =	swait.ge @!p0 [sflag:s0], s1  }
0x483: {  	s1 =	ssub.s32 @!p0 $0x0, s1;
	[sflag:s0] =	ssyncset.done @!p0 $0x0  }
0x484: {  	[sflag:s0] =	ssyncadd.s32 @!p0 s1  }
0x485: {  	[bflag:$0x3] =	sbarrier.arrive $0xFFFF  }
0x486: {  	_ =	shalt  }

</sc_bundles>
